<compile_context>
chip_gen: v7x
topology: tpu7x:2x2x1
jax: 0.10.2.dev20260603
libtpu: 0.0.44.dev20260713+nightly
codegen_flags: <defaults>
</compile_context>

<pallas_src>
import functools

import numpy as np
import jax
import jax.numpy as jnp
from jax import lax
from jax.experimental import pallas as pl
from jax.experimental.pallas import tpu as pltpu
from jax.experimental.pallas import tpu_sc as plsc

_TUPLE = 4
_NIN = 4096
_ENT = 16
_BATCH = 1024
_L = 16
_NW = 32
_RPW = _BATCH // _NW
_VPR = _NIN // _L
_CHUNK = 8
_NCHUNK = _RPW // _CHUNK
_UNROLL = 16

_GATHER_DNUMS = lax.GatherDimensionNumbers(
    offset_dims=(), collapsed_slice_dims=(0,), start_index_map=(0,))


def _lane_shuffle(v, idx_const):
    return lax.gather(v, idx_const[:, None],
                      dimension_numbers=_GATHER_DNUMS, slice_sizes=(1,),
                      mode=lax.GatherScatterMode.PROMISE_IN_BOUNDS)


def _body(x_hbm, w_hbm, out_hbm, xbuf0, xbuf1, wbuf, histf, resbuf,
          outbuf, sem0, sem1):
    nc = 2
    wid = lax.axis_index("s") * nc + lax.axis_index("c")
    base = wid * _RPW

    lane_iota = lax.iota(jnp.int32, _L)
    pat16 = (jnp.int32(_L) << (lane_iota & 3)).astype(jnp.float32)
    rot1 = (lane_iota + 1) & (_L - 1)
    rot2 = (lane_iota + 2) & (_L - 1)

    pltpu.sync_copy(w_hbm.at[pl.ds(base, _RPW)], wbuf)

    xbufs = [xbuf0, xbuf1]
    sems = [sem0, sem1]
    copies = [None, None]
    copies[0] = pltpu.async_copy(
        x_hbm.at[pl.ds(base, _CHUNK)], xbufs[0], sems[0])

    for ch in range(_NCHUNK):
        slot = ch % 2
        if ch + 1 < _NCHUNK:
            nslot = (ch + 1) % 2
            copies[nslot] = pltpu.async_copy(
                x_hbm.at[pl.ds(base + (ch + 1) * _CHUNK, _CHUNK)],
                xbufs[nslot], sems[nslot])
        copies[slot].wait()
        xb = xbufs[slot]

        @plsc.parallel_loop(0, _CHUNK)
        def row_step(r):
            zero = jnp.zeros((_L,), jnp.float32)
            ones = zero + 1.0
            hbase = r * (_ENT * _L) + lane_iota

            for v in range(_ENT):
                histf[pl.ds(r * (_ENT * _L) + v * _L, _L)] = zero

            @plsc.parallel_loop(0, _VPR, unroll=_UNROLL)
            def scat(i):
                v = xb[r, pl.ds(i * _L, _L)]
                t = v * pat16
                s = t + _lane_shuffle(t, rot1)
                s = s + _lane_shuffle(s, rot2)
                plsc.addupdate_scatter(histf, [hbase + s.astype(jnp.int32)],
                                       ones)

            wv = wbuf[ch * _CHUNK + r, :]
            acc = zero
            for v in range(_ENT):
                cnt = histf[pl.ds(r * (_ENT * _L) + v * _L, _L)]
                acc = acc + cnt * _lane_shuffle(wv, jnp.broadcast_to(v, (_L,)))
            resbuf[ch * _CHUNK + r, :] = acc

    for h in range(_RPW // _L):
        rows = lane_iota + h * _L
        tot = jnp.zeros((_L,), jnp.float32)
        for c in range(0, _L, _TUPLE):
            col = jnp.full((_L,), c, jnp.int32)
            tot = tot + plsc.load_gather(resbuf, [rows, col])
        outbuf[pl.ds(h * _L, _L)] = tot

    pltpu.sync_copy(outbuf, out_hbm.at[pl.ds(base, _RPW)])


@jax.jit
def kernel(x, lut_weights):
    mesh = plsc.VectorSubcoreMesh(core_axis_name="c", subcore_axis_name="s")
    run = pl.kernel(
        _body,
        out_type=jax.ShapeDtypeStruct((_BATCH,), jnp.float32),
        mesh=mesh,
        compiler_params=pltpu.CompilerParams(needs_layout_passes=False),
        scratch_types=[
            pltpu.VMEM((_CHUNK, _NIN), jnp.float32),
            pltpu.VMEM((_CHUNK, _NIN), jnp.float32),
            pltpu.VMEM((_RPW, _ENT), jnp.float32),
            pltpu.VMEM((_CHUNK * _ENT * _L,), jnp.float32),
            pltpu.VMEM((_RPW, _ENT), jnp.float32),
            pltpu.VMEM((_RPW,), jnp.float32),
            pltpu.SemaphoreType.DMA,
            pltpu.SemaphoreType.DMA,
        ],
    )
    return run(x, lut_weights)

# --- scband reference (transcript-rebuilt; emitter-appended) ---
"""Pipeline reference for scband-efdlut-55198919688676 (READ-ONLY COPY).

The authoritative reference and input builder live on the scoring server;
editing this copy changes nothing except your own understanding.
"""

import jax, jax.numpy as jnp
import numpy as np

TUPLE_SIZE = 4
NUM_INPUTS = 4096
NUM_LUTS = NUM_INPUTS // TUPLE_SIZE
LUT_ENTRIES = 1 << TUPLE_SIZE
BATCH = 1024


def setup_inputs(seed: int = 0) -> dict:
    key = jax.random.key(seed)
    k1, k2 = jax.random.split(key)
    x = jax.random.randint(k1, (BATCH, NUM_INPUTS), 0, 2).astype(jnp.float32)
    lut_weights = jax.random.uniform(k2, (NUM_LUTS, LUT_ENTRIES), minval=-0.1, maxval=0.1, dtype=jnp.float32)
    return {"x": x, "lut_weights": lut_weights}


def reference(x, lut_weights):
    batch = x.shape[0]
    powers = (2 ** jnp.arange(TUPLE_SIZE)).astype(x.dtype)
    inputs_reshaped = x.reshape(batch, NUM_LUTS, TUPLE_SIZE)
    address_indices = (inputs_reshaped * powers).sum(axis=-1).astype(jnp.int32)
    # Faithful to torch.gather(1, idx) on [NUM_LUTS, LUT_ENTRIES] with idx [batch, NUM_LUTS]:
    # out[b, l] = lut_weights[b, idx[b, l]]  (requires batch <= NUM_LUTS)
    rows = jnp.arange(batch)[:, None]
    output = lut_weights[rows, address_indices]
    return output.sum(axis=1)

if __name__ == "__main__":
    import jax
    _d = setup_inputs()
    print(jax.jit(kernel)(*tuple(_d.values())))

</pallas_src>

<mosaic_0001>
#map = affine_map<(d0, d1) -> (0, 0)>
#map1 = affine_map<(d0, d1) -> (0)>
module attributes {stable_mosaic.version = 14 : i64} {
  func.func @_body(%arg0: i32, %arg1: i32, %arg2: memref<1024x4096xf32, #tpu.memory_space<hbm>>, %arg3: memref<1024x16xf32, #tpu.memory_space<hbm>>, %arg4: memref<1024xf32, #tpu.memory_space<hbm>>, %arg5: memref<8x4096xf32, #tpu.memory_space<vmem>>, %arg6: memref<8x4096xf32, #tpu.memory_space<vmem>>, %arg7: memref<32x16xf32, #tpu.memory_space<vmem>>, %arg8: memref<2048xf32, #tpu.memory_space<vmem>>, %arg9: memref<32x16xf32, #tpu.memory_space<vmem>>, %arg10: memref<32xf32, #tpu.memory_space<vmem>>, %arg11: memref<!tpu.dma_semaphore, #tpu.memory_space<semaphore_mem>>, %arg12: memref<!tpu.dma_semaphore, #tpu.memory_space<semaphore_mem>>) attributes {dimension_semantics = [#tpu.dimension_semantics<core_parallel>, #tpu.dimension_semantics<subcore_parallel>], iteration_bounds = array<i64: 2, 16>, scalar_prefetch = 0 : i64, scratch_operands = 8 : i64, tpu.core_type = #tpu.core_type<sc_vector_subcore>, window_params = [{transform_indices = #map}, {transform_indices = #map}, {transform_indices = #map1}]} {
    %mul3A = arith.constant 2 : i32
    %mul3A_0 = arith.muli %arg1, %mul3A : i32
    %add3A = arith.addi %mul3A_0, %arg0 : i32
    %mul3A_1 = arith.constant 32 : i32
    %mul3A_2 = arith.muli %add3A, %mul3A_1 : i32
    %iota3A = tpu.iota {dimensions = array<i32: 0>} : vector<16xi32>
    %and3A = arith.constant 3 : i32
    %and3A_3 = vector.broadcast %and3A : i32 to vector<16xi32>
    %and3A_4 = arith.andi %iota3A, %and3A_3 : vector<16xi32>
    %shift_left3A = arith.constant 16 : i32
    %shift_left3A_5 = vector.broadcast %shift_left3A : i32 to vector<16xi32>
    %shift_left3A_6 = arith.shli %shift_left3A_5, %and3A_4 : vector<16xi32>
    %convert_element_type3A = arith.sitofp %shift_left3A_6 : vector<16xi32> to vector<16xf32>
    %add3A_7 = arith.constant 1 : i32
    %add3A_8 = vector.broadcast %add3A_7 : i32 to vector<16xi32>
    %add3A_9 = arith.addi %iota3A, %add3A_8 : vector<16xi32>
    %and3A_10 = arith.constant 15 : i32
    %and3A_11 = vector.broadcast %and3A_10 : i32 to vector<16xi32>
    %and3A_12 = arith.andi %add3A_9, %and3A_11 : vector<16xi32>
    %add3A_13 = arith.constant 2 : i32
    %add3A_14 = vector.broadcast %add3A_13 : i32 to vector<16xi32>
    %add3A_15 = arith.addi %iota3A, %add3A_14 : vector<16xi32>
    %and3A_16 = arith.constant 15 : i32
    %and3A_17 = vector.broadcast %and3A_16 : i32 to vector<16xi32>
    %and3A_18 = arith.andi %add3A_15, %and3A_17 : vector<16xi32>
    "tpu.region"() ({
      %run_scoped3A = tpu.sem_alloc : memref<!tpu.dma_semaphore, #tpu.memory_space<semaphore_mem>>
      %dma_start3A_109 = arith.constant 0 : i32
      %dma_start3A_110 = tpu.memref_slice %arg3[%mul3A_2, %dma_start3A_109] : memref<1024x16xf32, #tpu.memory_space<hbm>> -> memref<32x16xf32, #tpu.memory_space<hbm>>
      %dma_start3A_111 = arith.constant 0 : i32
      %dma_start3A_112 = tpu.memref_slice %arg3[%mul3A_2, %dma_start3A_111] : memref<1024x16xf32, #tpu.memory_space<hbm>> -> memref<32x16xf32, #tpu.memory_space<hbm>>
      tpu.enqueue_dma source(%dma_start3A_112 : memref<32x16xf32, #tpu.memory_space<hbm>>) target(%arg7 : memref<32x16xf32, #tpu.memory_space<vmem>>) target_semaphore(%run_scoped3A : memref<!tpu.dma_semaphore, #tpu.memory_space<semaphore_mem>>)
      %dma_wait3A_113 = arith.constant 0 : i32
      %dma_wait3A_114 = tpu.memref_slice %arg3[%mul3A_2, %dma_wait3A_113] : memref<1024x16xf32, #tpu.memory_space<hbm>> -> memref<32x16xf32, #tpu.memory_space<hbm>>
      %dma_wait3A_115 = arith.constant 0 : i32
      %dma_wait3A_116 = tpu.memref_slice %arg3[%mul3A_2, %dma_wait3A_115] : memref<1024x16xf32, #tpu.memory_space<hbm>> -> memref<32x16xf32, #tpu.memory_space<hbm>>
      tpu.wait_dma2 semaphore(%run_scoped3A : memref<!tpu.dma_semaphore, #tpu.memory_space<semaphore_mem>>) src(%dma_wait3A_116 : memref<32x16xf32, #tpu.memory_space<hbm>>) dst(%arg7 : memref<32x16xf32, #tpu.memory_space<vmem>>)
      tpu.yield
    }) : () -> ()
    %dma_start3A = arith.constant 0 : i32
    %dma_start3A_19 = tpu.memref_slice %arg2[%mul3A_2, %dma_start3A] : memref<1024x4096xf32, #tpu.memory_space<hbm>> -> memref<8x4096xf32, #tpu.memory_space<hbm>>
    %dma_start3A_20 = arith.constant 0 : i32
    %dma_start3A_21 = tpu.memref_slice %arg2[%mul3A_2, %dma_start3A_20] : memref<1024x4096xf32, #tpu.memory_space<hbm>> -> memref<8x4096xf32, #tpu.memory_space<hbm>>
    tpu.enqueue_dma source(%dma_start3A_21 : memref<8x4096xf32, #tpu.memory_space<hbm>>) target(%arg5 : memref<8x4096xf32, #tpu.memory_space<vmem>>) target_semaphore(%arg11 : memref<!tpu.dma_semaphore, #tpu.memory_space<semaphore_mem>>)
    %add3A_22 = arith.constant 8 : i32
    %add3A_23 = arith.addi %mul3A_2, %add3A_22 : i32
    %dma_start3A_24 = arith.constant 0 : i32
    %dma_start3A_25 = tpu.memref_slice %arg2[%add3A_23, %dma_start3A_24] : memref<1024x4096xf32, #tpu.memory_space<hbm>> -> memref<8x4096xf32, #tpu.memory_space<hbm>>
    %dma_start3A_26 = arith.constant 0 : i32
    %dma_start3A_27 = tpu.memref_slice %arg2[%add3A_23, %dma_start3A_26] : memref<1024x4096xf32, #tpu.memory_space<hbm>> -> memref<8x4096xf32, #tpu.memory_space<hbm>>
    tpu.enqueue_dma source(%dma_start3A_27 : memref<8x4096xf32, #tpu.memory_space<hbm>>) target(%arg6 : memref<8x4096xf32, #tpu.memory_space<vmem>>) target_semaphore(%arg12 : memref<!tpu.dma_semaphore, #tpu.memory_space<semaphore_mem>>)
    %dma_wait3A = arith.constant 0 : i32
    %dma_wait3A_28 = tpu.memref_slice %arg2[%mul3A_2, %dma_wait3A] : memref<1024x4096xf32, #tpu.memory_space<hbm>> -> memref<8x4096xf32, #tpu.memory_space<hbm>>
    %dma_wait3A_29 = arith.constant 0 : i32
    %dma_wait3A_30 = tpu.memref_slice %arg2[%mul3A_2, %dma_wait3A_29] : memref<1024x4096xf32, #tpu.memory_space<hbm>> -> memref<8x4096xf32, #tpu.memory_space<hbm>>
    tpu.wait_dma2 semaphore(%arg11 : memref<!tpu.dma_semaphore, #tpu.memory_space<semaphore_mem>>) src(%dma_wait3A_30 : memref<8x4096xf32, #tpu.memory_space<hbm>>) dst(%arg5 : memref<8x4096xf32, #tpu.memory_space<vmem>>)
    %parallel_loop3A = arith.constant 0 : i32
    %parallel_loop3A_31 = arith.constant 8 : i32
    %parallel_loop3A_32 = arith.constant 1 : i32
    scf.for %parallel_loop3A_109 = %parallel_loop3A to %parallel_loop3A_31 step %parallel_loop3A_32  : i32 {
      %parallel_loop3A_110 = arith.constant 0.000000e+00 : f32
      %parallel_loop3A_111 = vector.broadcast %parallel_loop3A_110 : f32 to vector<16xf32>
      %parallel_loop3A_112 = arith.constant 1.000000e+00 : f32
      %parallel_loop3A_113 = vector.broadcast %parallel_loop3A_112 : f32 to vector<16xf32>
      %parallel_loop3A_114 = arith.addf %parallel_loop3A_111, %parallel_loop3A_113 : vector<16xf32>
      %parallel_loop3A_115 = arith.constant 256 : i32
      %parallel_loop3A_116 = arith.muli %parallel_loop3A_109, %parallel_loop3A_115 : i32
      %parallel_loop3A_117 = vector.broadcast %parallel_loop3A_116 : i32 to vector<16xi32>
      %parallel_loop3A_118 = arith.addi %parallel_loop3A_117, %iota3A : vector<16xi32>
      %parallel_loop3A_119 = arith.constant 256 : i32
      %parallel_loop3A_120 = arith.muli %parallel_loop3A_109, %parallel_loop3A_119 : i32
      %parallel_loop3A_121 = arith.constant 0 : i32
      %parallel_loop3A_122 = arith.addi %parallel_loop3A_120, %parallel_loop3A_121 : i32
      %parallel_loop3A_123 = arith.index_cast %parallel_loop3A_122 : i32 to index
      %parallel_loop3A_124 = tpu.vector_load %arg8[%parallel_loop3A_123] {strides = array<i32>} : memref<2048xf32, #tpu.memory_space<vmem>>, vector<16xf32>,
      tpu.vector_store %arg8[%parallel_loop3A_123], %parallel_loop3A_111 {strides = array<i32>} : memref<2048xf32, #tpu.memory_space<vmem>>, vector<16xf32>,
      %parallel_loop3A_125 = arith.constant 256 : i32
      %parallel_loop3A_126 = arith.muli %parallel_loop3A_109, %parallel_loop3A_125 : i32
      %parallel_loop3A_127 = arith.constant 16 : i32
      %parallel_loop3A_128 = arith.addi %parallel_loop3A_126, %parallel_loop3A_127 : i32
      %parallel_loop3A_129 = arith.index_cast %parallel_loop3A_128 : i32 to index
      %parallel_loop3A_130 = tpu.vector_load %arg8[%parallel_loop3A_129] {strides = array<i32>} : memref<2048xf32, #tpu.memory_space<vmem>>, vector<16xf32>,
      tpu.vector_store %arg8[%parallel_loop3A_129], %parallel_loop3A_111 {strides = array<i32>} : memref<2048xf32, #tpu.memory_space<vmem>>, vector<16xf32>,
      %parallel_loop3A_131 = arith.constant 256 : i32
      %parallel_loop3A_132 = arith.muli %parallel_loop3A_109, %parallel_loop3A_131 : i32
      %parallel_loop3A_133 = arith.constant 32 : i32
      %parallel_loop3A_134 = arith.addi %parallel_loop3A_132, %parallel_loop3A_133 : i32
      %parallel_loop3A_135 = arith.index_cast %parallel_loop3A_134 : i32 to index
      %parallel_loop3A_136 = tpu.vector_load %arg8[%parallel_loop3A_135] {strides = array<i32>} : memref<2048xf32, #tpu.memory_space<vmem>>, vector<16xf32>,
      tpu.vector_store %arg8[%parallel_loop3A_135], %parallel_loop3A_111 {strides = array<i32>} : memref<2048xf32, #tpu.memory_space<vmem>>, vector<16xf32>,
      %parallel_loop3A_137 = arith.constant 256 : i32
      %parallel_loop3A_138 = arith.muli %parallel_loop3A_109, %parallel_loop3A_137 : i32
      %parallel_loop3A_139 = arith.constant 48 : i32
      %parallel_loop3A_140 = arith.addi %parallel_loop3A_138, %parallel_loop3A_139 : i32
      %parallel_loop3A_141 = arith.index_cast %parallel_loop3A_140 : i32 to index
      %parallel_loop3A_142 = tpu.vector_load %arg8[%parallel_loop3A_141] {strides = array<i32>} : memref<2048xf32, #tpu.memory_space<vmem>>, vector<16xf32>,
      tpu.vector_store %arg8[%parallel_loop3A_141], %parallel_loop3A_111 {strides = array<i32>} : memref<2048xf32, #tpu.memory_space<vmem>>, vector<16xf32>,
      %parallel_loop3A_143 = arith.constant 256 : i32
      %parallel_loop3A_144 = arith.muli %parallel_loop3A_109, %parallel_loop3A_143 : i32
      %parallel_loop3A_145 = arith.constant 64 : i32
      %parallel_loop3A_146 = arith.addi %parallel_loop3A_144, %parallel_loop3A_145 : i32
      %parallel_loop3A_147 = arith.index_cast %parallel_loop3A_146 : i32 to index
      %parallel_loop3A_148 = tpu.vector_load %arg8[%parallel_loop3A_147] {strides = array<i32>} : memref<2048xf32, #tpu.memory_space<vmem>>, vector<16xf32>,
      tpu.vector_store %arg8[%parallel_loop3A_147], %parallel_loop3A_111 {strides = array<i32>} : memref<2048xf32, #tpu.memory_space<vmem>>, vector<16xf32>,
      %parallel_loop3A_149 = arith.constant 256 : i32
      %parallel_loop3A_150 = arith.muli %parallel_loop3A_109, %parallel_loop3A_149 : i32
      %parallel_loop3A_151 = arith.constant 80 : i32
      %parallel_loop3A_152 = arith.addi %parallel_loop3A_150, %parallel_loop3A_151 : i32
      %parallel_loop3A_153 = arith.index_cast %parallel_loop3A_152 : i32 to index
      %parallel_loop3A_154 = tpu.vector_load %arg8[%parallel_loop3A_153] {strides = array<i32>} : memref<2048xf32, #tpu.memory_space<vmem>>, vector<16xf32>,
      tpu.vector_store %arg8[%parallel_loop3A_153], %parallel_loop3A_111 {strides = array<i32>} : memref<2048xf32, #tpu.memory_space<vmem>>, vector<16xf32>,
      %parallel_loop3A_155 = arith.constant 256 : i32
      %parallel_loop3A_156 = arith.muli %parallel_loop3A_109, %parallel_loop3A_155 : i32
      %parallel_loop3A_157 = arith.constant 96 : i32
      %parallel_loop3A_158 = arith.addi %parallel_loop3A_156, %parallel_loop3A_157 : i32
      %parallel_loop3A_159 = arith.index_cast %parallel_loop3A_158 : i32 to index
      %parallel_loop3A_160 = tpu.vector_load %arg8[%parallel_loop3A_159] {strides = array<i32>} : memref<2048xf32, #tpu.memory_space<vmem>>, vector<16xf32>,
      tpu.vector_store %arg8[%parallel_loop3A_159], %parallel_loop3A_111 {strides = array<i32>} : memref<2048xf32, #tpu.memory_space<vmem>>, vector<16xf32>,
      %parallel_loop3A_161 = arith.constant 256 : i32
      %parallel_loop3A_162 = arith.muli %parallel_loop3A_109, %parallel_loop3A_161 : i32
      %parallel_loop3A_163 = arith.constant 112 : i32
      %parallel_loop3A_164 = arith.addi %parallel_loop3A_162, %parallel_loop3A_163 : i32
      %parallel_loop3A_165 = arith.index_cast %parallel_loop3A_164 : i32 to index
      %parallel_loop3A_166 = tpu.vector_load %arg8[%parallel_loop3A_165] {strides = array<i32>} : memref<2048xf32, #tpu.memory_space<vmem>>, vector<16xf32>,
      tpu.vector_store %arg8[%parallel_loop3A_165], %parallel_loop3A_111 {strides = array<i32>} : memref<2048xf32, #tpu.memory_space<vmem>>, vector<16xf32>,
      %parallel_loop3A_167 = arith.constant 256 : i32
      %parallel_loop3A_168 = arith.muli %parallel_loop3A_109, %parallel_loop3A_167 : i32
      %parallel_loop3A_169 = arith.constant 128 : i32
      %parallel_loop3A_170 = arith.addi %parallel_loop3A_168, %parallel_loop3A_169 : i32
      %parallel_loop3A_171 = arith.index_cast %parallel_loop3A_170 : i32 to index
      %parallel_loop3A_172 = tpu.vector_load %arg8[%parallel_loop3A_171] {strides = array<i32>} : memref<2048xf32, #tpu.memory_space<vmem>>, vector<16xf32>,
      tpu.vector_store %arg8[%parallel_loop3A_171], %parallel_loop3A_111 {strides = array<i32>} : memref<2048xf32, #tpu.memory_space<vmem>>, vector<16xf32>,
      %parallel_loop3A_173 = arith.constant 256 : i32
      %parallel_loop3A_174 = arith.muli %parallel_loop3A_109, %parallel_loop3A_173 : i32
      %parallel_loop3A_175 = arith.constant 144 : i32
      %parallel_loop3A_176 = arith.addi %parallel_loop3A_174, %parallel_loop3A_175 : i32
      %parallel_loop3A_177 = arith.index_cast %parallel_loop3A_176 : i32 to index
      %parallel_loop3A_178 = tpu.vector_load %arg8[%parallel_loop3A_177] {strides = array<i32>} : memref<2048xf32, #tpu.memory_space<vmem>>, vector<16xf32>,
      tpu.vector_store %arg8[%parallel_loop3A_177], %parallel_loop3A_111 {strides = array<i32>} : memref<2048xf32, #tpu.memory_space<vmem>>, vector<16xf32>,
      %parallel_loop3A_179 = arith.constant 256 : i32
      %parallel_loop3A_180 = arith.muli %parallel_loop3A_109, %parallel_loop3A_179 : i32
      %parallel_loop3A_181 = arith.constant 160 : i32
      %parallel_loop3A_182 = arith.addi %parallel_loop3A_180, %parallel_loop3A_181 : i32
      %parallel_loop3A_183 = arith.index_cast %parallel_loop3A_182 : i32 to index
      %parallel_loop3A_184 = tpu.vector_load %arg8[%parallel_loop3A_183] {strides = array<i32>} : memref<2048xf32, #tpu.memory_space<vmem>>, vector<16xf32>,
      tpu.vector_store %arg8[%parallel_loop3A_183], %parallel_loop3A_111 {strides = array<i32>} : memref<2048xf32, #tpu.memory_space<vmem>>, vector<16xf32>,
      %parallel_loop3A_185 = arith.constant 256 : i32
      %parallel_loop3A_186 = arith.muli %parallel_loop3A_109, %parallel_loop3A_185 : i32
      %parallel_loop3A_187 = arith.constant 176 : i32
      %parallel_loop3A_188 = arith.addi %parallel_loop3A_186, %parallel_loop3A_187 : i32
      %parallel_loop3A_189 = arith.index_cast %parallel_loop3A_188 : i32 to index
      %parallel_loop3A_190 = tpu.vector_load %arg8[%parallel_loop3A_189] {strides = array<i32>} : memref<2048xf32, #tpu.memory_space<vmem>>, vector<16xf32>,
      tpu.vector_store %arg8[%parallel_loop3A_189], %parallel_loop3A_111 {strides = array<i32>} : memref<2048xf32, #tpu.memory_space<vmem>>, vector<16xf32>,
      %parallel_loop3A_191 = arith.constant 256 : i32
      %parallel_loop3A_192 = arith.muli %parallel_loop3A_109, %parallel_loop3A_191 : i32
      %parallel_loop3A_193 = arith.constant 192 : i32
      %parallel_loop3A_194 = arith.addi %parallel_loop3A_192, %parallel_loop3A_193 : i32
      %parallel_loop3A_195 = arith.index_cast %parallel_loop3A_194 : i32 to index
      %parallel_loop3A_196 = tpu.vector_load %arg8[%parallel_loop3A_195] {strides = array<i32>} : memref<2048xf32, #tpu.memory_space<vmem>>, vector<16xf32>,
      tpu.vector_store %arg8[%parallel_loop3A_195], %parallel_loop3A_111 {strides = array<i32>} : memref<2048xf32, #tpu.memory_space<vmem>>, vector<16xf32>,
      %parallel_loop3A_197 = arith.constant 256 : i32
      %parallel_loop3A_198 = arith.muli %parallel_loop3A_109, %parallel_loop3A_197 : i32
      %parallel_loop3A_199 = arith.constant 208 : i32
      %parallel_loop3A_200 = arith.addi %parallel_loop3A_198, %parallel_loop3A_199 : i32
      %parallel_loop3A_201 = arith.index_cast %parallel_loop3A_200 : i32 to index
      %parallel_loop3A_202 = tpu.vector_load %arg8[%parallel_loop3A_201] {strides = array<i32>} : memref<2048xf32, #tpu.memory_space<vmem>>, vector<16xf32>,
      tpu.vector_store %arg8[%parallel_loop3A_201], %parallel_loop3A_111 {strides = array<i32>} : memref<2048xf32, #tpu.memory_space<vmem>>, vector<16xf32>,
      %parallel_loop3A_203 = arith.constant 256 : i32
      %parallel_loop3A_204 = arith.muli %parallel_loop3A_109, %parallel_loop3A_203 : i32
      %parallel_loop3A_205 = arith.constant 224 : i32
      %parallel_loop3A_206 = arith.addi %parallel_loop3A_204, %parallel_loop3A_205 : i32
      %parallel_loop3A_207 = arith.index_cast %parallel_loop3A_206 : i32 to index
      %parallel_loop3A_208 = tpu.vector_load %arg8[%parallel_loop3A_207] {strides = array<i32>} : memref<2048xf32, #tpu.memory_space<vmem>>, vector<16xf32>,
      tpu.vector_store %arg8[%parallel_loop3A_207], %parallel_loop3A_111 {strides = array<i32>} : memref<2048xf32, #tpu.memory_space<vmem>>, vector<16xf32>,
      %parallel_loop3A_209 = arith.constant 256 : i32
      %parallel_loop3A_210 = arith.muli %parallel_loop3A_109, %parallel_loop3A_209 : i32
      %parallel_loop3A_211 = arith.constant 240 : i32
      %parallel_loop3A_212 = arith.addi %parallel_loop3A_210, %parallel_loop3A_211 : i32
      %parallel_loop3A_213 = arith.index_cast %parallel_loop3A_212 : i32 to index
      %parallel_loop3A_214 = tpu.vector_load %arg8[%parallel_loop3A_213] {strides = array<i32>} : memref<2048xf32, #tpu.memory_space<vmem>>, vector<16xf32>,
      tpu.vector_store %arg8[%parallel_loop3A_213], %parallel_loop3A_111 {strides = array<i32>} : memref<2048xf32, #tpu.memory_space<vmem>>, vector<16xf32>,
      %parallel_loop3A_215 = arith.constant 0 : i32
      %parallel_loop3A_216 = arith.constant 256 : i32
      %parallel_loop3A_217 = arith.constant 1 : i32
      scf.for %parallel_loop3A_436 = %parallel_loop3A_215 to %parallel_loop3A_216 step %parallel_loop3A_217  : i32 {
        %parallel_loop3A_437 = arith.constant 16 : i32
        %parallel_loop3A_438 = arith.muli %parallel_loop3A_436, %parallel_loop3A_437 : i32
        %parallel_loop3A_439 = arith.index_cast %parallel_loop3A_109 : i32 to index
        %parallel_loop3A_440 = arith.index_cast %parallel_loop3A_438 : i32 to index
        %parallel_loop3A_441 = tpu.vector_load %arg5[%parallel_loop3A_439, %parallel_loop3A_440] {strides = array<i32>} : memref<8x4096xf32, #tpu.memory_space<vmem>>, vector<16xf32>,
        %parallel_loop3A_442 = arith.mulf %parallel_loop3A_441, %convert_element_type3A : vector<16xf32>
        %parallel_loop3A_443 = vector.shape_cast %and3A_12 : vector<16xi32> to vector<16x1xi32>
        %parallel_loop3A_444 = vector.shape_cast %parallel_loop3A_443 : vector<16x1xi32> to vector<16xi32>
        %parallel_loop3A_445 = tpu.dynamic_gather %parallel_loop3A_442[%parallel_loop3A_444] in [0] : vector<16xf32>, vector<16xi32> -> vector<16xf32>
        %parallel_loop3A_446 = arith.addf %parallel_loop3A_442, %parallel_loop3A_445 : vector<16xf32>
        %parallel_loop3A_447 = vector.shape_cast %and3A_18 : vector<16xi32> to vector<16x1xi32>
        %parallel_loop3A_448 = vector.shape_cast %parallel_loop3A_447 : vector<16x1xi32> to vector<16xi32>
        %parallel_loop3A_449 = tpu.dynamic_gather %parallel_loop3A_446[%parallel_loop3A_448] in [0] : vector<16xf32>, vector<16xi32> -> vector<16xf32>
        %parallel_loop3A_450 = arith.addf %parallel_loop3A_446, %parallel_loop3A_449 : vector<16xf32>
        %parallel_loop3A_451 = arith.fptosi %parallel_loop3A_450 : vector<16xf32> to vector<16xi32>
        %parallel_loop3A_452 = arith.addi %parallel_loop3A_118, %parallel_loop3A_451 : vector<16xi32>
        tpu.vector_store_idx %arg8[%parallel_loop3A_452], %parallel_loop3A_114 {add = true} : memref<2048xf32, #tpu.memory_space<vmem>>[vector<16xi32>], vector<16xf32>,
      } {sc.loop_unroll_factor = 16 : i64, sc.parallel_access}
      %parallel_loop3A_218 = arith.constant 0 : i32
      %parallel_loop3A_219 = arith.addi %parallel_loop3A_218, %parallel_loop3A_109 : i32
      %parallel_loop3A_220 = arith.index_cast %parallel_loop3A_219 : i32 to index
      %parallel_loop3A_221 = arith.constant 0 : index
      %parallel_loop3A_222 = tpu.vector_load %arg7[%parallel_loop3A_220, %parallel_loop3A_221] {strides = array<i32>} : memref<32x16xf32, #tpu.memory_space<vmem>>, vector<16xf32>,
      %parallel_loop3A_223 = arith.constant 256 : i32
      %parallel_loop3A_224 = arith.muli %parallel_loop3A_109, %parallel_loop3A_223 : i32
      %parallel_loop3A_225 = arith.constant 0 : i32
      %parallel_loop3A_226 = arith.addi %parallel_loop3A_224, %parallel_loop3A_225 : i32
      %parallel_loop3A_227 = arith.index_cast %parallel_loop3A_226 : i32 to index
      %parallel_loop3A_228 = tpu.vector_load %arg8[%parallel_loop3A_227] {strides = array<i32>} : memref<2048xf32, #tpu.memory_space<vmem>>, vector<16xf32>,
      %parallel_loop3A_229 = arith.constant 0 : i32
      %parallel_loop3A_230 = vector.broadcast %parallel_loop3A_229 : i32 to vector<16xi32>
      %parallel_loop3A_231 = vector.shape_cast %parallel_loop3A_230 : vector<16xi32> to vector<16x1xi32>
      %parallel_loop3A_232 = vector.shape_cast %parallel_loop3A_231 : vector<16x1xi32> to vector<16xi32>
      %parallel_loop3A_233 = tpu.dynamic_gather %parallel_loop3A_222[%parallel_loop3A_232] in [0] : vector<16xf32>, vector<16xi32> -> vector<16xf32>
      %parallel_loop3A_234 = arith.mulf %parallel_loop3A_228, %parallel_loop3A_233 : vector<16xf32>
      %parallel_loop3A_235 = arith.addf %parallel_loop3A_111, %parallel_loop3A_234 : vector<16xf32>
      %parallel_loop3A_236 = arith.constant 256 : i32
      %parallel_loop3A_237 = arith.muli %parallel_loop3A_109, %parallel_loop3A_236 : i32
      %parallel_loop3A_238 = arith.constant 16 : i32
      %parallel_loop3A_239 = arith.addi %parallel_loop3A_237, %parallel_loop3A_238 : i32
      %parallel_loop3A_240 = arith.index_cast %parallel_loop3A_239 : i32 to index
      %parallel_loop3A_241 = tpu.vector_load %arg8[%parallel_loop3A_240] {strides = array<i32>} : memref<2048xf32, #tpu.memory_space<vmem>>, vector<16xf32>,
      %parallel_loop3A_242 = arith.constant 1 : i32
      %parallel_loop3A_243 = vector.broadcast %parallel_loop3A_242 : i32 to vector<16xi32>
      %parallel_loop3A_244 = vector.shape_cast %parallel_loop3A_243 : vector<16xi32> to vector<16x1xi32>
      %parallel_loop3A_245 = vector.shape_cast %parallel_loop3A_244 : vector<16x1xi32> to vector<16xi32>
      %parallel_loop3A_246 = tpu.dynamic_gather %parallel_loop3A_222[%parallel_loop3A_245] in [0] : vector<16xf32>, vector<16xi32> -> vector<16xf32>
      %parallel_loop3A_247 = arith.mulf %parallel_loop3A_241, %parallel_loop3A_246 : vector<16xf32>
      %parallel_loop3A_248 = arith.addf %parallel_loop3A_235, %parallel_loop3A_247 : vector<16xf32>
      %parallel_loop3A_249 = arith.constant 256 : i32
      %parallel_loop3A_250 = arith.muli %parallel_loop3A_109, %parallel_loop3A_249 : i32
      %parallel_loop3A_251 = arith.constant 32 : i32
      %parallel_loop3A_252 = arith.addi %parallel_loop3A_250, %parallel_loop3A_251 : i32
      %parallel_loop3A_253 = arith.index_cast %parallel_loop3A_252 : i32 to index
      %parallel_loop3A_254 = tpu.vector_load %arg8[%parallel_loop3A_253] {strides = array<i32>} : memref<2048xf32, #tpu.memory_space<vmem>>, vector<16xf32>,
      %parallel_loop3A_255 = arith.constant 2 : i32
      %parallel_loop3A_256 = vector.broadcast %parallel_loop3A_255 : i32 to vector<16xi32>
      %parallel_loop3A_257 = vector.shape_cast %parallel_loop3A_256 : vector<16xi32> to vector<16x1xi32>
      %parallel_loop3A_258 = vector.shape_cast %parallel_loop3A_257 : vector<16x1xi32> to vector<16xi32>
      %parallel_loop3A_259 = tpu.dynamic_gather %parallel_loop3A_222[%parallel_loop3A_258] in [0] : vector<16xf32>, vector<16xi32> -> vector<16xf32>
      %parallel_loop3A_260 = arith.mulf %parallel_loop3A_254, %parallel_loop3A_259 : vector<16xf32>
      %parallel_loop3A_261 = arith.addf %parallel_loop3A_248, %parallel_loop3A_260 : vector<16xf32>
      %parallel_loop3A_262 = arith.constant 256 : i32
      %parallel_loop3A_263 = arith.muli %parallel_loop3A_109, %parallel_loop3A_262 : i32
      %parallel_loop3A_264 = arith.constant 48 : i32
      %parallel_loop3A_265 = arith.addi %parallel_loop3A_263, %parallel_loop3A_264 : i32
      %parallel_loop3A_266 = arith.index_cast %parallel_loop3A_265 : i32 to index
      %parallel_loop3A_267 = tpu.vector_load %arg8[%parallel_loop3A_266] {strides = array<i32>} : memref<2048xf32, #tpu.memory_space<vmem>>, vector<16xf32>,
      %parallel_loop3A_268 = arith.constant 3 : i32
      %parallel_loop3A_269 = vector.broadcast %parallel_loop3A_268 : i32 to vector<16xi32>
      %parallel_loop3A_270 = vector.shape_cast %parallel_loop3A_269 : vector<16xi32> to vector<16x1xi32>
      %parallel_loop3A_271 = vector.shape_cast %parallel_loop3A_270 : vector<16x1xi32> to vector<16xi32>
      %parallel_loop3A_272 = tpu.dynamic_gather %parallel_loop3A_222[%parallel_loop3A_271] in [0] : vector<16xf32>, vector<16xi32> -> vector<16xf32>
      %parallel_loop3A_273 = arith.mulf %parallel_loop3A_267, %parallel_loop3A_272 : vector<16xf32>
      %parallel_loop3A_274 = arith.addf %parallel_loop3A_261, %parallel_loop3A_273 : vector<16xf32>
      %parallel_loop3A_275 = arith.constant 256 : i32
      %parallel_loop3A_276 = arith.muli %parallel_loop3A_109, %parallel_loop3A_275 : i32
      %parallel_loop3A_277 = arith.constant 64 : i32
      %parallel_loop3A_278 = arith.addi %parallel_loop3A_276, %parallel_loop3A_277 : i32
      %parallel_loop3A_279 = arith.index_cast %parallel_loop3A_278 : i32 to index
      %parallel_loop3A_280 = tpu.vector_load %arg8[%parallel_loop3A_279] {strides = array<i32>} : memref<2048xf32, #tpu.memory_space<vmem>>, vector<16xf32>,
      %parallel_loop3A_281 = arith.constant 4 : i32
      %parallel_loop3A_282 = vector.broadcast %parallel_loop3A_281 : i32 to vector<16xi32>
      %parallel_loop3A_283 = vector.shape_cast %parallel_loop3A_282 : vector<16xi32> to vector<16x1xi32>
      %parallel_loop3A_284 = vector.shape_cast %parallel_loop3A_283 : vector<16x1xi32> to vector<16xi32>
      %parallel_loop3A_285 = tpu.dynamic_gather %parallel_loop3A_222[%parallel_loop3A_284] in [0] : vector<16xf32>, vector<16xi32> -> vector<16xf32>
      %parallel_loop3A_286 = arith.mulf %parallel_loop3A_280, %parallel_loop3A_285 : vector<16xf32>
      %parallel_loop3A_287 = arith.addf %parallel_loop3A_274, %parallel_loop3A_286 : vector<16xf32>
      %parallel_loop3A_288 = arith.constant 256 : i32
      %parallel_loop3A_289 = arith.muli %parallel_loop3A_109, %parallel_loop3A_288 : i32
      %parallel_loop3A_290 = arith.constant 80 : i32
      %parallel_loop3A_291 = arith.addi %parallel_loop3A_289, %parallel_loop3A_290 : i32
      %parallel_loop3A_292 = arith.index_cast %parallel_loop3A_291 : i32 to index
      %parallel_loop3A_293 = tpu.vector_load %arg8[%parallel_loop3A_292] {strides = array<i32>} : memref<2048xf32, #tpu.memory_space<vmem>>, vector<16xf32>,
      %parallel_loop3A_294 = arith.constant 5 : i32
      %parallel_loop3A_295 = vector.broadcast %parallel_loop3A_294 : i32 to vector<16xi32>
      %parallel_loop3A_296 = vector.shape_cast %parallel_loop3A_295 : vector<16xi32> to vector<16x1xi32>
      %parallel_loop3A_297 = vector.shape_cast %parallel_loop3A_296 : vector<16x1xi32> to vector<16xi32>
      %parallel_loop3A_298 = tpu.dynamic_gather %parallel_loop3A_222[%parallel_loop3A_297] in [0] : vector<16xf32>, vector<16xi32> -> vector<16xf32>
      %parallel_loop3A_299 = arith.mulf %parallel_loop3A_293, %parallel_loop3A_298 : vector<16xf32>
      %parallel_loop3A_300 = arith.addf %parallel_loop3A_287, %parallel_loop3A_299 : vector<16xf32>
      %parallel_loop3A_301 = arith.constant 256 : i32
      %parallel_loop3A_302 = arith.muli %parallel_loop3A_109, %parallel_loop3A_301 : i32
      %parallel_loop3A_303 = arith.constant 96 : i32
      %parallel_loop3A_304 = arith.addi %parallel_loop3A_302, %parallel_loop3A_303 : i32
      %parallel_loop3A_305 = arith.index_cast %parallel_loop3A_304 : i32 to index
      %parallel_loop3A_306 = tpu.vector_load %arg8[%parallel_loop3A_305] {strides = array<i32>} : memref<2048xf32, #tpu.memory_space<vmem>>, vector<16xf32>,
      %parallel_loop3A_307 = arith.constant 6 : i32
      %parallel_loop3A_308 = vector.broadcast %parallel_loop3A_307 : i32 to vector<16xi32>
      %parallel_loop3A_309 = vector.shape_cast %parallel_loop3A_308 : vector<16xi32> to vector<16x1xi32>
      %parallel_loop3A_310 = vector.shape_cast %parallel_loop3A_309 : vector<16x1xi32> to vector<16xi32>
      %parallel_loop3A_311 = tpu.dynamic_gather %parallel_loop3A_222[%parallel_loop3A_310] in [0] : vector<16xf32>, vector<16xi32> -> vector<16xf32>
      %parallel_loop3A_312 = arith.mulf %parallel_loop3A_306, %parallel_loop3A_311 : vector<16xf32>
      %parallel_loop3A_313 = arith.addf %parallel_loop3A_300, %parallel_loop3A_312 : vector<16xf32>
      %parallel_loop3A_314 = arith.constant 256 : i32
      %parallel_loop3A_315 = arith.muli %parallel_loop3A_109, %parallel_loop3A_314 : i32
      %parallel_loop3A_316 = arith.constant 112 : i32
      %parallel_loop3A_317 = arith.addi %parallel_loop3A_315, %parallel_loop3A_316 : i32
      %parallel_loop3A_318 = arith.index_cast %parallel_loop3A_317 : i32 to index
      %parallel_loop3A_319 = tpu.vector_load %arg8[%parallel_loop3A_318] {strides = array<i32>} : memref<2048xf32, #tpu.memory_space<vmem>>, vector<16xf32>,
      %parallel_loop3A_320 = arith.constant 7 : i32
      %parallel_loop3A_321 = vector.broadcast %parallel_loop3A_320 : i32 to vector<16xi32>
      %parallel_loop3A_322 = vector.shape_cast %parallel_loop3A_321 : vector<16xi32> to vector<16x1xi32>
      %parallel_loop3A_323 = vector.shape_cast %parallel_loop3A_322 : vector<16x1xi32> to vector<16xi32>
      %parallel_loop3A_324 = tpu.dynamic_gather %parallel_loop3A_222[%parallel_loop3A_323] in [0] : vector<16xf32>, vector<16xi32> -> vector<16xf32>
      %parallel_loop3A_325 = arith.mulf %parallel_loop3A_319, %parallel_loop3A_324 : vector<16xf32>
      %parallel_loop3A_326 = arith.addf %parallel_loop3A_313, %parallel_loop3A_325 : vector<16xf32>
      %parallel_loop3A_327 = arith.constant 256 : i32
      %parallel_loop3A_328 = arith.muli %parallel_loop3A_109, %parallel_loop3A_327 : i32
      %parallel_loop3A_329 = arith.constant 128 : i32
      %parallel_loop3A_330 = arith.addi %parallel_loop3A_328, %parallel_loop3A_329 : i32
      %parallel_loop3A_331 = arith.index_cast %parallel_loop3A_330 : i32 to index
      %parallel_loop3A_332 = tpu.vector_load %arg8[%parallel_loop3A_331] {strides = array<i32>} : memref<2048xf32, #tpu.memory_space<vmem>>, vector<16xf32>,
      %parallel_loop3A_333 = arith.constant 8 : i32
      %parallel_loop3A_334 = vector.broadcast %parallel_loop3A_333 : i32 to vector<16xi32>
      %parallel_loop3A_335 = vector.shape_cast %parallel_loop3A_334 : vector<16xi32> to vector<16x1xi32>
      %parallel_loop3A_336 = vector.shape_cast %parallel_loop3A_335 : vector<16x1xi32> to vector<16xi32>
      %parallel_loop3A_337 = tpu.dynamic_gather %parallel_loop3A_222[%parallel_loop3A_336] in [0] : vector<16xf32>, vector<16xi32> -> vector<16xf32>
      %parallel_loop3A_338 = arith.mulf %parallel_loop3A_332, %parallel_loop3A_337 : vector<16xf32>
      %parallel_loop3A_339 = arith.addf %parallel_loop3A_326, %parallel_loop3A_338 : vector<16xf32>
      %parallel_loop3A_340 = arith.constant 256 : i32
      %parallel_loop3A_341 = arith.muli %parallel_loop3A_109, %parallel_loop3A_340 : i32
      %parallel_loop3A_342 = arith.constant 144 : i32
      %parallel_loop3A_343 = arith.addi %parallel_loop3A_341, %parallel_loop3A_342 : i32
      %parallel_loop3A_344 = arith.index_cast %parallel_loop3A_343 : i32 to index
      %parallel_loop3A_345 = tpu.vector_load %arg8[%parallel_loop3A_344] {strides = array<i32>} : memref<2048xf32, #tpu.memory_space<vmem>>, vector<16xf32>,
      %parallel_loop3A_346 = arith.constant 9 : i32
      %parallel_loop3A_347 = vector.broadcast %parallel_loop3A_346 : i32 to vector<16xi32>
      %parallel_loop3A_348 = vector.shape_cast %parallel_loop3A_347 : vector<16xi32> to vector<16x1xi32>
      %parallel_loop3A_349 = vector.shape_cast %parallel_loop3A_348 : vector<16x1xi32> to vector<16xi32>
      %parallel_loop3A_350 = tpu.dynamic_gather %parallel_loop3A_222[%parallel_loop3A_349] in [0] : vector<16xf32>, vector<16xi32> -> vector<16xf32>
      %parallel_loop3A_351 = arith.mulf %parallel_loop3A_345, %parallel_loop3A_350 : vector<16xf32>
      %parallel_loop3A_352 = arith.addf %parallel_loop3A_339, %parallel_loop3A_351 : vector<16xf32>
      %parallel_loop3A_353 = arith.constant 256 : i32
      %parallel_loop3A_354 = arith.muli %parallel_loop3A_109, %parallel_loop3A_353 : i32
      %parallel_loop3A_355 = arith.constant 160 : i32
      %parallel_loop3A_356 = arith.addi %parallel_loop3A_354, %parallel_loop3A_355 : i32
      %parallel_loop3A_357 = arith.index_cast %parallel_loop3A_356 : i32 to index
      %parallel_loop3A_358 = tpu.vector_load %arg8[%parallel_loop3A_357] {strides = array<i32>} : memref<2048xf32, #tpu.memory_space<vmem>>, vector<16xf32>,
      %parallel_loop3A_359 = arith.constant 10 : i32
      %parallel_loop3A_360 = vector.broadcast %parallel_loop3A_359 : i32 to vector<16xi32>
      %parallel_loop3A_361 = vector.shape_cast %parallel_loop3A_360 : vector<16xi32> to vector<16x1xi32>
      %parallel_loop3A_362 = vector.shape_cast %parallel_loop3A_361 : vector<16x1xi32> to vector<16xi32>
      %parallel_loop3A_363 = tpu.dynamic_gather %parallel_loop3A_222[%parallel_loop3A_362] in [0] : vector<16xf32>, vector<16xi32> -> vector<16xf32>
      %parallel_loop3A_364 = arith.mulf %parallel_loop3A_358, %parallel_loop3A_363 : vector<16xf32>
      %parallel_loop3A_365 = arith.addf %parallel_loop3A_352, %parallel_loop3A_364 : vector<16xf32>
      %parallel_loop3A_366 = arith.constant 256 : i32
      %parallel_loop3A_367 = arith.muli %parallel_loop3A_109, %parallel_loop3A_366 : i32
      %parallel_loop3A_368 = arith.constant 176 : i32
      %parallel_loop3A_369 = arith.addi %parallel_loop3A_367, %parallel_loop3A_368 : i32
      %parallel_loop3A_370 = arith.index_cast %parallel_loop3A_369 : i32 to index
      %parallel_loop3A_371 = tpu.vector_load %arg8[%parallel_loop3A_370] {strides = array<i32>} : memref<2048xf32, #tpu.memory_space<vmem>>, vector<16xf32>,
      %parallel_loop3A_372 = arith.constant 11 : i32
      %parallel_loop3A_373 = vector.broadcast %parallel_loop3A_372 : i32 to vector<16xi32>
      %parallel_loop3A_374 = vector.shape_cast %parallel_loop3A_373 : vector<16xi32> to vector<16x1xi32>
      %parallel_loop3A_375 = vector.shape_cast %parallel_loop3A_374 : vector<16x1xi32> to vector<16xi32>
      %parallel_loop3A_376 = tpu.dynamic_gather %parallel_loop3A_222[%parallel_loop3A_375] in [0] : vector<16xf32>, vector<16xi32> -> vector<16xf32>
      %parallel_loop3A_377 = arith.mulf %parallel_loop3A_371, %parallel_loop3A_376 : vector<16xf32>
      %parallel_loop3A_378 = arith.addf %parallel_loop3A_365, %parallel_loop3A_377 : vector<16xf32>
      %parallel_loop3A_379 = arith.constant 256 : i32
      %parallel_loop3A_380 = arith.muli %parallel_loop3A_109, %parallel_loop3A_379 : i32
      %parallel_loop3A_381 = arith.constant 192 : i32
      %parallel_loop3A_382 = arith.addi %parallel_loop3A_380, %parallel_loop3A_381 : i32
      %parallel_loop3A_383 = arith.index_cast %parallel_loop3A_382 : i32 to index
      %parallel_loop3A_384 = tpu.vector_load %arg8[%parallel_loop3A_383] {strides = array<i32>} : memref<2048xf32, #tpu.memory_space<vmem>>, vector<16xf32>,
      %parallel_loop3A_385 = arith.constant 12 : i32
      %parallel_loop3A_386 = vector.broadcast %parallel_loop3A_385 : i32 to vector<16xi32>
      %parallel_loop3A_387 = vector.shape_cast %parallel_loop3A_386 : vector<16xi32> to vector<16x1xi32>
      %parallel_loop3A_388 = vector.shape_cast %parallel_loop3A_387 : vector<16x1xi32> to vector<16xi32>
      %parallel_loop3A_389 = tpu.dynamic_gather %parallel_loop3A_222[%parallel_loop3A_388] in [0] : vector<16xf32>, vector<16xi32> -> vector<16xf32>
      %parallel_loop3A_390 = arith.mulf %parallel_loop3A_384, %parallel_loop3A_389 : vector<16xf32>
      %parallel_loop3A_391 = arith.addf %parallel_loop3A_378, %parallel_loop3A_390 : vector<16xf32>
      %parallel_loop3A_392 = arith.constant 256 : i32
      %parallel_loop3A_393 = arith.muli %parallel_loop3A_109, %parallel_loop3A_392 : i32
      %parallel_loop3A_394 = arith.constant 208 : i32
      %parallel_loop3A_395 = arith.addi %parallel_loop3A_393, %parallel_loop3A_394 : i32
      %parallel_loop3A_396 = arith.index_cast %parallel_loop3A_395 : i32 to index
      %parallel_loop3A_397 = tpu.vector_load %arg8[%parallel_loop3A_396] {strides = array<i32>} : memref<2048xf32, #tpu.memory_space<vmem>>, vector<16xf32>,
      %parallel_loop3A_398 = arith.constant 13 : i32
      %parallel_loop3A_399 = vector.broadcast %parallel_loop3A_398 : i32 to vector<16xi32>
      %parallel_loop3A_400 = vector.shape_cast %parallel_loop3A_399 : vector<16xi32> to vector<16x1xi32>
      %parallel_loop3A_401 = vector.shape_cast %parallel_loop3A_400 : vector<16x1xi32> to vector<16xi32>
      %parallel_loop3A_402 = tpu.dynamic_gather %parallel_loop3A_222[%parallel_loop3A_401] in [0] : vector<16xf32>, vector<16xi32> -> vector<16xf32>
      %parallel_loop3A_403 = arith.mulf %parallel_loop3A_397, %parallel_loop3A_402 : vector<16xf32>
      %parallel_loop3A_404 = arith.addf %parallel_loop3A_391, %parallel_loop3A_403 : vector<16xf32>
      %parallel_loop3A_405 = arith.constant 256 : i32
      %parallel_loop3A_406 = arith.muli %parallel_loop3A_109, %parallel_loop3A_405 : i32
      %parallel_loop3A_407 = arith.constant 224 : i32
      %parallel_loop3A_408 = arith.addi %parallel_loop3A_406, %parallel_loop3A_407 : i32
      %parallel_loop3A_409 = arith.index_cast %parallel_loop3A_408 : i32 to index
      %parallel_loop3A_410 = tpu.vector_load %arg8[%parallel_loop3A_409] {strides = array<i32>} : memref<2048xf32, #tpu.memory_space<vmem>>, vector<16xf32>,
      %parallel_loop3A_411 = arith.constant 14 : i32
      %parallel_loop3A_412 = vector.broadcast %parallel_loop3A_411 : i32 to vector<16xi32>
      %parallel_loop3A_413 = vector.shape_cast %parallel_loop3A_412 : vector<16xi32> to vector<16x1xi32>
      %parallel_loop3A_414 = vector.shape_cast %parallel_loop3A_413 : vector<16x1xi32> to vector<16xi32>
      %parallel_loop3A_415 = tpu.dynamic_gather %parallel_loop3A_222[%parallel_loop3A_414] in [0] : vector<16xf32>, vector<16xi32> -> vector<16xf32>
      %parallel_loop3A_416 = arith.mulf %parallel_loop3A_410, %parallel_loop3A_415 : vector<16xf32>
      %parallel_loop3A_417 = arith.addf %parallel_loop3A_404, %parallel_loop3A_416 : vector<16xf32>
      %parallel_loop3A_418 = arith.constant 256 : i32
      %parallel_loop3A_419 = arith.muli %parallel_loop3A_109, %parallel_loop3A_418 : i32
      %parallel_loop3A_420 = arith.constant 240 : i32
      %parallel_loop3A_421 = arith.addi %parallel_loop3A_419, %parallel_loop3A_420 : i32
      %parallel_loop3A_422 = arith.index_cast %parallel_loop3A_421 : i32 to index
      %parallel_loop3A_423 = tpu.vector_load %arg8[%parallel_loop3A_422] {strides = array<i32>} : memref<2048xf32, #tpu.memory_space<vmem>>, vector<16xf32>,
      %parallel_loop3A_424 = arith.constant 15 : i32
      %parallel_loop3A_425 = vector.broadcast %parallel_loop3A_424 : i32 to vector<16xi32>
      %parallel_loop3A_426 = vector.shape_cast %parallel_loop3A_425 : vector<16xi32> to vector<16x1xi32>
      %parallel_loop3A_427 = vector.shape_cast %parallel_loop3A_426 : vector<16x1xi32> to vector<16xi32>
      %parallel_loop3A_428 = tpu.dynamic_gather %parallel_loop3A_222[%parallel_loop3A_427] in [0] : vector<16xf32>, vector<16xi32> -> vector<16xf32>
      %parallel_loop3A_429 = arith.mulf %parallel_loop3A_423, %parallel_loop3A_428 : vector<16xf32>
      %parallel_loop3A_430 = arith.addf %parallel_loop3A_417, %parallel_loop3A_429 : vector<16xf32>
      %parallel_loop3A_431 = arith.constant 0 : i32
      %parallel_loop3A_432 = arith.addi %parallel_loop3A_431, %parallel_loop3A_109 : i32
      %parallel_loop3A_433 = arith.index_cast %parallel_loop3A_432 : i32 to index
      %parallel_loop3A_434 = arith.constant 0 : index
      %parallel_loop3A_435 = tpu.vector_load %arg9[%parallel_loop3A_433, %parallel_loop3A_434] {strides = array<i32>} : memref<32x16xf32, #tpu.memory_space<vmem>>, vector<16xf32>,
      tpu.vector_store %arg9[%parallel_loop3A_433, %parallel_loop3A_434], %parallel_loop3A_430 {strides = array<i32>} : memref<32x16xf32, #tpu.memory_space<vmem>>, vector<16xf32>,
    } {sc.loop_unroll_factor = 1 : i64, sc.parallel_access}
    %add3A_33 = arith.constant 16 : i32
    %add3A_34 = arith.addi %mul3A_2, %add3A_33 : i32
    %dma_start3A_35 = arith.constant 0 : i32
    %dma_start3A_36 = tpu.memref_slice %arg2[%add3A_34, %dma_start3A_35] : memref<1024x4096xf32, #tpu.memory_space<hbm>> -> memref<8x4096xf32, #tpu.memory_space<hbm>>
    %dma_start3A_37 = arith.constant 0 : i32
    %dma_start3A_38 = tpu.memref_slice %arg2[%add3A_34, %dma_start3A_37] : memref<1024x4096xf32, #tpu.memory_space<hbm>> -> memref<8x4096xf32, #tpu.memory_space<hbm>>
    tpu.enqueue_dma source(%dma_start3A_38 : memref<8x4096xf32, #tpu.memory_space<hbm>>) target(%arg5 : memref<8x4096xf32, #tpu.memory_space<vmem>>) target_semaphore(%arg11 : memref<!tpu.dma_semaphore, #tpu.memory_space<semaphore_mem>>)
    %dma_wait3A_39 = arith.constant 0 : i32
    %dma_wait3A_40 = tpu.memref_slice %arg2[%add3A_23, %dma_wait3A_39] : memref<1024x4096xf32, #tpu.memory_space<hbm>> -> memref<8x4096xf32, #tpu.memory_space<hbm>>
    %dma_wait3A_41 = arith.constant 0 : i32
    %dma_wait3A_42 = tpu.memref_slice %arg2[%add3A_23, %dma_wait3A_41] : memref<1024x4096xf32, #tpu.memory_space<hbm>> -> memref<8x4096xf32, #tpu.memory_space<hbm>>
    tpu.wait_dma2 semaphore(%arg12 : memref<!tpu.dma_semaphore, #tpu.memory_space<semaphore_mem>>) src(%dma_wait3A_42 : memref<8x4096xf32, #tpu.memory_space<hbm>>) dst(%arg6 : memref<8x4096xf32, #tpu.memory_space<vmem>>)
    %parallel_loop3A_43 = arith.constant 0 : i32
    %parallel_loop3A_44 = arith.constant 8 : i32
    %parallel_loop3A_45 = arith.constant 1 : i32
    scf.for %parallel_loop3A_109 = %parallel_loop3A_43 to %parallel_loop3A_44 step %parallel_loop3A_45  : i32 {
      %parallel_loop3A_110 = arith.constant 0.000000e+00 : f32
      %parallel_loop3A_111 = vector.broadcast %parallel_loop3A_110 : f32 to vector<16xf32>
      %parallel_loop3A_112 = arith.constant 1.000000e+00 : f32
      %parallel_loop3A_113 = vector.broadcast %parallel_loop3A_112 : f32 to vector<16xf32>
      %parallel_loop3A_114 = arith.addf %parallel_loop3A_111, %parallel_loop3A_113 : vector<16xf32>
      %parallel_loop3A_115 = arith.constant 256 : i32
      %parallel_loop3A_116 = arith.muli %parallel_loop3A_109, %parallel_loop3A_115 : i32
      %parallel_loop3A_117 = vector.broadcast %parallel_loop3A_116 : i32 to vector<16xi32>
      %parallel_loop3A_118 = arith.addi %parallel_loop3A_117, %iota3A : vector<16xi32>
      %parallel_loop3A_119 = arith.constant 256 : i32
      %parallel_loop3A_120 = arith.muli %parallel_loop3A_109, %parallel_loop3A_119 : i32
      %parallel_loop3A_121 = arith.constant 0 : i32
      %parallel_loop3A_122 = arith.addi %parallel_loop3A_120, %parallel_loop3A_121 : i32
      %parallel_loop3A_123 = arith.index_cast %parallel_loop3A_122 : i32 to index
      %parallel_loop3A_124 = tpu.vector_load %arg8[%parallel_loop3A_123] {strides = array<i32>} : memref<2048xf32, #tpu.memory_space<vmem>>, vector<16xf32>,
      tpu.vector_store %arg8[%parallel_loop3A_123], %parallel_loop3A_111 {strides = array<i32>} : memref<2048xf32, #tpu.memory_space<vmem>>, vector<16xf32>,
      %parallel_loop3A_125 = arith.constant 256 : i32
      %parallel_loop3A_126 = arith.muli %parallel_loop3A_109, %parallel_loop3A_125 : i32
      %parallel_loop3A_127 = arith.constant 16 : i32
      %parallel_loop3A_128 = arith.addi %parallel_loop3A_126, %parallel_loop3A_127 : i32
      %parallel_loop3A_129 = arith.index_cast %parallel_loop3A_128 : i32 to index
      %parallel_loop3A_130 = tpu.vector_load %arg8[%parallel_loop3A_129] {strides = array<i32>} : memref<2048xf32, #tpu.memory_space<vmem>>, vector<16xf32>,
      tpu.vector_store %arg8[%parallel_loop3A_129], %parallel_loop3A_111 {strides = array<i32>} : memref<2048xf32, #tpu.memory_space<vmem>>, vector<16xf32>,
      %parallel_loop3A_131 = arith.constant 256 : i32
      %parallel_loop3A_132 = arith.muli %parallel_loop3A_109, %parallel_loop3A_131 : i32
      %parallel_loop3A_133 = arith.constant 32 : i32
      %parallel_loop3A_134 = arith.addi %parallel_loop3A_132, %parallel_loop3A_133 : i32
      %parallel_loop3A_135 = arith.index_cast %parallel_loop3A_134 : i32 to index
      %parallel_loop3A_136 = tpu.vector_load %arg8[%parallel_loop3A_135] {strides = array<i32>} : memref<2048xf32, #tpu.memory_space<vmem>>, vector<16xf32>,
      tpu.vector_store %arg8[%parallel_loop3A_135], %parallel_loop3A_111 {strides = array<i32>} : memref<2048xf32, #tpu.memory_space<vmem>>, vector<16xf32>,
      %parallel_loop3A_137 = arith.constant 256 : i32
      %parallel_loop3A_138 = arith.muli %parallel_loop3A_109, %parallel_loop3A_137 : i32
      %parallel_loop3A_139 = arith.constant 48 : i32
      %parallel_loop3A_140 = arith.addi %parallel_loop3A_138, %parallel_loop3A_139 : i32
      %parallel_loop3A_141 = arith.index_cast %parallel_loop3A_140 : i32 to index
      %parallel_loop3A_142 = tpu.vector_load %arg8[%parallel_loop3A_141] {strides = array<i32>} : memref<2048xf32, #tpu.memory_space<vmem>>, vector<16xf32>,
      tpu.vector_store %arg8[%parallel_loop3A_141], %parallel_loop3A_111 {strides = array<i32>} : memref<2048xf32, #tpu.memory_space<vmem>>, vector<16xf32>,
      %parallel_loop3A_143 = arith.constant 256 : i32
      %parallel_loop3A_144 = arith.muli %parallel_loop3A_109, %parallel_loop3A_143 : i32
      %parallel_loop3A_145 = arith.constant 64 : i32
      %parallel_loop3A_146 = arith.addi %parallel_loop3A_144, %parallel_loop3A_145 : i32
      %parallel_loop3A_147 = arith.index_cast %parallel_loop3A_146 : i32 to index
      %parallel_loop3A_148 = tpu.vector_load %arg8[%parallel_loop3A_147] {strides = array<i32>} : memref<2048xf32, #tpu.memory_space<vmem>>, vector<16xf32>,
      tpu.vector_store %arg8[%parallel_loop3A_147], %parallel_loop3A_111 {strides = array<i32>} : memref<2048xf32, #tpu.memory_space<vmem>>, vector<16xf32>,
      %parallel_loop3A_149 = arith.constant 256 : i32
      %parallel_loop3A_150 = arith.muli %parallel_loop3A_109, %parallel_loop3A_149 : i32
      %parallel_loop3A_151 = arith.constant 80 : i32
      %parallel_loop3A_152 = arith.addi %parallel_loop3A_150, %parallel_loop3A_151 : i32
      %parallel_loop3A_153 = arith.index_cast %parallel_loop3A_152 : i32 to index
      %parallel_loop3A_154 = tpu.vector_load %arg8[%parallel_loop3A_153] {strides = array<i32>} : memref<2048xf32, #tpu.memory_space<vmem>>, vector<16xf32>,
      tpu.vector_store %arg8[%parallel_loop3A_153], %parallel_loop3A_111 {strides = array<i32>} : memref<2048xf32, #tpu.memory_space<vmem>>, vector<16xf32>,
      %parallel_loop3A_155 = arith.constant 256 : i32
      %parallel_loop3A_156 = arith.muli %parallel_loop3A_109, %parallel_loop3A_155 : i32
      %parallel_loop3A_157 = arith.constant 96 : i32
      %parallel_loop3A_158 = arith.addi %parallel_loop3A_156, %parallel_loop3A_157 : i32
      %parallel_loop3A_159 = arith.index_cast %parallel_loop3A_158 : i32 to index
      %parallel_loop3A_160 = tpu.vector_load %arg8[%parallel_loop3A_159] {strides = array<i32>} : memref<2048xf32, #tpu.memory_space<vmem>>, vector<16xf32>,
      tpu.vector_store %arg8[%parallel_loop3A_159], %parallel_loop3A_111 {strides = array<i32>} : memref<2048xf32, #tpu.memory_space<vmem>>, vector<16xf32>,
      %parallel_loop3A_161 = arith.constant 256 : i32
      %parallel_loop3A_162 = arith.muli %parallel_loop3A_109, %parallel_loop3A_161 : i32
      %parallel_loop3A_163 = arith.constant 112 : i32
      %parallel_loop3A_164 = arith.addi %parallel_loop3A_162, %parallel_loop3A_163 : i32
      %parallel_loop3A_165 = arith.index_cast %parallel_loop3A_164 : i32 to index
      %parallel_loop3A_166 = tpu.vector_load %arg8[%parallel_loop3A_165] {strides = array<i32>} : memref<2048xf32, #tpu.memory_space<vmem>>, vector<16xf32>,
      tpu.vector_store %arg8[%parallel_loop3A_165], %parallel_loop3A_111 {strides = array<i32>} : memref<2048xf32, #tpu.memory_space<vmem>>, vector<16xf32>,
      %parallel_loop3A_167 = arith.constant 256 : i32
      %parallel_loop3A_168 = arith.muli %parallel_loop3A_109, %parallel_loop3A_167 : i32
      %parallel_loop3A_169 = arith.constant 128 : i32
      %parallel_loop3A_170 = arith.addi %parallel_loop3A_168, %parallel_loop3A_169 : i32
      %parallel_loop3A_171 = arith.index_cast %parallel_loop3A_170 : i32 to index
      %parallel_loop3A_172 = tpu.vector_load %arg8[%parallel_loop3A_171] {strides = array<i32>} : memref<2048xf32, #tpu.memory_space<vmem>>, vector<16xf32>,
      tpu.vector_store %arg8[%parallel_loop3A_171], %parallel_loop3A_111 {strides = array<i32>} : memref<2048xf32, #tpu.memory_space<vmem>>, vector<16xf32>,
      %parallel_loop3A_173 = arith.constant 256 : i32
      %parallel_loop3A_174 = arith.muli %parallel_loop3A_109, %parallel_loop3A_173 : i32
      %parallel_loop3A_175 = arith.constant 144 : i32
      %parallel_loop3A_176 = arith.addi %parallel_loop3A_174, %parallel_loop3A_175 : i32
      %parallel_loop3A_177 = arith.index_cast %parallel_loop3A_176 : i32 to index
      %parallel_loop3A_178 = tpu.vector_load %arg8[%parallel_loop3A_177] {strides = array<i32>} : memref<2048xf32, #tpu.memory_space<vmem>>, vector<16xf32>,
      tpu.vector_store %arg8[%parallel_loop3A_177], %parallel_loop3A_111 {strides = array<i32>} : memref<2048xf32, #tpu.memory_space<vmem>>, vector<16xf32>,
      %parallel_loop3A_179 = arith.constant 256 : i32
      %parallel_loop3A_180 = arith.muli %parallel_loop3A_109, %parallel_loop3A_179 : i32
      %parallel_loop3A_181 = arith.constant 160 : i32
      %parallel_loop3A_182 = arith.addi %parallel_loop3A_180, %parallel_loop3A_181 : i32
      %parallel_loop3A_183 = arith.index_cast %parallel_loop3A_182 : i32 to index
      %parallel_loop3A_184 = tpu.vector_load %arg8[%parallel_loop3A_183] {strides = array<i32>} : memref<2048xf32, #tpu.memory_space<vmem>>, vector<16xf32>,
      tpu.vector_store %arg8[%parallel_loop3A_183], %parallel_loop3A_111 {strides = array<i32>} : memref<2048xf32, #tpu.memory_space<vmem>>, vector<16xf32>,
      %parallel_loop3A_185 = arith.constant 256 : i32
      %parallel_loop3A_186 = arith.muli %parallel_loop3A_109, %parallel_loop3A_185 : i32
      %parallel_loop3A_187 = arith.constant 176 : i32
      %parallel_loop3A_188 = arith.addi %parallel_loop3A_186, %parallel_loop3A_187 : i32
      %parallel_loop3A_189 = arith.index_cast %parallel_loop3A_188 : i32 to index
      %parallel_loop3A_190 = tpu.vector_load %arg8[%parallel_loop3A_189] {strides = array<i32>} : memref<2048xf32, #tpu.memory_space<vmem>>, vector<16xf32>,
      tpu.vector_store %arg8[%parallel_loop3A_189], %parallel_loop3A_111 {strides = array<i32>} : memref<2048xf32, #tpu.memory_space<vmem>>, vector<16xf32>,
      %parallel_loop3A_191 = arith.constant 256 : i32
      %parallel_loop3A_192 = arith.muli %parallel_loop3A_109, %parallel_loop3A_191 : i32
      %parallel_loop3A_193 = arith.constant 192 : i32
      %parallel_loop3A_194 = arith.addi %parallel_loop3A_192, %parallel_loop3A_193 : i32
      %parallel_loop3A_195 = arith.index_cast %parallel_loop3A_194 : i32 to index
      %parallel_loop3A_196 = tpu.vector_load %arg8[%parallel_loop3A_195] {strides = array<i32>} : memref<2048xf32, #tpu.memory_space<vmem>>, vector<16xf32>,
      tpu.vector_store %arg8[%parallel_loop3A_195], %parallel_loop3A_111 {strides = array<i32>} : memref<2048xf32, #tpu.memory_space<vmem>>, vector<16xf32>,
      %parallel_loop3A_197 = arith.constant 256 : i32
      %parallel_loop3A_198 = arith.muli %parallel_loop3A_109, %parallel_loop3A_197 : i32
      %parallel_loop3A_199 = arith.constant 208 : i32
      %parallel_loop3A_200 = arith.addi %parallel_loop3A_198, %parallel_loop3A_199 : i32
      %parallel_loop3A_201 = arith.index_cast %parallel_loop3A_200 : i32 to index
      %parallel_loop3A_202 = tpu.vector_load %arg8[%parallel_loop3A_201] {strides = array<i32>} : memref<2048xf32, #tpu.memory_space<vmem>>, vector<16xf32>,
      tpu.vector_store %arg8[%parallel_loop3A_201], %parallel_loop3A_111 {strides = array<i32>} : memref<2048xf32, #tpu.memory_space<vmem>>, vector<16xf32>,
      %parallel_loop3A_203 = arith.constant 256 : i32
      %parallel_loop3A_204 = arith.muli %parallel_loop3A_109, %parallel_loop3A_203 : i32
      %parallel_loop3A_205 = arith.constant 224 : i32
      %parallel_loop3A_206 = arith.addi %parallel_loop3A_204, %parallel_loop3A_205 : i32
      %parallel_loop3A_207 = arith.index_cast %parallel_loop3A_206 : i32 to index
      %parallel_loop3A_208 = tpu.vector_load %arg8[%parallel_loop3A_207] {strides = array<i32>} : memref<2048xf32, #tpu.memory_space<vmem>>, vector<16xf32>,
      tpu.vector_store %arg8[%parallel_loop3A_207], %parallel_loop3A_111 {strides = array<i32>} : memref<2048xf32, #tpu.memory_space<vmem>>, vector<16xf32>,
      %parallel_loop3A_209 = arith.constant 256 : i32
      %parallel_loop3A_210 = arith.muli %parallel_loop3A_109, %parallel_loop3A_209 : i32
      %parallel_loop3A_211 = arith.constant 240 : i32
      %parallel_loop3A_212 = arith.addi %parallel_loop3A_210, %parallel_loop3A_211 : i32
      %parallel_loop3A_213 = arith.index_cast %parallel_loop3A_212 : i32 to index
      %parallel_loop3A_214 = tpu.vector_load %arg8[%parallel_loop3A_213] {strides = array<i32>} : memref<2048xf32, #tpu.memory_space<vmem>>, vector<16xf32>,
      tpu.vector_store %arg8[%parallel_loop3A_213], %parallel_loop3A_111 {strides = array<i32>} : memref<2048xf32, #tpu.memory_space<vmem>>, vector<16xf32>,
      %parallel_loop3A_215 = arith.constant 0 : i32
      %parallel_loop3A_216 = arith.constant 256 : i32
      %parallel_loop3A_217 = arith.constant 1 : i32
      scf.for %parallel_loop3A_436 = %parallel_loop3A_215 to %parallel_loop3A_216 step %parallel_loop3A_217  : i32 {
        %parallel_loop3A_437 = arith.constant 16 : i32
        %parallel_loop3A_438 = arith.muli %parallel_loop3A_436, %parallel_loop3A_437 : i32
        %parallel_loop3A_439 = arith.index_cast %parallel_loop3A_109 : i32 to index
        %parallel_loop3A_440 = arith.index_cast %parallel_loop3A_438 : i32 to index
        %parallel_loop3A_441 = tpu.vector_load %arg6[%parallel_loop3A_439, %parallel_loop3A_440] {strides = array<i32>} : memref<8x4096xf32, #tpu.memory_space<vmem>>, vector<16xf32>,
        %parallel_loop3A_442 = arith.mulf %parallel_loop3A_441, %convert_element_type3A : vector<16xf32>
        %parallel_loop3A_443 = vector.shape_cast %and3A_12 : vector<16xi32> to vector<16x1xi32>
        %parallel_loop3A_444 = vector.shape_cast %parallel_loop3A_443 : vector<16x1xi32> to vector<16xi32>
        %parallel_loop3A_445 = tpu.dynamic_gather %parallel_loop3A_442[%parallel_loop3A_444] in [0] : vector<16xf32>, vector<16xi32> -> vector<16xf32>
        %parallel_loop3A_446 = arith.addf %parallel_loop3A_442, %parallel_loop3A_445 : vector<16xf32>
        %parallel_loop3A_447 = vector.shape_cast %and3A_18 : vector<16xi32> to vector<16x1xi32>
        %parallel_loop3A_448 = vector.shape_cast %parallel_loop3A_447 : vector<16x1xi32> to vector<16xi32>
        %parallel_loop3A_449 = tpu.dynamic_gather %parallel_loop3A_446[%parallel_loop3A_448] in [0] : vector<16xf32>, vector<16xi32> -> vector<16xf32>
        %parallel_loop3A_450 = arith.addf %parallel_loop3A_446, %parallel_loop3A_449 : vector<16xf32>
        %parallel_loop3A_451 = arith.fptosi %parallel_loop3A_450 : vector<16xf32> to vector<16xi32>
        %parallel_loop3A_452 = arith.addi %parallel_loop3A_118, %parallel_loop3A_451 : vector<16xi32>
        tpu.vector_store_idx %arg8[%parallel_loop3A_452], %parallel_loop3A_114 {add = true} : memref<2048xf32, #tpu.memory_space<vmem>>[vector<16xi32>], vector<16xf32>,
      } {sc.loop_unroll_factor = 16 : i64, sc.parallel_access}
      %parallel_loop3A_218 = arith.constant 8 : i32
      %parallel_loop3A_219 = arith.addi %parallel_loop3A_218, %parallel_loop3A_109 : i32
      %parallel_loop3A_220 = arith.index_cast %parallel_loop3A_219 : i32 to index
      %parallel_loop3A_221 = arith.constant 0 : index
      %parallel_loop3A_222 = tpu.vector_load %arg7[%parallel_loop3A_220, %parallel_loop3A_221] {strides = array<i32>} : memref<32x16xf32, #tpu.memory_space<vmem>>, vector<16xf32>,
      %parallel_loop3A_223 = arith.constant 256 : i32
      %parallel_loop3A_224 = arith.muli %parallel_loop3A_109, %parallel_loop3A_223 : i32
      %parallel_loop3A_225 = arith.constant 0 : i32
      %parallel_loop3A_226 = arith.addi %parallel_loop3A_224, %parallel_loop3A_225 : i32
      %parallel_loop3A_227 = arith.index_cast %parallel_loop3A_226 : i32 to index
      %parallel_loop3A_228 = tpu.vector_load %arg8[%parallel_loop3A_227] {strides = array<i32>} : memref<2048xf32, #tpu.memory_space<vmem>>, vector<16xf32>,
      %parallel_loop3A_229 = arith.constant 0 : i32
      %parallel_loop3A_230 = vector.broadcast %parallel_loop3A_229 : i32 to vector<16xi32>
      %parallel_loop3A_231 = vector.shape_cast %parallel_loop3A_230 : vector<16xi32> to vector<16x1xi32>
      %parallel_loop3A_232 = vector.shape_cast %parallel_loop3A_231 : vector<16x1xi32> to vector<16xi32>
      %parallel_loop3A_233 = tpu.dynamic_gather %parallel_loop3A_222[%parallel_loop3A_232] in [0] : vector<16xf32>, vector<16xi32> -> vector<16xf32>
      %parallel_loop3A_234 = arith.mulf %parallel_loop3A_228, %parallel_loop3A_233 : vector<16xf32>
      %parallel_loop3A_235 = arith.addf %parallel_loop3A_111, %parallel_loop3A_234 : vector<16xf32>
      %parallel_loop3A_236 = arith.constant 256 : i32
      %parallel_loop3A_237 = arith.muli %parallel_loop3A_109, %parallel_loop3A_236 : i32
      %parallel_loop3A_238 = arith.constant 16 : i32
      %parallel_loop3A_239 = arith.addi %parallel_loop3A_237, %parallel_loop3A_238 : i32
      %parallel_loop3A_240 = arith.index_cast %parallel_loop3A_239 : i32 to index
      %parallel_loop3A_241 = tpu.vector_load %arg8[%parallel_loop3A_240] {strides = array<i32>} : memref<2048xf32, #tpu.memory_space<vmem>>, vector<16xf32>,
      %parallel_loop3A_242 = arith.constant 1 : i32
      %parallel_loop3A_243 = vector.broadcast %parallel_loop3A_242 : i32 to vector<16xi32>
      %parallel_loop3A_244 = vector.shape_cast %parallel_loop3A_243 : vector<16xi32> to vector<16x1xi32>
      %parallel_loop3A_245 = vector.shape_cast %parallel_loop3A_244 : vector<16x1xi32> to vector<16xi32>
      %parallel_loop3A_246 = tpu.dynamic_gather %parallel_loop3A_222[%parallel_loop3A_245] in [0] : vector<16xf32>, vector<16xi32> -> vector<16xf32>
      %parallel_loop3A_247 = arith.mulf %parallel_loop3A_241, %parallel_loop3A_246 : vector<16xf32>
      %parallel_loop3A_248 = arith.addf %parallel_loop3A_235, %parallel_loop3A_247 : vector<16xf32>
      %parallel_loop3A_249 = arith.constant 256 : i32
      %parallel_loop3A_250 = arith.muli %parallel_loop3A_109, %parallel_loop3A_249 : i32
      %parallel_loop3A_251 = arith.constant 32 : i32
      %parallel_loop3A_252 = arith.addi %parallel_loop3A_250, %parallel_loop3A_251 : i32
      %parallel_loop3A_253 = arith.index_cast %parallel_loop3A_252 : i32 to index
      %parallel_loop3A_254 = tpu.vector_load %arg8[%parallel_loop3A_253] {strides = array<i32>} : memref<2048xf32, #tpu.memory_space<vmem>>, vector<16xf32>,
      %parallel_loop3A_255 = arith.constant 2 : i32
      %parallel_loop3A_256 = vector.broadcast %parallel_loop3A_255 : i32 to vector<16xi32>
      %parallel_loop3A_257 = vector.shape_cast %parallel_loop3A_256 : vector<16xi32> to vector<16x1xi32>
      %parallel_loop3A_258 = vector.shape_cast %parallel_loop3A_257 : vector<16x1xi32> to vector<16xi32>
      %parallel_loop3A_259 = tpu.dynamic_gather %parallel_loop3A_222[%parallel_loop3A_258] in [0] : vector<16xf32>, vector<16xi32> -> vector<16xf32>
      %parallel_loop3A_260 = arith.mulf %parallel_loop3A_254, %parallel_loop3A_259 : vector<16xf32>
      %parallel_loop3A_261 = arith.addf %parallel_loop3A_248, %parallel_loop3A_260 : vector<16xf32>
      %parallel_loop3A_262 = arith.constant 256 : i32
      %parallel_loop3A_263 = arith.muli %parallel_loop3A_109, %parallel_loop3A_262 : i32
      %parallel_loop3A_264 = arith.constant 48 : i32
      %parallel_loop3A_265 = arith.addi %parallel_loop3A_263, %parallel_loop3A_264 : i32
      %parallel_loop3A_266 = arith.index_cast %parallel_loop3A_265 : i32 to index
      %parallel_loop3A_267 = tpu.vector_load %arg8[%parallel_loop3A_266] {strides = array<i32>} : memref<2048xf32, #tpu.memory_space<vmem>>, vector<16xf32>,
      %parallel_loop3A_268 = arith.constant 3 : i32
      %parallel_loop3A_269 = vector.broadcast %parallel_loop3A_268 : i32 to vector<16xi32>
      %parallel_loop3A_270 = vector.shape_cast %parallel_loop3A_269 : vector<16xi32> to vector<16x1xi32>
      %parallel_loop3A_271 = vector.shape_cast %parallel_loop3A_270 : vector<16x1xi32> to vector<16xi32>
      %parallel_loop3A_272 = tpu.dynamic_gather %parallel_loop3A_222[%parallel_loop3A_271] in [0] : vector<16xf32>, vector<16xi32> -> vector<16xf32>
      %parallel_loop3A_273 = arith.mulf %parallel_loop3A_267, %parallel_loop3A_272 : vector<16xf32>
      %parallel_loop3A_274 = arith.addf %parallel_loop3A_261, %parallel_loop3A_273 : vector<16xf32>
      %parallel_loop3A_275 = arith.constant 256 : i32
      %parallel_loop3A_276 = arith.muli %parallel_loop3A_109, %parallel_loop3A_275 : i32
      %parallel_loop3A_277 = arith.constant 64 : i32
      %parallel_loop3A_278 = arith.addi %parallel_loop3A_276, %parallel_loop3A_277 : i32
      %parallel_loop3A_279 = arith.index_cast %parallel_loop3A_278 : i32 to index
      %parallel_loop3A_280 = tpu.vector_load %arg8[%parallel_loop3A_279] {strides = array<i32>} : memref<2048xf32, #tpu.memory_space<vmem>>, vector<16xf32>,
      %parallel_loop3A_281 = arith.constant 4 : i32
      %parallel_loop3A_282 = vector.broadcast %parallel_loop3A_281 : i32 to vector<16xi32>
      %parallel_loop3A_283 = vector.shape_cast %parallel_loop3A_282 : vector<16xi32> to vector<16x1xi32>
      %parallel_loop3A_284 = vector.shape_cast %parallel_loop3A_283 : vector<16x1xi32> to vector<16xi32>
      %parallel_loop3A_285 = tpu.dynamic_gather %parallel_loop3A_222[%parallel_loop3A_284] in [0] : vector<16xf32>, vector<16xi32> -> vector<16xf32>
      %parallel_loop3A_286 = arith.mulf %parallel_loop3A_280, %parallel_loop3A_285 : vector<16xf32>
      %parallel_loop3A_287 = arith.addf %parallel_loop3A_274, %parallel_loop3A_286 : vector<16xf32>
      %parallel_loop3A_288 = arith.constant 256 : i32
      %parallel_loop3A_289 = arith.muli %parallel_loop3A_109, %parallel_loop3A_288 : i32
      %parallel_loop3A_290 = arith.constant 80 : i32
      %parallel_loop3A_291 = arith.addi %parallel_loop3A_289, %parallel_loop3A_290 : i32
      %parallel_loop3A_292 = arith.index_cast %parallel_loop3A_291 : i32 to index
      %parallel_loop3A_293 = tpu.vector_load %arg8[%parallel_loop3A_292] {strides = array<i32>} : memref<2048xf32, #tpu.memory_space<vmem>>, vector<16xf32>,
      %parallel_loop3A_294 = arith.constant 5 : i32
      %parallel_loop3A_295 = vector.broadcast %parallel_loop3A_294 : i32 to vector<16xi32>
      %parallel_loop3A_296 = vector.shape_cast %parallel_loop3A_295 : vector<16xi32> to vector<16x1xi32>
      %parallel_loop3A_297 = vector.shape_cast %parallel_loop3A_296 : vector<16x1xi32> to vector<16xi32>
      %parallel_loop3A_298 = tpu.dynamic_gather %parallel_loop3A_222[%parallel_loop3A_297] in [0] : vector<16xf32>, vector<16xi32> -> vector<16xf32>
      %parallel_loop3A_299 = arith.mulf %parallel_loop3A_293, %parallel_loop3A_298 : vector<16xf32>
      %parallel_loop3A_300 = arith.addf %parallel_loop3A_287, %parallel_loop3A_299 : vector<16xf32>
      %parallel_loop3A_301 = arith.constant 256 : i32
      %parallel_loop3A_302 = arith.muli %parallel_loop3A_109, %parallel_loop3A_301 : i32
      %parallel_loop3A_303 = arith.constant 96 : i32
      %parallel_loop3A_304 = arith.addi %parallel_loop3A_302, %parallel_loop3A_303 : i32
      %parallel_loop3A_305 = arith.index_cast %parallel_loop3A_304 : i32 to index
      %parallel_loop3A_306 = tpu.vector_load %arg8[%parallel_loop3A_305] {strides = array<i32>} : memref<2048xf32, #tpu.memory_space<vmem>>, vector<16xf32>,
      %parallel_loop3A_307 = arith.constant 6 : i32
      %parallel_loop3A_308 = vector.broadcast %parallel_loop3A_307 : i32 to vector<16xi32>
      %parallel_loop3A_309 = vector.shape_cast %parallel_loop3A_308 : vector<16xi32> to vector<16x1xi32>
      %parallel_loop3A_310 = vector.shape_cast %parallel_loop3A_309 : vector<16x1xi32> to vector<16xi32>
      %parallel_loop3A_311 = tpu.dynamic_gather %parallel_loop3A_222[%parallel_loop3A_310] in [0] : vector<16xf32>, vector<16xi32> -> vector<16xf32>
      %parallel_loop3A_312 = arith.mulf %parallel_loop3A_306, %parallel_loop3A_311 : vector<16xf32>
      %parallel_loop3A_313 = arith.addf %parallel_loop3A_300, %parallel_loop3A_312 : vector<16xf32>
      %parallel_loop3A_314 = arith.constant 256 : i32
      %parallel_loop3A_315 = arith.muli %parallel_loop3A_109, %parallel_loop3A_314 : i32
      %parallel_loop3A_316 = arith.constant 112 : i32
      %parallel_loop3A_317 = arith.addi %parallel_loop3A_315, %parallel_loop3A_316 : i32
      %parallel_loop3A_318 = arith.index_cast %parallel_loop3A_317 : i32 to index
      %parallel_loop3A_319 = tpu.vector_load %arg8[%parallel_loop3A_318] {strides = array<i32>} : memref<2048xf32, #tpu.memory_space<vmem>>, vector<16xf32>,
      %parallel_loop3A_320 = arith.constant 7 : i32
      %parallel_loop3A_321 = vector.broadcast %parallel_loop3A_320 : i32 to vector<16xi32>
      %parallel_loop3A_322 = vector.shape_cast %parallel_loop3A_321 : vector<16xi32> to vector<16x1xi32>
      %parallel_loop3A_323 = vector.shape_cast %parallel_loop3A_322 : vector<16x1xi32> to vector<16xi32>
      %parallel_loop3A_324 = tpu.dynamic_gather %parallel_loop3A_222[%parallel_loop3A_323] in [0] : vector<16xf32>, vector<16xi32> -> vector<16xf32>
      %parallel_loop3A_325 = arith.mulf %parallel_loop3A_319, %parallel_loop3A_324 : vector<16xf32>
      %parallel_loop3A_326 = arith.addf %parallel_loop3A_313, %parallel_loop3A_325 : vector<16xf32>
      %parallel_loop3A_327 = arith.constant 256 : i32
      %parallel_loop3A_328 = arith.muli %parallel_loop3A_109, %parallel_loop3A_327 : i32
      %parallel_loop3A_329 = arith.constant 128 : i32
      %parallel_loop3A_330 = arith.addi %parallel_loop3A_328, %parallel_loop3A_329 : i32
      %parallel_loop3A_331 = arith.index_cast %parallel_loop3A_330 : i32 to index
      %parallel_loop3A_332 = tpu.vector_load %arg8[%parallel_loop3A_331] {strides = array<i32>} : memref<2048xf32, #tpu.memory_space<vmem>>, vector<16xf32>,
      %parallel_loop3A_333 = arith.constant 8 : i32
      %parallel_loop3A_334 = vector.broadcast %parallel_loop3A_333 : i32 to vector<16xi32>
      %parallel_loop3A_335 = vector.shape_cast %parallel_loop3A_334 : vector<16xi32> to vector<16x1xi32>
      %parallel_loop3A_336 = vector.shape_cast %parallel_loop3A_335 : vector<16x1xi32> to vector<16xi32>
      %parallel_loop3A_337 = tpu.dynamic_gather %parallel_loop3A_222[%parallel_loop3A_336] in [0] : vector<16xf32>, vector<16xi32> -> vector<16xf32>
      %parallel_loop3A_338 = arith.mulf %parallel_loop3A_332, %parallel_loop3A_337 : vector<16xf32>
      %parallel_loop3A_339 = arith.addf %parallel_loop3A_326, %parallel_loop3A_338 : vector<16xf32>
      %parallel_loop3A_340 = arith.constant 256 : i32
      %parallel_loop3A_341 = arith.muli %parallel_loop3A_109, %parallel_loop3A_340 : i32
      %parallel_loop3A_342 = arith.constant 144 : i32
      %parallel_loop3A_343 = arith.addi %parallel_loop3A_341, %parallel_loop3A_342 : i32
      %parallel_loop3A_344 = arith.index_cast %parallel_loop3A_343 : i32 to index
      %parallel_loop3A_345 = tpu.vector_load %arg8[%parallel_loop3A_344] {strides = array<i32>} : memref<2048xf32, #tpu.memory_space<vmem>>, vector<16xf32>,
      %parallel_loop3A_346 = arith.constant 9 : i32
      %parallel_loop3A_347 = vector.broadcast %parallel_loop3A_346 : i32 to vector<16xi32>
      %parallel_loop3A_348 = vector.shape_cast %parallel_loop3A_347 : vector<16xi32> to vector<16x1xi32>
      %parallel_loop3A_349 = vector.shape_cast %parallel_loop3A_348 : vector<16x1xi32> to vector<16xi32>
      %parallel_loop3A_350 = tpu.dynamic_gather %parallel_loop3A_222[%parallel_loop3A_349] in [0] : vector<16xf32>, vector<16xi32> -> vector<16xf32>
      %parallel_loop3A_351 = arith.mulf %parallel_loop3A_345, %parallel_loop3A_350 : vector<16xf32>
      %parallel_loop3A_352 = arith.addf %parallel_loop3A_339, %parallel_loop3A_351 : vector<16xf32>
      %parallel_loop3A_353 = arith.constant 256 : i32
      %parallel_loop3A_354 = arith.muli %parallel_loop3A_109, %parallel_loop3A_353 : i32
      %parallel_loop3A_355 = arith.constant 160 : i32
      %parallel_loop3A_356 = arith.addi %parallel_loop3A_354, %parallel_loop3A_355 : i32
      %parallel_loop3A_357 = arith.index_cast %parallel_loop3A_356 : i32 to index
      %parallel_loop3A_358 = tpu.vector_load %arg8[%parallel_loop3A_357] {strides = array<i32>} : memref<2048xf32, #tpu.memory_space<vmem>>, vector<16xf32>,
      %parallel_loop3A_359 = arith.constant 10 : i32
      %parallel_loop3A_360 = vector.broadcast %parallel_loop3A_359 : i32 to vector<16xi32>
      %parallel_loop3A_361 = vector.shape_cast %parallel_loop3A_360 : vector<16xi32> to vector<16x1xi32>
      %parallel_loop3A_362 = vector.shape_cast %parallel_loop3A_361 : vector<16x1xi32> to vector<16xi32>
      %parallel_loop3A_363 = tpu.dynamic_gather %parallel_loop3A_222[%parallel_loop3A_362] in [0] : vector<16xf32>, vector<16xi32> -> vector<16xf32>
      %parallel_loop3A_364 = arith.mulf %parallel_loop3A_358, %parallel_loop3A_363 : vector<16xf32>
      %parallel_loop3A_365 = arith.addf %parallel_loop3A_352, %parallel_loop3A_364 : vector<16xf32>
      %parallel_loop3A_366 = arith.constant 256 : i32
      %parallel_loop3A_367 = arith.muli %parallel_loop3A_109, %parallel_loop3A_366 : i32
      %parallel_loop3A_368 = arith.constant 176 : i32
      %parallel_loop3A_369 = arith.addi %parallel_loop3A_367, %parallel_loop3A_368 : i32
      %parallel_loop3A_370 = arith.index_cast %parallel_loop3A_369 : i32 to index
      %parallel_loop3A_371 = tpu.vector_load %arg8[%parallel_loop3A_370] {strides = array<i32>} : memref<2048xf32, #tpu.memory_space<vmem>>, vector<16xf32>,
      %parallel_loop3A_372 = arith.constant 11 : i32
      %parallel_loop3A_373 = vector.broadcast %parallel_loop3A_372 : i32 to vector<16xi32>
      %parallel_loop3A_374 = vector.shape_cast %parallel_loop3A_373 : vector<16xi32> to vector<16x1xi32>
      %parallel_loop3A_375 = vector.shape_cast %parallel_loop3A_374 : vector<16x1xi32> to vector<16xi32>
      %parallel_loop3A_376 = tpu.dynamic_gather %parallel_loop3A_222[%parallel_loop3A_375] in [0] : vector<16xf32>, vector<16xi32> -> vector<16xf32>
      %parallel_loop3A_377 = arith.mulf %parallel_loop3A_371, %parallel_loop3A_376 : vector<16xf32>
      %parallel_loop3A_378 = arith.addf %parallel_loop3A_365, %parallel_loop3A_377 : vector<16xf32>
      %parallel_loop3A_379 = arith.constant 256 : i32
      %parallel_loop3A_380 = arith.muli %parallel_loop3A_109, %parallel_loop3A_379 : i32
      %parallel_loop3A_381 = arith.constant 192 : i32
      %parallel_loop3A_382 = arith.addi %parallel_loop3A_380, %parallel_loop3A_381 : i32
      %parallel_loop3A_383 = arith.index_cast %parallel_loop3A_382 : i32 to index
      %parallel_loop3A_384 = tpu.vector_load %arg8[%parallel_loop3A_383] {strides = array<i32>} : memref<2048xf32, #tpu.memory_space<vmem>>, vector<16xf32>,
      %parallel_loop3A_385 = arith.constant 12 : i32
      %parallel_loop3A_386 = vector.broadcast %parallel_loop3A_385 : i32 to vector<16xi32>
      %parallel_loop3A_387 = vector.shape_cast %parallel_loop3A_386 : vector<16xi32> to vector<16x1xi32>
      %parallel_loop3A_388 = vector.shape_cast %parallel_loop3A_387 : vector<16x1xi32> to vector<16xi32>
      %parallel_loop3A_389 = tpu.dynamic_gather %parallel_loop3A_222[%parallel_loop3A_388] in [0] : vector<16xf32>, vector<16xi32> -> vector<16xf32>
      %parallel_loop3A_390 = arith.mulf %parallel_loop3A_384, %parallel_loop3A_389 : vector<16xf32>
      %parallel_loop3A_391 = arith.addf %parallel_loop3A_378, %parallel_loop3A_390 : vector<16xf32>
      %parallel_loop3A_392 = arith.constant 256 : i32
      %parallel_loop3A_393 = arith.muli %parallel_loop3A_109, %parallel_loop3A_392 : i32
      %parallel_loop3A_394 = arith.constant 208 : i32
      %parallel_loop3A_395 = arith.addi %parallel_loop3A_393, %parallel_loop3A_394 : i32
      %parallel_loop3A_396 = arith.index_cast %parallel_loop3A_395 : i32 to index
      %parallel_loop3A_397 = tpu.vector_load %arg8[%parallel_loop3A_396] {strides = array<i32>} : memref<2048xf32, #tpu.memory_space<vmem>>, vector<16xf32>,
      %parallel_loop3A_398 = arith.constant 13 : i32
      %parallel_loop3A_399 = vector.broadcast %parallel_loop3A_398 : i32 to vector<16xi32>
      %parallel_loop3A_400 = vector.shape_cast %parallel_loop3A_399 : vector<16xi32> to vector<16x1xi32>
      %parallel_loop3A_401 = vector.shape_cast %parallel_loop3A_400 : vector<16x1xi32> to vector<16xi32>
      %parallel_loop3A_402 = tpu.dynamic_gather %parallel_loop3A_222[%parallel_loop3A_401] in [0] : vector<16xf32>, vector<16xi32> -> vector<16xf32>
      %parallel_loop3A_403 = arith.mulf %parallel_loop3A_397, %parallel_loop3A_402 : vector<16xf32>
      %parallel_loop3A_404 = arith.addf %parallel_loop3A_391, %parallel_loop3A_403 : vector<16xf32>
      %parallel_loop3A_405 = arith.constant 256 : i32
      %parallel_loop3A_406 = arith.muli %parallel_loop3A_109, %parallel_loop3A_405 : i32
      %parallel_loop3A_407 = arith.constant 224 : i32
      %parallel_loop3A_408 = arith.addi %parallel_loop3A_406, %parallel_loop3A_407 : i32
      %parallel_loop3A_409 = arith.index_cast %parallel_loop3A_408 : i32 to index
      %parallel_loop3A_410 = tpu.vector_load %arg8[%parallel_loop3A_409] {strides = array<i32>} : memref<2048xf32, #tpu.memory_space<vmem>>, vector<16xf32>,
      %parallel_loop3A_411 = arith.constant 14 : i32
      %parallel_loop3A_412 = vector.broadcast %parallel_loop3A_411 : i32 to vector<16xi32>
      %parallel_loop3A_413 = vector.shape_cast %parallel_loop3A_412 : vector<16xi32> to vector<16x1xi32>
      %parallel_loop3A_414 = vector.shape_cast %parallel_loop3A_413 : vector<16x1xi32> to vector<16xi32>
      %parallel_loop3A_415 = tpu.dynamic_gather %parallel_loop3A_222[%parallel_loop3A_414] in [0] : vector<16xf32>, vector<16xi32> -> vector<16xf32>
      %parallel_loop3A_416 = arith.mulf %parallel_loop3A_410, %parallel_loop3A_415 : vector<16xf32>
      %parallel_loop3A_417 = arith.addf %parallel_loop3A_404, %parallel_loop3A_416 : vector<16xf32>
      %parallel_loop3A_418 = arith.constant 256 : i32
      %parallel_loop3A_419 = arith.muli %parallel_loop3A_109, %parallel_loop3A_418 : i32
      %parallel_loop3A_420 = arith.constant 240 : i32
      %parallel_loop3A_421 = arith.addi %parallel_loop3A_419, %parallel_loop3A_420 : i32
      %parallel_loop3A_422 = arith.index_cast %parallel_loop3A_421 : i32 to index
      %parallel_loop3A_423 = tpu.vector_load %arg8[%parallel_loop3A_422] {strides = array<i32>} : memref<2048xf32, #tpu.memory_space<vmem>>, vector<16xf32>,
      %parallel_loop3A_424 = arith.constant 15 : i32
      %parallel_loop3A_425 = vector.broadcast %parallel_loop3A_424 : i32 to vector<16xi32>
      %parallel_loop3A_426 = vector.shape_cast %parallel_loop3A_425 : vector<16xi32> to vector<16x1xi32>
      %parallel_loop3A_427 = vector.shape_cast %parallel_loop3A_426 : vector<16x1xi32> to vector<16xi32>
      %parallel_loop3A_428 = tpu.dynamic_gather %parallel_loop3A_222[%parallel_loop3A_427] in [0] : vector<16xf32>, vector<16xi32> -> vector<16xf32>
      %parallel_loop3A_429 = arith.mulf %parallel_loop3A_423, %parallel_loop3A_428 : vector<16xf32>
      %parallel_loop3A_430 = arith.addf %parallel_loop3A_417, %parallel_loop3A_429 : vector<16xf32>
      %parallel_loop3A_431 = arith.constant 8 : i32
      %parallel_loop3A_432 = arith.addi %parallel_loop3A_431, %parallel_loop3A_109 : i32
      %parallel_loop3A_433 = arith.index_cast %parallel_loop3A_432 : i32 to index
      %parallel_loop3A_434 = arith.constant 0 : index
      %parallel_loop3A_435 = tpu.vector_load %arg9[%parallel_loop3A_433, %parallel_loop3A_434] {strides = array<i32>} : memref<32x16xf32, #tpu.memory_space<vmem>>, vector<16xf32>,
      tpu.vector_store %arg9[%parallel_loop3A_433, %parallel_loop3A_434], %parallel_loop3A_430 {strides = array<i32>} : memref<32x16xf32, #tpu.memory_space<vmem>>, vector<16xf32>,
    } {sc.loop_unroll_factor = 1 : i64, sc.parallel_access}
    %add3A_46 = arith.constant 24 : i32
    %add3A_47 = arith.addi %mul3A_2, %add3A_46 : i32
    %dma_start3A_48 = arith.constant 0 : i32
    %dma_start3A_49 = tpu.memref_slice %arg2[%add3A_47, %dma_start3A_48] : memref<1024x4096xf32, #tpu.memory_space<hbm>> -> memref<8x4096xf32, #tpu.memory_space<hbm>>
    %dma_start3A_50 = arith.constant 0 : i32
    %dma_start3A_51 = tpu.memref_slice %arg2[%add3A_47, %dma_start3A_50] : memref<1024x4096xf32, #tpu.memory_space<hbm>> -> memref<8x4096xf32, #tpu.memory_space<hbm>>
    tpu.enqueue_dma source(%dma_start3A_51 : memref<8x4096xf32, #tpu.memory_space<hbm>>) target(%arg6 : memref<8x4096xf32, #tpu.memory_space<vmem>>) target_semaphore(%arg12 : memref<!tpu.dma_semaphore, #tpu.memory_space<semaphore_mem>>)
    %dma_wait3A_52 = arith.constant 0 : i32
    %dma_wait3A_53 = tpu.memref_slice %arg2[%add3A_34, %dma_wait3A_52] : memref<1024x4096xf32, #tpu.memory_space<hbm>> -> memref<8x4096xf32, #tpu.memory_space<hbm>>
    %dma_wait3A_54 = arith.constant 0 : i32
    %dma_wait3A_55 = tpu.memref_slice %arg2[%add3A_34, %dma_wait3A_54] : memref<1024x4096xf32, #tpu.memory_space<hbm>> -> memref<8x4096xf32, #tpu.memory_space<hbm>>
    tpu.wait_dma2 semaphore(%arg11 : memref<!tpu.dma_semaphore, #tpu.memory_space<semaphore_mem>>) src(%dma_wait3A_55 : memref<8x4096xf32, #tpu.memory_space<hbm>>) dst(%arg5 : memref<8x4096xf32, #tpu.memory_space<vmem>>)
    %parallel_loop3A_56 = arith.constant 0 : i32
    %parallel_loop3A_57 = arith.constant 8 : i32
    %parallel_loop3A_58 = arith.constant 1 : i32
    scf.for %parallel_loop3A_109 = %parallel_loop3A_56 to %parallel_loop3A_57 step %parallel_loop3A_58  : i32 {
      %parallel_loop3A_110 = arith.constant 0.000000e+00 : f32
      %parallel_loop3A_111 = vector.broadcast %parallel_loop3A_110 : f32 to vector<16xf32>
      %parallel_loop3A_112 = arith.constant 1.000000e+00 : f32
      %parallel_loop3A_113 = vector.broadcast %parallel_loop3A_112 : f32 to vector<16xf32>
      %parallel_loop3A_114 = arith.addf %parallel_loop3A_111, %parallel_loop3A_113 : vector<16xf32>
      %parallel_loop3A_115 = arith.constant 256 : i32
      %parallel_loop3A_116 = arith.muli %parallel_loop3A_109, %parallel_loop3A_115 : i32
      %parallel_loop3A_117 = vector.broadcast %parallel_loop3A_116 : i32 to vector<16xi32>
      %parallel_loop3A_118 = arith.addi %parallel_loop3A_117, %iota3A : vector<16xi32>
      %parallel_loop3A_119 = arith.constant 256 : i32
      %parallel_loop3A_120 = arith.muli %parallel_loop3A_109, %parallel_loop3A_119 : i32
      %parallel_loop3A_121 = arith.constant 0 : i32
      %parallel_loop3A_122 = arith.addi %parallel_loop3A_120, %parallel_loop3A_121 : i32
      %parallel_loop3A_123 = arith.index_cast %parallel_loop3A_122 : i32 to index
      %parallel_loop3A_124 = tpu.vector_load %arg8[%parallel_loop3A_123] {strides = array<i32>} : memref<2048xf32, #tpu.memory_space<vmem>>, vector<16xf32>,
      tpu.vector_store %arg8[%parallel_loop3A_123], %parallel_loop3A_111 {strides = array<i32>} : memref<2048xf32, #tpu.memory_space<vmem>>, vector<16xf32>,
      %parallel_loop3A_125 = arith.constant 256 : i32
      %parallel_loop3A_126 = arith.muli %parallel_loop3A_109, %parallel_loop3A_125 : i32
      %parallel_loop3A_127 = arith.constant 16 : i32
      %parallel_loop3A_128 = arith.addi %parallel_loop3A_126, %parallel_loop3A_127 : i32
      %parallel_loop3A_129 = arith.index_cast %parallel_loop3A_128 : i32 to index
      %parallel_loop3A_130 = tpu.vector_load %arg8[%parallel_loop3A_129] {strides = array<i32>} : memref<2048xf32, #tpu.memory_space<vmem>>, vector<16xf32>,
      tpu.vector_store %arg8[%parallel_loop3A_129], %parallel_loop3A_111 {strides = array<i32>} : memref<2048xf32, #tpu.memory_space<vmem>>, vector<16xf32>,
      %parallel_loop3A_131 = arith.constant 256 : i32
      %parallel_loop3A_132 = arith.muli %parallel_loop3A_109, %parallel_loop3A_131 : i32
      %parallel_loop3A_133 = arith.constant 32 : i32
      %parallel_loop3A_134 = arith.addi %parallel_loop3A_132, %parallel_loop3A_133 : i32
      %parallel_loop3A_135 = arith.index_cast %parallel_loop3A_134 : i32 to index
      %parallel_loop3A_136 = tpu.vector_load %arg8[%parallel_loop3A_135] {strides = array<i32>} : memref<2048xf32, #tpu.memory_space<vmem>>, vector<16xf32>,
      tpu.vector_store %arg8[%parallel_loop3A_135], %parallel_loop3A_111 {strides = array<i32>} : memref<2048xf32, #tpu.memory_space<vmem>>, vector<16xf32>,
      %parallel_loop3A_137 = arith.constant 256 : i32
      %parallel_loop3A_138 = arith.muli %parallel_loop3A_109, %parallel_loop3A_137 : i32
      %parallel_loop3A_139 = arith.constant 48 : i32
      %parallel_loop3A_140 = arith.addi %parallel_loop3A_138, %parallel_loop3A_139 : i32
      %parallel_loop3A_141 = arith.index_cast %parallel_loop3A_140 : i32 to index
      %parallel_loop3A_142 = tpu.vector_load %arg8[%parallel_loop3A_141] {strides = array<i32>} : memref<2048xf32, #tpu.memory_space<vmem>>, vector<16xf32>,
      tpu.vector_store %arg8[%parallel_loop3A_141], %parallel_loop3A_111 {strides = array<i32>} : memref<2048xf32, #tpu.memory_space<vmem>>, vector<16xf32>,
      %parallel_loop3A_143 = arith.constant 256 : i32
      %parallel_loop3A_144 = arith.muli %parallel_loop3A_109, %parallel_loop3A_143 : i32
      %parallel_loop3A_145 = arith.constant 64 : i32
      %parallel_loop3A_146 = arith.addi %parallel_loop3A_144, %parallel_loop3A_145 : i32
      %parallel_loop3A_147 = arith.index_cast %parallel_loop3A_146 : i32 to index
      %parallel_loop3A_148 = tpu.vector_load %arg8[%parallel_loop3A_147] {strides = array<i32>} : memref<2048xf32, #tpu.memory_space<vmem>>, vector<16xf32>,
      tpu.vector_store %arg8[%parallel_loop3A_147], %parallel_loop3A_111 {strides = array<i32>} : memref<2048xf32, #tpu.memory_space<vmem>>, vector<16xf32>,
      %parallel_loop3A_149 = arith.constant 256 : i32
      %parallel_loop3A_150 = arith.muli %parallel_loop3A_109, %parallel_loop3A_149 : i32
      %parallel_loop3A_151 = arith.constant 80 : i32
      %parallel_loop3A_152 = arith.addi %parallel_loop3A_150, %parallel_loop3A_151 : i32
      %parallel_loop3A_153 = arith.index_cast %parallel_loop3A_152 : i32 to index
      %parallel_loop3A_154 = tpu.vector_load %arg8[%parallel_loop3A_153] {strides = array<i32>} : memref<2048xf32, #tpu.memory_space<vmem>>, vector<16xf32>,
      tpu.vector_store %arg8[%parallel_loop3A_153], %parallel_loop3A_111 {strides = array<i32>} : memref<2048xf32, #tpu.memory_space<vmem>>, vector<16xf32>,
      %parallel_loop3A_155 = arith.constant 256 : i32
      %parallel_loop3A_156 = arith.muli %parallel_loop3A_109, %parallel_loop3A_155 : i32
      %parallel_loop3A_157 = arith.constant 96 : i32
      %parallel_loop3A_158 = arith.addi %parallel_loop3A_156, %parallel_loop3A_157 : i32
      %parallel_loop3A_159 = arith.index_cast %parallel_loop3A_158 : i32 to index
      %parallel_loop3A_160 = tpu.vector_load %arg8[%parallel_loop3A_159] {strides = array<i32>} : memref<2048xf32, #tpu.memory_space<vmem>>, vector<16xf32>,
      tpu.vector_store %arg8[%parallel_loop3A_159], %parallel_loop3A_111 {strides = array<i32>} : memref<2048xf32, #tpu.memory_space<vmem>>, vector<16xf32>,
      %parallel_loop3A_161 = arith.constant 256 : i32
      %parallel_loop3A_162 = arith.muli %parallel_loop3A_109, %parallel_loop3A_161 : i32
      %parallel_loop3A_163 = arith.constant 112 : i32
      %parallel_loop3A_164 = arith.addi %parallel_loop3A_162, %parallel_loop3A_163 : i32
      %parallel_loop3A_165 = arith.index_cast %parallel_loop3A_164 : i32 to index
      %parallel_loop3A_166 = tpu.vector_load %arg8[%parallel_loop3A_165] {strides = array<i32>} : memref<2048xf32, #tpu.memory_space<vmem>>, vector<16xf32>,
      tpu.vector_store %arg8[%parallel_loop3A_165], %parallel_loop3A_111 {strides = array<i32>} : memref<2048xf32, #tpu.memory_space<vmem>>, vector<16xf32>,
      %parallel_loop3A_167 = arith.constant 256 : i32
      %parallel_loop3A_168 = arith.muli %parallel_loop3A_109, %parallel_loop3A_167 : i32
      %parallel_loop3A_169 = arith.constant 128 : i32
      %parallel_loop3A_170 = arith.addi %parallel_loop3A_168, %parallel_loop3A_169 : i32
      %parallel_loop3A_171 = arith.index_cast %parallel_loop3A_170 : i32 to index
      %parallel_loop3A_172 = tpu.vector_load %arg8[%parallel_loop3A_171] {strides = array<i32>} : memref<2048xf32, #tpu.memory_space<vmem>>, vector<16xf32>,
      tpu.vector_store %arg8[%parallel_loop3A_171], %parallel_loop3A_111 {strides = array<i32>} : memref<2048xf32, #tpu.memory_space<vmem>>, vector<16xf32>,
      %parallel_loop3A_173 = arith.constant 256 : i32
      %parallel_loop3A_174 = arith.muli %parallel_loop3A_109, %parallel_loop3A_173 : i32
      %parallel_loop3A_175 = arith.constant 144 : i32
      %parallel_loop3A_176 = arith.addi %parallel_loop3A_174, %parallel_loop3A_175 : i32
      %parallel_loop3A_177 = arith.index_cast %parallel_loop3A_176 : i32 to index
      %parallel_loop3A_178 = tpu.vector_load %arg8[%parallel_loop3A_177] {strides = array<i32>} : memref<2048xf32, #tpu.memory_space<vmem>>, vector<16xf32>,
      tpu.vector_store %arg8[%parallel_loop3A_177], %parallel_loop3A_111 {strides = array<i32>} : memref<2048xf32, #tpu.memory_space<vmem>>, vector<16xf32>,
      %parallel_loop3A_179 = arith.constant 256 : i32
      %parallel_loop3A_180 = arith.muli %parallel_loop3A_109, %parallel_loop3A_179 : i32
      %parallel_loop3A_181 = arith.constant 160 : i32
      %parallel_loop3A_182 = arith.addi %parallel_loop3A_180, %parallel_loop3A_181 : i32
      %parallel_loop3A_183 = arith.index_cast %parallel_loop3A_182 : i32 to index
      %parallel_loop3A_184 = tpu.vector_load %arg8[%parallel_loop3A_183] {strides = array<i32>} : memref<2048xf32, #tpu.memory_space<vmem>>, vector<16xf32>,
      tpu.vector_store %arg8[%parallel_loop3A_183], %parallel_loop3A_111 {strides = array<i32>} : memref<2048xf32, #tpu.memory_space<vmem>>, vector<16xf32>,
      %parallel_loop3A_185 = arith.constant 256 : i32
      %parallel_loop3A_186 = arith.muli %parallel_loop3A_109, %parallel_loop3A_185 : i32
      %parallel_loop3A_187 = arith.constant 176 : i32
      %parallel_loop3A_188 = arith.addi %parallel_loop3A_186, %parallel_loop3A_187 : i32
      %parallel_loop3A_189 = arith.index_cast %parallel_loop3A_188 : i32 to index
      %parallel_loop3A_190 = tpu.vector_load %arg8[%parallel_loop3A_189] {strides = array<i32>} : memref<2048xf32, #tpu.memory_space<vmem>>, vector<16xf32>,
      tpu.vector_store %arg8[%parallel_loop3A_189], %parallel_loop3A_111 {strides = array<i32>} : memref<2048xf32, #tpu.memory_space<vmem>>, vector<16xf32>,
      %parallel_loop3A_191 = arith.constant 256 : i32
      %parallel_loop3A_192 = arith.muli %parallel_loop3A_109, %parallel_loop3A_191 : i32
      %parallel_loop3A_193 = arith.constant 192 : i32
      %parallel_loop3A_194 = arith.addi %parallel_loop3A_192, %parallel_loop3A_193 : i32
      %parallel_loop3A_195 = arith.index_cast %parallel_loop3A_194 : i32 to index
      %parallel_loop3A_196 = tpu.vector_load %arg8[%parallel_loop3A_195] {strides = array<i32>} : memref<2048xf32, #tpu.memory_space<vmem>>, vector<16xf32>,
      tpu.vector_store %arg8[%parallel_loop3A_195], %parallel_loop3A_111 {strides = array<i32>} : memref<2048xf32, #tpu.memory_space<vmem>>, vector<16xf32>,
      %parallel_loop3A_197 = arith.constant 256 : i32
      %parallel_loop3A_198 = arith.muli %parallel_loop3A_109, %parallel_loop3A_197 : i32
      %parallel_loop3A_199 = arith.constant 208 : i32
      %parallel_loop3A_200 = arith.addi %parallel_loop3A_198, %parallel_loop3A_199 : i32
      %parallel_loop3A_201 = arith.index_cast %parallel_loop3A_200 : i32 to index
      %parallel_loop3A_202 = tpu.vector_load %arg8[%parallel_loop3A_201] {strides = array<i32>} : memref<2048xf32, #tpu.memory_space<vmem>>, vector<16xf32>,
      tpu.vector_store %arg8[%parallel_loop3A_201], %parallel_loop3A_111 {strides = array<i32>} : memref<2048xf32, #tpu.memory_space<vmem>>, vector<16xf32>,
      %parallel_loop3A_203 = arith.constant 256 : i32
      %parallel_loop3A_204 = arith.muli %parallel_loop3A_109, %parallel_loop3A_203 : i32
      %parallel_loop3A_205 = arith.constant 224 : i32
      %parallel_loop3A_206 = arith.addi %parallel_loop3A_204, %parallel_loop3A_205 : i32
      %parallel_loop3A_207 = arith.index_cast %parallel_loop3A_206 : i32 to index
      %parallel_loop3A_208 = tpu.vector_load %arg8[%parallel_loop3A_207] {strides = array<i32>} : memref<2048xf32, #tpu.memory_space<vmem>>, vector<16xf32>,
      tpu.vector_store %arg8[%parallel_loop3A_207], %parallel_loop3A_111 {strides = array<i32>} : memref<2048xf32, #tpu.memory_space<vmem>>, vector<16xf32>,
      %parallel_loop3A_209 = arith.constant 256 : i32
      %parallel_loop3A_210 = arith.muli %parallel_loop3A_109, %parallel_loop3A_209 : i32
      %parallel_loop3A_211 = arith.constant 240 : i32
      %parallel_loop3A_212 = arith.addi %parallel_loop3A_210, %parallel_loop3A_211 : i32
      %parallel_loop3A_213 = arith.index_cast %parallel_loop3A_212 : i32 to index
      %parallel_loop3A_214 = tpu.vector_load %arg8[%parallel_loop3A_213] {strides = array<i32>} : memref<2048xf32, #tpu.memory_space<vmem>>, vector<16xf32>,
      tpu.vector_store %arg8[%parallel_loop3A_213], %parallel_loop3A_111 {strides = array<i32>} : memref<2048xf32, #tpu.memory_space<vmem>>, vector<16xf32>,
      %parallel_loop3A_215 = arith.constant 0 : i32
      %parallel_loop3A_216 = arith.constant 256 : i32
      %parallel_loop3A_217 = arith.constant 1 : i32
      scf.for %parallel_loop3A_436 = %parallel_loop3A_215 to %parallel_loop3A_216 step %parallel_loop3A_217  : i32 {
        %parallel_loop3A_437 = arith.constant 16 : i32
        %parallel_loop3A_438 = arith.muli %parallel_loop3A_436, %parallel_loop3A_437 : i32
        %parallel_loop3A_439 = arith.index_cast %parallel_loop3A_109 : i32 to index
        %parallel_loop3A_440 = arith.index_cast %parallel_loop3A_438 : i32 to index
        %parallel_loop3A_441 = tpu.vector_load %arg5[%parallel_loop3A_439, %parallel_loop3A_440] {strides = array<i32>} : memref<8x4096xf32, #tpu.memory_space<vmem>>, vector<16xf32>,
        %parallel_loop3A_442 = arith.mulf %parallel_loop3A_441, %convert_element_type3A : vector<16xf32>
        %parallel_loop3A_443 = vector.shape_cast %and3A_12 : vector<16xi32> to vector<16x1xi32>
        %parallel_loop3A_444 = vector.shape_cast %parallel_loop3A_443 : vector<16x1xi32> to vector<16xi32>
        %parallel_loop3A_445 = tpu.dynamic_gather %parallel_loop3A_442[%parallel_loop3A_444] in [0] : vector<16xf32>, vector<16xi32> -> vector<16xf32>
        %parallel_loop3A_446 = arith.addf %parallel_loop3A_442, %parallel_loop3A_445 : vector<16xf32>
        %parallel_loop3A_447 = vector.shape_cast %and3A_18 : vector<16xi32> to vector<16x1xi32>
        %parallel_loop3A_448 = vector.shape_cast %parallel_loop3A_447 : vector<16x1xi32> to vector<16xi32>
        %parallel_loop3A_449 = tpu.dynamic_gather %parallel_loop3A_446[%parallel_loop3A_448] in [0] : vector<16xf32>, vector<16xi32> -> vector<16xf32>
        %parallel_loop3A_450 = arith.addf %parallel_loop3A_446, %parallel_loop3A_449 : vector<16xf32>
        %parallel_loop3A_451 = arith.fptosi %parallel_loop3A_450 : vector<16xf32> to vector<16xi32>
        %parallel_loop3A_452 = arith.addi %parallel_loop3A_118, %parallel_loop3A_451 : vector<16xi32>
        tpu.vector_store_idx %arg8[%parallel_loop3A_452], %parallel_loop3A_114 {add = true} : memref<2048xf32, #tpu.memory_space<vmem>>[vector<16xi32>], vector<16xf32>,
      } {sc.loop_unroll_factor = 16 : i64, sc.parallel_access}
      %parallel_loop3A_218 = arith.constant 16 : i32
      %parallel_loop3A_219 = arith.addi %parallel_loop3A_218, %parallel_loop3A_109 : i32
      %parallel_loop3A_220 = arith.index_cast %parallel_loop3A_219 : i32 to index
      %parallel_loop3A_221 = arith.constant 0 : index
      %parallel_loop3A_222 = tpu.vector_load %arg7[%parallel_loop3A_220, %parallel_loop3A_221] {strides = array<i32>} : memref<32x16xf32, #tpu.memory_space<vmem>>, vector<16xf32>,
      %parallel_loop3A_223 = arith.constant 256 : i32
      %parallel_loop3A_224 = arith.muli %parallel_loop3A_109, %parallel_loop3A_223 : i32
      %parallel_loop3A_225 = arith.constant 0 : i32
      %parallel_loop3A_226 = arith.addi %parallel_loop3A_224, %parallel_loop3A_225 : i32
      %parallel_loop3A_227 = arith.index_cast %parallel_loop3A_226 : i32 to index
      %parallel_loop3A_228 = tpu.vector_load %arg8[%parallel_loop3A_227] {strides = array<i32>} : memref<2048xf32, #tpu.memory_space<vmem>>, vector<16xf32>,
      %parallel_loop3A_229 = arith.constant 0 : i32
      %parallel_loop3A_230 = vector.broadcast %parallel_loop3A_229 : i32 to vector<16xi32>
      %parallel_loop3A_231 = vector.shape_cast %parallel_loop3A_230 : vector<16xi32> to vector<16x1xi32>
      %parallel_loop3A_232 = vector.shape_cast %parallel_loop3A_231 : vector<16x1xi32> to vector<16xi32>
      %parallel_loop3A_233 = tpu.dynamic_gather %parallel_loop3A_222[%parallel_loop3A_232] in [0] : vector<16xf32>, vector<16xi32> -> vector<16xf32>
      %parallel_loop3A_234 = arith.mulf %parallel_loop3A_228, %parallel_loop3A_233 : vector<16xf32>
      %parallel_loop3A_235 = arith.addf %parallel_loop3A_111, %parallel_loop3A_234 : vector<16xf32>
      %parallel_loop3A_236 = arith.constant 256 : i32
      %parallel_loop3A_237 = arith.muli %parallel_loop3A_109, %parallel_loop3A_236 : i32
      %parallel_loop3A_238 = arith.constant 16 : i32
      %parallel_loop3A_239 = arith.addi %parallel_loop3A_237, %parallel_loop3A_238 : i32
      %parallel_loop3A_240 = arith.index_cast %parallel_loop3A_239 : i32 to index
      %parallel_loop3A_241 = tpu.vector_load %arg8[%parallel_loop3A_240] {strides = array<i32>} : memref<2048xf32, #tpu.memory_space<vmem>>, vector<16xf32>,
      %parallel_loop3A_242 = arith.constant 1 : i32
      %parallel_loop3A_243 = vector.broadcast %parallel_loop3A_242 : i32 to vector<16xi32>
      %parallel_loop3A_244 = vector.shape_cast %parallel_loop3A_243 : vector<16xi32> to vector<16x1xi32>
      %parallel_loop3A_245 = vector.shape_cast %parallel_loop3A_244 : vector<16x1xi32> to vector<16xi32>
      %parallel_loop3A_246 = tpu.dynamic_gather %parallel_loop3A_222[%parallel_loop3A_245] in [0] : vector<16xf32>, vector<16xi32> -> vector<16xf32>
      %parallel_loop3A_247 = arith.mulf %parallel_loop3A_241, %parallel_loop3A_246 : vector<16xf32>
      %parallel_loop3A_248 = arith.addf %parallel_loop3A_235, %parallel_loop3A_247 : vector<16xf32>
      %parallel_loop3A_249 = arith.constant 256 : i32
      %parallel_loop3A_250 = arith.muli %parallel_loop3A_109, %parallel_loop3A_249 : i32
      %parallel_loop3A_251 = arith.constant 32 : i32
      %parallel_loop3A_252 = arith.addi %parallel_loop3A_250, %parallel_loop3A_251 : i32
      %parallel_loop3A_253 = arith.index_cast %parallel_loop3A_252 : i32 to index
      %parallel_loop3A_254 = tpu.vector_load %arg8[%parallel_loop3A_253] {strides = array<i32>} : memref<2048xf32, #tpu.memory_space<vmem>>, vector<16xf32>,
      %parallel_loop3A_255 = arith.constant 2 : i32
      %parallel_loop3A_256 = vector.broadcast %parallel_loop3A_255 : i32 to vector<16xi32>
      %parallel_loop3A_257 = vector.shape_cast %parallel_loop3A_256 : vector<16xi32> to vector<16x1xi32>
      %parallel_loop3A_258 = vector.shape_cast %parallel_loop3A_257 : vector<16x1xi32> to vector<16xi32>
      %parallel_loop3A_259 = tpu.dynamic_gather %parallel_loop3A_222[%parallel_loop3A_258] in [0] : vector<16xf32>, vector<16xi32> -> vector<16xf32>
      %parallel_loop3A_260 = arith.mulf %parallel_loop3A_254, %parallel_loop3A_259 : vector<16xf32>
      %parallel_loop3A_261 = arith.addf %parallel_loop3A_248, %parallel_loop3A_260 : vector<16xf32>
      %parallel_loop3A_262 = arith.constant 256 : i32
      %parallel_loop3A_263 = arith.muli %parallel_loop3A_109, %parallel_loop3A_262 : i32
      %parallel_loop3A_264 = arith.constant 48 : i32
      %parallel_loop3A_265 = arith.addi %parallel_loop3A_263, %parallel_loop3A_264 : i32
      %parallel_loop3A_266 = arith.index_cast %parallel_loop3A_265 : i32 to index
      %parallel_loop3A_267 = tpu.vector_load %arg8[%parallel_loop3A_266] {strides = array<i32>} : memref<2048xf32, #tpu.memory_space<vmem>>, vector<16xf32>,
      %parallel_loop3A_268 = arith.constant 3 : i32
      %parallel_loop3A_269 = vector.broadcast %parallel_loop3A_268 : i32 to vector<16xi32>
      %parallel_loop3A_270 = vector.shape_cast %parallel_loop3A_269 : vector<16xi32> to vector<16x1xi32>
      %parallel_loop3A_271 = vector.shape_cast %parallel_loop3A_270 : vector<16x1xi32> to vector<16xi32>
      %parallel_loop3A_272 = tpu.dynamic_gather %parallel_loop3A_222[%parallel_loop3A_271] in [0] : vector<16xf32>, vector<16xi32> -> vector<16xf32>
      %parallel_loop3A_273 = arith.mulf %parallel_loop3A_267, %parallel_loop3A_272 : vector<16xf32>
      %parallel_loop3A_274 = arith.addf %parallel_loop3A_261, %parallel_loop3A_273 : vector<16xf32>
      %parallel_loop3A_275 = arith.constant 256 : i32
      %parallel_loop3A_276 = arith.muli %parallel_loop3A_109, %parallel_loop3A_275 : i32
      %parallel_loop3A_277 = arith.constant 64 : i32
      %parallel_loop3A_278 = arith.addi %parallel_loop3A_276, %parallel_loop3A_277 : i32
      %parallel_loop3A_279 = arith.index_cast %parallel_loop3A_278 : i32 to index
      %parallel_loop3A_280 = tpu.vector_load %arg8[%parallel_loop3A_279] {strides = array<i32>} : memref<2048xf32, #tpu.memory_space<vmem>>, vector<16xf32>,
      %parallel_loop3A_281 = arith.constant 4 : i32
      %parallel_loop3A_282 = vector.broadcast %parallel_loop3A_281 : i32 to vector<16xi32>
      %parallel_loop3A_283 = vector.shape_cast %parallel_loop3A_282 : vector<16xi32> to vector<16x1xi32>
      %parallel_loop3A_284 = vector.shape_cast %parallel_loop3A_283 : vector<16x1xi32> to vector<16xi32>
      %parallel_loop3A_285 = tpu.dynamic_gather %parallel_loop3A_222[%parallel_loop3A_284] in [0] : vector<16xf32>, vector<16xi32> -> vector<16xf32>
      %parallel_loop3A_286 = arith.mulf %parallel_loop3A_280, %parallel_loop3A_285 : vector<16xf32>
      %parallel_loop3A_287 = arith.addf %parallel_loop3A_274, %parallel_loop3A_286 : vector<16xf32>
      %parallel_loop3A_288 = arith.constant 256 : i32
      %parallel_loop3A_289 = arith.muli %parallel_loop3A_109, %parallel_loop3A_288 : i32
      %parallel_loop3A_290 = arith.constant 80 : i32
      %parallel_loop3A_291 = arith.addi %parallel_loop3A_289, %parallel_loop3A_290 : i32
      %parallel_loop3A_292 = arith.index_cast %parallel_loop3A_291 : i32 to index
      %parallel_loop3A_293 = tpu.vector_load %arg8[%parallel_loop3A_292] {strides = array<i32>} : memref<2048xf32, #tpu.memory_space<vmem>>, vector<16xf32>,
      %parallel_loop3A_294 = arith.constant 5 : i32
      %parallel_loop3A_295 = vector.broadcast %parallel_loop3A_294 : i32 to vector<16xi32>
      %parallel_loop3A_296 = vector.shape_cast %parallel_loop3A_295 : vector<16xi32> to vector<16x1xi32>
      %parallel_loop3A_297 = vector.shape_cast %parallel_loop3A_296 : vector<16x1xi32> to vector<16xi32>
      %parallel_loop3A_298 = tpu.dynamic_gather %parallel_loop3A_222[%parallel_loop3A_297] in [0] : vector<16xf32>, vector<16xi32> -> vector<16xf32>
      %parallel_loop3A_299 = arith.mulf %parallel_loop3A_293, %parallel_loop3A_298 : vector<16xf32>
      %parallel_loop3A_300 = arith.addf %parallel_loop3A_287, %parallel_loop3A_299 : vector<16xf32>
      %parallel_loop3A_301 = arith.constant 256 : i32
      %parallel_loop3A_302 = arith.muli %parallel_loop3A_109, %parallel_loop3A_301 : i32
      %parallel_loop3A_303 = arith.constant 96 : i32
      %parallel_loop3A_304 = arith.addi %parallel_loop3A_302, %parallel_loop3A_303 : i32
      %parallel_loop3A_305 = arith.index_cast %parallel_loop3A_304 : i32 to index
      %parallel_loop3A_306 = tpu.vector_load %arg8[%parallel_loop3A_305] {strides = array<i32>} : memref<2048xf32, #tpu.memory_space<vmem>>, vector<16xf32>,
      %parallel_loop3A_307 = arith.constant 6 : i32
      %parallel_loop3A_308 = vector.broadcast %parallel_loop3A_307 : i32 to vector<16xi32>
      %parallel_loop3A_309 = vector.shape_cast %parallel_loop3A_308 : vector<16xi32> to vector<16x1xi32>
      %parallel_loop3A_310 = vector.shape_cast %parallel_loop3A_309 : vector<16x1xi32> to vector<16xi32>
      %parallel_loop3A_311 = tpu.dynamic_gather %parallel_loop3A_222[%parallel_loop3A_310] in [0] : vector<16xf32>, vector<16xi32> -> vector<16xf32>
      %parallel_loop3A_312 = arith.mulf %parallel_loop3A_306, %parallel_loop3A_311 : vector<16xf32>
      %parallel_loop3A_313 = arith.addf %parallel_loop3A_300, %parallel_loop3A_312 : vector<16xf32>
      %parallel_loop3A_314 = arith.constant 256 : i32
      %parallel_loop3A_315 = arith.muli %parallel_loop3A_109, %parallel_loop3A_314 : i32
      %parallel_loop3A_316 = arith.constant 112 : i32
      %parallel_loop3A_317 = arith.addi %parallel_loop3A_315, %parallel_loop3A_316 : i32
      %parallel_loop3A_318 = arith.index_cast %parallel_loop3A_317 : i32 to index
      %parallel_loop3A_319 = tpu.vector_load %arg8[%parallel_loop3A_318] {strides = array<i32>} : memref<2048xf32, #tpu.memory_space<vmem>>, vector<16xf32>,
      %parallel_loop3A_320 = arith.constant 7 : i32
      %parallel_loop3A_321 = vector.broadcast %parallel_loop3A_320 : i32 to vector<16xi32>
      %parallel_loop3A_322 = vector.shape_cast %parallel_loop3A_321 : vector<16xi32> to vector<16x1xi32>
      %parallel_loop3A_323 = vector.shape_cast %parallel_loop3A_322 : vector<16x1xi32> to vector<16xi32>
      %parallel_loop3A_324 = tpu.dynamic_gather %parallel_loop3A_222[%parallel_loop3A_323] in [0] : vector<16xf32>, vector<16xi32> -> vector<16xf32>
      %parallel_loop3A_325 = arith.mulf %parallel_loop3A_319, %parallel_loop3A_324 : vector<16xf32>
      %parallel_loop3A_326 = arith.addf %parallel_loop3A_313, %parallel_loop3A_325 : vector<16xf32>
      %parallel_loop3A_327 = arith.constant 256 : i32
      %parallel_loop3A_328 = arith.muli %parallel_loop3A_109, %parallel_loop3A_327 : i32
      %parallel_loop3A_329 = arith.constant 128 : i32
      %parallel_loop3A_330 = arith.addi %parallel_loop3A_328, %parallel_loop3A_329 : i32
      %parallel_loop3A_331 = arith.index_cast %parallel_loop3A_330 : i32 to index
      %parallel_loop3A_332 = tpu.vector_load %arg8[%parallel_loop3A_331] {strides = array<i32>} : memref<2048xf32, #tpu.memory_space<vmem>>, vector<16xf32>,
      %parallel_loop3A_333 = arith.constant 8 : i32
      %parallel_loop3A_334 = vector.broadcast %parallel_loop3A_333 : i32 to vector<16xi32>
      %parallel_loop3A_335 = vector.shape_cast %parallel_loop3A_334 : vector<16xi32> to vector<16x1xi32>
      %parallel_loop3A_336 = vector.shape_cast %parallel_loop3A_335 : vector<16x1xi32> to vector<16xi32>
      %parallel_loop3A_337 = tpu.dynamic_gather %parallel_loop3A_222[%parallel_loop3A_336] in [0] : vector<16xf32>, vector<16xi32> -> vector<16xf32>
      %parallel_loop3A_338 = arith.mulf %parallel_loop3A_332, %parallel_loop3A_337 : vector<16xf32>
      %parallel_loop3A_339 = arith.addf %parallel_loop3A_326, %parallel_loop3A_338 : vector<16xf32>
      %parallel_loop3A_340 = arith.constant 256 : i32
      %parallel_loop3A_341 = arith.muli %parallel_loop3A_109, %parallel_loop3A_340 : i32
      %parallel_loop3A_342 = arith.constant 144 : i32
      %parallel_loop3A_343 = arith.addi %parallel_loop3A_341, %parallel_loop3A_342 : i32
      %parallel_loop3A_344 = arith.index_cast %parallel_loop3A_343 : i32 to index
      %parallel_loop3A_345 = tpu.vector_load %arg8[%parallel_loop3A_344] {strides = array<i32>} : memref<2048xf32, #tpu.memory_space<vmem>>, vector<16xf32>,
      %parallel_loop3A_346 = arith.constant 9 : i32
      %parallel_loop3A_347 = vector.broadcast %parallel_loop3A_346 : i32 to vector<16xi32>
      %parallel_loop3A_348 = vector.shape_cast %parallel_loop3A_347 : vector<16xi32> to vector<16x1xi32>
      %parallel_loop3A_349 = vector.shape_cast %parallel_loop3A_348 : vector<16x1xi32> to vector<16xi32>
      %parallel_loop3A_350 = tpu.dynamic_gather %parallel_loop3A_222[%parallel_loop3A_349] in [0] : vector<16xf32>, vector<16xi32> -> vector<16xf32>
      %parallel_loop3A_351 = arith.mulf %parallel_loop3A_345, %parallel_loop3A_350 : vector<16xf32>
      %parallel_loop3A_352 = arith.addf %parallel_loop3A_339, %parallel_loop3A_351 : vector<16xf32>
      %parallel_loop3A_353 = arith.constant 256 : i32
      %parallel_loop3A_354 = arith.muli %parallel_loop3A_109, %parallel_loop3A_353 : i32
      %parallel_loop3A_355 = arith.constant 160 : i32
      %parallel_loop3A_356 = arith.addi %parallel_loop3A_354, %parallel_loop3A_355 : i32
      %parallel_loop3A_357 = arith.index_cast %parallel_loop3A_356 : i32 to index
      %parallel_loop3A_358 = tpu.vector_load %arg8[%parallel_loop3A_357] {strides = array<i32>} : memref<2048xf32, #tpu.memory_space<vmem>>, vector<16xf32>,
      %parallel_loop3A_359 = arith.constant 10 : i32
      %parallel_loop3A_360 = vector.broadcast %parallel_loop3A_359 : i32 to vector<16xi32>
      %parallel_loop3A_361 = vector.shape_cast %parallel_loop3A_360 : vector<16xi32> to vector<16x1xi32>
      %parallel_loop3A_362 = vector.shape_cast %parallel_loop3A_361 : vector<16x1xi32> to vector<16xi32>
      %parallel_loop3A_363 = tpu.dynamic_gather %parallel_loop3A_222[%parallel_loop3A_362] in [0] : vector<16xf32>, vector<16xi32> -> vector<16xf32>
      %parallel_loop3A_364 = arith.mulf %parallel_loop3A_358, %parallel_loop3A_363 : vector<16xf32>
      %parallel_loop3A_365 = arith.addf %parallel_loop3A_352, %parallel_loop3A_364 : vector<16xf32>
      %parallel_loop3A_366 = arith.constant 256 : i32
      %parallel_loop3A_367 = arith.muli %parallel_loop3A_109, %parallel_loop3A_366 : i32
      %parallel_loop3A_368 = arith.constant 176 : i32
      %parallel_loop3A_369 = arith.addi %parallel_loop3A_367, %parallel_loop3A_368 : i32
      %parallel_loop3A_370 = arith.index_cast %parallel_loop3A_369 : i32 to index
      %parallel_loop3A_371 = tpu.vector_load %arg8[%parallel_loop3A_370] {strides = array<i32>} : memref<2048xf32, #tpu.memory_space<vmem>>, vector<16xf32>,
      %parallel_loop3A_372 = arith.constant 11 : i32
      %parallel_loop3A_373 = vector.broadcast %parallel_loop3A_372 : i32 to vector<16xi32>
      %parallel_loop3A_374 = vector.shape_cast %parallel_loop3A_373 : vector<16xi32> to vector<16x1xi32>
      %parallel_loop3A_375 = vector.shape_cast %parallel_loop3A_374 : vector<16x1xi32> to vector<16xi32>
      %parallel_loop3A_376 = tpu.dynamic_gather %parallel_loop3A_222[%parallel_loop3A_375] in [0] : vector<16xf32>, vector<16xi32> -> vector<16xf32>
      %parallel_loop3A_377 = arith.mulf %parallel_loop3A_371, %parallel_loop3A_376 : vector<16xf32>
      %parallel_loop3A_378 = arith.addf %parallel_loop3A_365, %parallel_loop3A_377 : vector<16xf32>
      %parallel_loop3A_379 = arith.constant 256 : i32
      %parallel_loop3A_380 = arith.muli %parallel_loop3A_109, %parallel_loop3A_379 : i32
      %parallel_loop3A_381 = arith.constant 192 : i32
      %parallel_loop3A_382 = arith.addi %parallel_loop3A_380, %parallel_loop3A_381 : i32
      %parallel_loop3A_383 = arith.index_cast %parallel_loop3A_382 : i32 to index
      %parallel_loop3A_384 = tpu.vector_load %arg8[%parallel_loop3A_383] {strides = array<i32>} : memref<2048xf32, #tpu.memory_space<vmem>>, vector<16xf32>,
      %parallel_loop3A_385 = arith.constant 12 : i32
      %parallel_loop3A_386 = vector.broadcast %parallel_loop3A_385 : i32 to vector<16xi32>
      %parallel_loop3A_387 = vector.shape_cast %parallel_loop3A_386 : vector<16xi32> to vector<16x1xi32>
      %parallel_loop3A_388 = vector.shape_cast %parallel_loop3A_387 : vector<16x1xi32> to vector<16xi32>
      %parallel_loop3A_389 = tpu.dynamic_gather %parallel_loop3A_222[%parallel_loop3A_388] in [0] : vector<16xf32>, vector<16xi32> -> vector<16xf32>
      %parallel_loop3A_390 = arith.mulf %parallel_loop3A_384, %parallel_loop3A_389 : vector<16xf32>
      %parallel_loop3A_391 = arith.addf %parallel_loop3A_378, %parallel_loop3A_390 : vector<16xf32>
      %parallel_loop3A_392 = arith.constant 256 : i32
      %parallel_loop3A_393 = arith.muli %parallel_loop3A_109, %parallel_loop3A_392 : i32
      %parallel_loop3A_394 = arith.constant 208 : i32
      %parallel_loop3A_395 = arith.addi %parallel_loop3A_393, %parallel_loop3A_394 : i32
      %parallel_loop3A_396 = arith.index_cast %parallel_loop3A_395 : i32 to index
      %parallel_loop3A_397 = tpu.vector_load %arg8[%parallel_loop3A_396] {strides = array<i32>} : memref<2048xf32, #tpu.memory_space<vmem>>, vector<16xf32>,
      %parallel_loop3A_398 = arith.constant 13 : i32
      %parallel_loop3A_399 = vector.broadcast %parallel_loop3A_398 : i32 to vector<16xi32>
      %parallel_loop3A_400 = vector.shape_cast %parallel_loop3A_399 : vector<16xi32> to vector<16x1xi32>
      %parallel_loop3A_401 = vector.shape_cast %parallel_loop3A_400 : vector<16x1xi32> to vector<16xi32>
      %parallel_loop3A_402 = tpu.dynamic_gather %parallel_loop3A_222[%parallel_loop3A_401] in [0] : vector<16xf32>, vector<16xi32> -> vector<16xf32>
      %parallel_loop3A_403 = arith.mulf %parallel_loop3A_397, %parallel_loop3A_402 : vector<16xf32>
      %parallel_loop3A_404 = arith.addf %parallel_loop3A_391, %parallel_loop3A_403 : vector<16xf32>
      %parallel_loop3A_405 = arith.constant 256 : i32
      %parallel_loop3A_406 = arith.muli %parallel_loop3A_109, %parallel_loop3A_405 : i32
      %parallel_loop3A_407 = arith.constant 224 : i32
      %parallel_loop3A_408 = arith.addi %parallel_loop3A_406, %parallel_loop3A_407 : i32
      %parallel_loop3A_409 = arith.index_cast %parallel_loop3A_408 : i32 to index
      %parallel_loop3A_410 = tpu.vector_load %arg8[%parallel_loop3A_409] {strides = array<i32>} : memref<2048xf32, #tpu.memory_space<vmem>>, vector<16xf32>,
      %parallel_loop3A_411 = arith.constant 14 : i32
      %parallel_loop3A_412 = vector.broadcast %parallel_loop3A_411 : i32 to vector<16xi32>
      %parallel_loop3A_413 = vector.shape_cast %parallel_loop3A_412 : vector<16xi32> to vector<16x1xi32>
      %parallel_loop3A_414 = vector.shape_cast %parallel_loop3A_413 : vector<16x1xi32> to vector<16xi32>
      %parallel_loop3A_415 = tpu.dynamic_gather %parallel_loop3A_222[%parallel_loop3A_414] in [0] : vector<16xf32>, vector<16xi32> -> vector<16xf32>
      %parallel_loop3A_416 = arith.mulf %parallel_loop3A_410, %parallel_loop3A_415 : vector<16xf32>
      %parallel_loop3A_417 = arith.addf %parallel_loop3A_404, %parallel_loop3A_416 : vector<16xf32>
      %parallel_loop3A_418 = arith.constant 256 : i32
      %parallel_loop3A_419 = arith.muli %parallel_loop3A_109, %parallel_loop3A_418 : i32
      %parallel_loop3A_420 = arith.constant 240 : i32
      %parallel_loop3A_421 = arith.addi %parallel_loop3A_419, %parallel_loop3A_420 : i32
      %parallel_loop3A_422 = arith.index_cast %parallel_loop3A_421 : i32 to index
      %parallel_loop3A_423 = tpu.vector_load %arg8[%parallel_loop3A_422] {strides = array<i32>} : memref<2048xf32, #tpu.memory_space<vmem>>, vector<16xf32>,
      %parallel_loop3A_424 = arith.constant 15 : i32
      %parallel_loop3A_425 = vector.broadcast %parallel_loop3A_424 : i32 to vector<16xi32>
      %parallel_loop3A_426 = vector.shape_cast %parallel_loop3A_425 : vector<16xi32> to vector<16x1xi32>
      %parallel_loop3A_427 = vector.shape_cast %parallel_loop3A_426 : vector<16x1xi32> to vector<16xi32>
      %parallel_loop3A_428 = tpu.dynamic_gather %parallel_loop3A_222[%parallel_loop3A_427] in [0] : vector<16xf32>, vector<16xi32> -> vector<16xf32>
      %parallel_loop3A_429 = arith.mulf %parallel_loop3A_423, %parallel_loop3A_428 : vector<16xf32>
      %parallel_loop3A_430 = arith.addf %parallel_loop3A_417, %parallel_loop3A_429 : vector<16xf32>
      %parallel_loop3A_431 = arith.constant 16 : i32
      %parallel_loop3A_432 = arith.addi %parallel_loop3A_431, %parallel_loop3A_109 : i32
      %parallel_loop3A_433 = arith.index_cast %parallel_loop3A_432 : i32 to index
      %parallel_loop3A_434 = arith.constant 0 : index
      %parallel_loop3A_435 = tpu.vector_load %arg9[%parallel_loop3A_433, %parallel_loop3A_434] {strides = array<i32>} : memref<32x16xf32, #tpu.memory_space<vmem>>, vector<16xf32>,
      tpu.vector_store %arg9[%parallel_loop3A_433, %parallel_loop3A_434], %parallel_loop3A_430 {strides = array<i32>} : memref<32x16xf32, #tpu.memory_space<vmem>>, vector<16xf32>,
    } {sc.loop_unroll_factor = 1 : i64, sc.parallel_access}
    %dma_wait3A_59 = arith.constant 0 : i32
    %dma_wait3A_60 = tpu.memref_slice %arg2[%add3A_47, %dma_wait3A_59] : memref<1024x4096xf32, #tpu.memory_space<hbm>> -> memref<8x4096xf32, #tpu.memory_space<hbm>>
    %dma_wait3A_61 = arith.constant 0 : i32
    %dma_wait3A_62 = tpu.memref_slice %arg2[%add3A_47, %dma_wait3A_61] : memref<1024x4096xf32, #tpu.memory_space<hbm>> -> memref<8x4096xf32, #tpu.memory_space<hbm>>
    tpu.wait_dma2 semaphore(%arg12 : memref<!tpu.dma_semaphore, #tpu.memory_space<semaphore_mem>>) src(%dma_wait3A_62 : memref<8x4096xf32, #tpu.memory_space<hbm>>) dst(%arg6 : memref<8x4096xf32, #tpu.memory_space<vmem>>)
    %parallel_loop3A_63 = arith.constant 0 : i32
    %parallel_loop3A_64 = arith.constant 8 : i32
    %parallel_loop3A_65 = arith.constant 1 : i32
    scf.for %parallel_loop3A_109 = %parallel_loop3A_63 to %parallel_loop3A_64 step %parallel_loop3A_65  : i32 {
      %parallel_loop3A_110 = arith.constant 0.000000e+00 : f32
      %parallel_loop3A_111 = vector.broadcast %parallel_loop3A_110 : f32 to vector<16xf32>
      %parallel_loop3A_112 = arith.constant 1.000000e+00 : f32
      %parallel_loop3A_113 = vector.broadcast %parallel_loop3A_112 : f32 to vector<16xf32>
      %parallel_loop3A_114 = arith.addf %parallel_loop3A_111, %parallel_loop3A_113 : vector<16xf32>
      %parallel_loop3A_115 = arith.constant 256 : i32
      %parallel_loop3A_116 = arith.muli %parallel_loop3A_109, %parallel_loop3A_115 : i32
      %parallel_loop3A_117 = vector.broadcast %parallel_loop3A_116 : i32 to vector<16xi32>
      %parallel_loop3A_118 = arith.addi %parallel_loop3A_117, %iota3A : vector<16xi32>
      %parallel_loop3A_119 = arith.constant 256 : i32
      %parallel_loop3A_120 = arith.muli %parallel_loop3A_109, %parallel_loop3A_119 : i32
      %parallel_loop3A_121 = arith.constant 0 : i32
      %parallel_loop3A_122 = arith.addi %parallel_loop3A_120, %parallel_loop3A_121 : i32
      %parallel_loop3A_123 = arith.index_cast %parallel_loop3A_122 : i32 to index
      %parallel_loop3A_124 = tpu.vector_load %arg8[%parallel_loop3A_123] {strides = array<i32>} : memref<2048xf32, #tpu.memory_space<vmem>>, vector<16xf32>,
      tpu.vector_store %arg8[%parallel_loop3A_123], %parallel_loop3A_111 {strides = array<i32>} : memref<2048xf32, #tpu.memory_space<vmem>>, vector<16xf32>,
      %parallel_loop3A_125 = arith.constant 256 : i32
      %parallel_loop3A_126 = arith.muli %parallel_loop3A_109, %parallel_loop3A_125 : i32
      %parallel_loop3A_127 = arith.constant 16 : i32
      %parallel_loop3A_128 = arith.addi %parallel_loop3A_126, %parallel_loop3A_127 : i32
      %parallel_loop3A_129 = arith.index_cast %parallel_loop3A_128 : i32 to index
      %parallel_loop3A_130 = tpu.vector_load %arg8[%parallel_loop3A_129] {strides = array<i32>} : memref<2048xf32, #tpu.memory_space<vmem>>, vector<16xf32>,
      tpu.vector_store %arg8[%parallel_loop3A_129], %parallel_loop3A_111 {strides = array<i32>} : memref<2048xf32, #tpu.memory_space<vmem>>, vector<16xf32>,
      %parallel_loop3A_131 = arith.constant 256 : i32
      %parallel_loop3A_132 = arith.muli %parallel_loop3A_109, %parallel_loop3A_131 : i32
      %parallel_loop3A_133 = arith.constant 32 : i32
      %parallel_loop3A_134 = arith.addi %parallel_loop3A_132, %parallel_loop3A_133 : i32
      %parallel_loop3A_135 = arith.index_cast %parallel_loop3A_134 : i32 to index
      %parallel_loop3A_136 = tpu.vector_load %arg8[%parallel_loop3A_135] {strides = array<i32>} : memref<2048xf32, #tpu.memory_space<vmem>>, vector<16xf32>,
      tpu.vector_store %arg8[%parallel_loop3A_135], %parallel_loop3A_111 {strides = array<i32>} : memref<2048xf32, #tpu.memory_space<vmem>>, vector<16xf32>,
      %parallel_loop3A_137 = arith.constant 256 : i32
      %parallel_loop3A_138 = arith.muli %parallel_loop3A_109, %parallel_loop3A_137 : i32
      %parallel_loop3A_139 = arith.constant 48 : i32
      %parallel_loop3A_140 = arith.addi %parallel_loop3A_138, %parallel_loop3A_139 : i32
      %parallel_loop3A_141 = arith.index_cast %parallel_loop3A_140 : i32 to index
      %parallel_loop3A_142 = tpu.vector_load %arg8[%parallel_loop3A_141] {strides = array<i32>} : memref<2048xf32, #tpu.memory_space<vmem>>, vector<16xf32>,
      tpu.vector_store %arg8[%parallel_loop3A_141], %parallel_loop3A_111 {strides = array<i32>} : memref<2048xf32, #tpu.memory_space<vmem>>, vector<16xf32>,
      %parallel_loop3A_143 = arith.constant 256 : i32
      %parallel_loop3A_144 = arith.muli %parallel_loop3A_109, %parallel_loop3A_143 : i32
      %parallel_loop3A_145 = arith.constant 64 : i32
      %parallel_loop3A_146 = arith.addi %parallel_loop3A_144, %parallel_loop3A_145 : i32
      %parallel_loop3A_147 = arith.index_cast %parallel_loop3A_146 : i32 to index
      %parallel_loop3A_148 = tpu.vector_load %arg8[%parallel_loop3A_147] {strides = array<i32>} : memref<2048xf32, #tpu.memory_space<vmem>>, vector<16xf32>,
      tpu.vector_store %arg8[%parallel_loop3A_147], %parallel_loop3A_111 {strides = array<i32>} : memref<2048xf32, #tpu.memory_space<vmem>>, vector<16xf32>,
      %parallel_loop3A_149 = arith.constant 256 : i32
      %parallel_loop3A_150 = arith.muli %parallel_loop3A_109, %parallel_loop3A_149 : i32
      %parallel_loop3A_151 = arith.constant 80 : i32
      %parallel_loop3A_152 = arith.addi %parallel_loop3A_150, %parallel_loop3A_151 : i32
      %parallel_loop3A_153 = arith.index_cast %parallel_loop3A_152 : i32 to index
      %parallel_loop3A_154 = tpu.vector_load %arg8[%parallel_loop3A_153] {strides = array<i32>} : memref<2048xf32, #tpu.memory_space<vmem>>, vector<16xf32>,
      tpu.vector_store %arg8[%parallel_loop3A_153], %parallel_loop3A_111 {strides = array<i32>} : memref<2048xf32, #tpu.memory_space<vmem>>, vector<16xf32>,
      %parallel_loop3A_155 = arith.constant 256 : i32
      %parallel_loop3A_156 = arith.muli %parallel_loop3A_109, %parallel_loop3A_155 : i32
      %parallel_loop3A_157 = arith.constant 96 : i32
      %parallel_loop3A_158 = arith.addi %parallel_loop3A_156, %parallel_loop3A_157 : i32
      %parallel_loop3A_159 = arith.index_cast %parallel_loop3A_158 : i32 to index
      %parallel_loop3A_160 = tpu.vector_load %arg8[%parallel_loop3A_159] {strides = array<i32>} : memref<2048xf32, #tpu.memory_space<vmem>>, vector<16xf32>,
      tpu.vector_store %arg8[%parallel_loop3A_159], %parallel_loop3A_111 {strides = array<i32>} : memref<2048xf32, #tpu.memory_space<vmem>>, vector<16xf32>,
      %parallel_loop3A_161 = arith.constant 256 : i32
      %parallel_loop3A_162 = arith.muli %parallel_loop3A_109, %parallel_loop3A_161 : i32
      %parallel_loop3A_163 = arith.constant 112 : i32
      %parallel_loop3A_164 = arith.addi %parallel_loop3A_162, %parallel_loop3A_163 : i32
      %parallel_loop3A_165 = arith.index_cast %parallel_loop3A_164 : i32 to index
      %parallel_loop3A_166 = tpu.vector_load %arg8[%parallel_loop3A_165] {strides = array<i32>} : memref<2048xf32, #tpu.memory_space<vmem>>, vector<16xf32>,
      tpu.vector_store %arg8[%parallel_loop3A_165], %parallel_loop3A_111 {strides = array<i32>} : memref<2048xf32, #tpu.memory_space<vmem>>, vector<16xf32>,
      %parallel_loop3A_167 = arith.constant 256 : i32
      %parallel_loop3A_168 = arith.muli %parallel_loop3A_109, %parallel_loop3A_167 : i32
      %parallel_loop3A_169 = arith.constant 128 : i32
      %parallel_loop3A_170 = arith.addi %parallel_loop3A_168, %parallel_loop3A_169 : i32
      %parallel_loop3A_171 = arith.index_cast %parallel_loop3A_170 : i32 to index
      %parallel_loop3A_172 = tpu.vector_load %arg8[%parallel_loop3A_171] {strides = array<i32>} : memref<2048xf32, #tpu.memory_space<vmem>>, vector<16xf32>,
      tpu.vector_store %arg8[%parallel_loop3A_171], %parallel_loop3A_111 {strides = array<i32>} : memref<2048xf32, #tpu.memory_space<vmem>>, vector<16xf32>,
      %parallel_loop3A_173 = arith.constant 256 : i32
      %parallel_loop3A_174 = arith.muli %parallel_loop3A_109, %parallel_loop3A_173 : i32
      %parallel_loop3A_175 = arith.constant 144 : i32
      %parallel_loop3A_176 = arith.addi %parallel_loop3A_174, %parallel_loop3A_175 : i32
      %parallel_loop3A_177 = arith.index_cast %parallel_loop3A_176 : i32 to index
      %parallel_loop3A_178 = tpu.vector_load %arg8[%parallel_loop3A_177] {strides = array<i32>} : memref<2048xf32, #tpu.memory_space<vmem>>, vector<16xf32>,
      tpu.vector_store %arg8[%parallel_loop3A_177], %parallel_loop3A_111 {strides = array<i32>} : memref<2048xf32, #tpu.memory_space<vmem>>, vector<16xf32>,
      %parallel_loop3A_179 = arith.constant 256 : i32
      %parallel_loop3A_180 = arith.muli %parallel_loop3A_109, %parallel_loop3A_179 : i32
      %parallel_loop3A_181 = arith.constant 160 : i32
      %parallel_loop3A_182 = arith.addi %parallel_loop3A_180, %parallel_loop3A_181 : i32
      %parallel_loop3A_183 = arith.index_cast %parallel_loop3A_182 : i32 to index
      %parallel_loop3A_184 = tpu.vector_load %arg8[%parallel_loop3A_183] {strides = array<i32>} : memref<2048xf32, #tpu.memory_space<vmem>>, vector<16xf32>,
      tpu.vector_store %arg8[%parallel_loop3A_183], %parallel_loop3A_111 {strides = array<i32>} : memref<2048xf32, #tpu.memory_space<vmem>>, vector<16xf32>,
      %parallel_loop3A_185 = arith.constant 256 : i32
      %parallel_loop3A_186 = arith.muli %parallel_loop3A_109, %parallel_loop3A_185 : i32
      %parallel_loop3A_187 = arith.constant 176 : i32
      %parallel_loop3A_188 = arith.addi %parallel_loop3A_186, %parallel_loop3A_187 : i32
      %parallel_loop3A_189 = arith.index_cast %parallel_loop3A_188 : i32 to index
      %parallel_loop3A_190 = tpu.vector_load %arg8[%parallel_loop3A_189] {strides = array<i32>} : memref<2048xf32, #tpu.memory_space<vmem>>, vector<16xf32>,
      tpu.vector_store %arg8[%parallel_loop3A_189], %parallel_loop3A_111 {strides = array<i32>} : memref<2048xf32, #tpu.memory_space<vmem>>, vector<16xf32>,
      %parallel_loop3A_191 = arith.constant 256 : i32
      %parallel_loop3A_192 = arith.muli %parallel_loop3A_109, %parallel_loop3A_191 : i32
      %parallel_loop3A_193 = arith.constant 192 : i32
      %parallel_loop3A_194 = arith.addi %parallel_loop3A_192, %parallel_loop3A_193 : i32
      %parallel_loop3A_195 = arith.index_cast %parallel_loop3A_194 : i32 to index
      %parallel_loop3A_196 = tpu.vector_load %arg8[%parallel_loop3A_195] {strides = array<i32>} : memref<2048xf32, #tpu.memory_space<vmem>>, vector<16xf32>,
      tpu.vector_store %arg8[%parallel_loop3A_195], %parallel_loop3A_111 {strides = array<i32>} : memref<2048xf32, #tpu.memory_space<vmem>>, vector<16xf32>,
      %parallel_loop3A_197 = arith.constant 256 : i32
      %parallel_loop3A_198 = arith.muli %parallel_loop3A_109, %parallel_loop3A_197 : i32
      %parallel_loop3A_199 = arith.constant 208 : i32
      %parallel_loop3A_200 = arith.addi %parallel_loop3A_198, %parallel_loop3A_199 : i32
      %parallel_loop3A_201 = arith.index_cast %parallel_loop3A_200 : i32 to index
      %parallel_loop3A_202 = tpu.vector_load %arg8[%parallel_loop3A_201] {strides = array<i32>} : memref<2048xf32, #tpu.memory_space<vmem>>, vector<16xf32>,
      tpu.vector_store %arg8[%parallel_loop3A_201], %parallel_loop3A_111 {strides = array<i32>} : memref<2048xf32, #tpu.memory_space<vmem>>, vector<16xf32>,
      %parallel_loop3A_203 = arith.constant 256 : i32
      %parallel_loop3A_204 = arith.muli %parallel_loop3A_109, %parallel_loop3A_203 : i32
      %parallel_loop3A_205 = arith.constant 224 : i32
      %parallel_loop3A_206 = arith.addi %parallel_loop3A_204, %parallel_loop3A_205 : i32
      %parallel_loop3A_207 = arith.index_cast %parallel_loop3A_206 : i32 to index
      %parallel_loop3A_208 = tpu.vector_load %arg8[%parallel_loop3A_207] {strides = array<i32>} : memref<2048xf32, #tpu.memory_space<vmem>>, vector<16xf32>,
      tpu.vector_store %arg8[%parallel_loop3A_207], %parallel_loop3A_111 {strides = array<i32>} : memref<2048xf32, #tpu.memory_space<vmem>>, vector<16xf32>,
      %parallel_loop3A_209 = arith.constant 256 : i32
      %parallel_loop3A_210 = arith.muli %parallel_loop3A_109, %parallel_loop3A_209 : i32
      %parallel_loop3A_211 = arith.constant 240 : i32
      %parallel_loop3A_212 = arith.addi %parallel_loop3A_210, %parallel_loop3A_211 : i32
      %parallel_loop3A_213 = arith.index_cast %parallel_loop3A_212 : i32 to index
      %parallel_loop3A_214 = tpu.vector_load %arg8[%parallel_loop3A_213] {strides = array<i32>} : memref<2048xf32, #tpu.memory_space<vmem>>, vector<16xf32>,
      tpu.vector_store %arg8[%parallel_loop3A_213], %parallel_loop3A_111 {strides = array<i32>} : memref<2048xf32, #tpu.memory_space<vmem>>, vector<16xf32>,
      %parallel_loop3A_215 = arith.constant 0 : i32
      %parallel_loop3A_216 = arith.constant 256 : i32
      %parallel_loop3A_217 = arith.constant 1 : i32
      scf.for %parallel_loop3A_436 = %parallel_loop3A_215 to %parallel_loop3A_216 step %parallel_loop3A_217  : i32 {
        %parallel_loop3A_437 = arith.constant 16 : i32
        %parallel_loop3A_438 = arith.muli %parallel_loop3A_436, %parallel_loop3A_437 : i32
        %parallel_loop3A_439 = arith.index_cast %parallel_loop3A_109 : i32 to index
        %parallel_loop3A_440 = arith.index_cast %parallel_loop3A_438 : i32 to index
        %parallel_loop3A_441 = tpu.vector_load %arg6[%parallel_loop3A_439, %parallel_loop3A_440] {strides = array<i32>} : memref<8x4096xf32, #tpu.memory_space<vmem>>, vector<16xf32>,
        %parallel_loop3A_442 = arith.mulf %parallel_loop3A_441, %convert_element_type3A : vector<16xf32>
        %parallel_loop3A_443 = vector.shape_cast %and3A_12 : vector<16xi32> to vector<16x1xi32>
        %parallel_loop3A_444 = vector.shape_cast %parallel_loop3A_443 : vector<16x1xi32> to vector<16xi32>
        %parallel_loop3A_445 = tpu.dynamic_gather %parallel_loop3A_442[%parallel_loop3A_444] in [0] : vector<16xf32>, vector<16xi32> -> vector<16xf32>
        %parallel_loop3A_446 = arith.addf %parallel_loop3A_442, %parallel_loop3A_445 : vector<16xf32>
        %parallel_loop3A_447 = vector.shape_cast %and3A_18 : vector<16xi32> to vector<16x1xi32>
        %parallel_loop3A_448 = vector.shape_cast %parallel_loop3A_447 : vector<16x1xi32> to vector<16xi32>
        %parallel_loop3A_449 = tpu.dynamic_gather %parallel_loop3A_446[%parallel_loop3A_448] in [0] : vector<16xf32>, vector<16xi32> -> vector<16xf32>
        %parallel_loop3A_450 = arith.addf %parallel_loop3A_446, %parallel_loop3A_449 : vector<16xf32>
        %parallel_loop3A_451 = arith.fptosi %parallel_loop3A_450 : vector<16xf32> to vector<16xi32>
        %parallel_loop3A_452 = arith.addi %parallel_loop3A_118, %parallel_loop3A_451 : vector<16xi32>
        tpu.vector_store_idx %arg8[%parallel_loop3A_452], %parallel_loop3A_114 {add = true} : memref<2048xf32, #tpu.memory_space<vmem>>[vector<16xi32>], vector<16xf32>,
      } {sc.loop_unroll_factor = 16 : i64, sc.parallel_access}
      %parallel_loop3A_218 = arith.constant 24 : i32
      %parallel_loop3A_219 = arith.addi %parallel_loop3A_218, %parallel_loop3A_109 : i32
      %parallel_loop3A_220 = arith.index_cast %parallel_loop3A_219 : i32 to index
      %parallel_loop3A_221 = arith.constant 0 : index
      %parallel_loop3A_222 = tpu.vector_load %arg7[%parallel_loop3A_220, %parallel_loop3A_221] {strides = array<i32>} : memref<32x16xf32, #tpu.memory_space<vmem>>, vector<16xf32>,
      %parallel_loop3A_223 = arith.constant 256 : i32
      %parallel_loop3A_224 = arith.muli %parallel_loop3A_109, %parallel_loop3A_223 : i32
      %parallel_loop3A_225 = arith.constant 0 : i32
      %parallel_loop3A_226 = arith.addi %parallel_loop3A_224, %parallel_loop3A_225 : i32
      %parallel_loop3A_227 = arith.index_cast %parallel_loop3A_226 : i32 to index
      %parallel_loop3A_228 = tpu.vector_load %arg8[%parallel_loop3A_227] {strides = array<i32>} : memref<2048xf32, #tpu.memory_space<vmem>>, vector<16xf32>,
      %parallel_loop3A_229 = arith.constant 0 : i32
      %parallel_loop3A_230 = vector.broadcast %parallel_loop3A_229 : i32 to vector<16xi32>
      %parallel_loop3A_231 = vector.shape_cast %parallel_loop3A_230 : vector<16xi32> to vector<16x1xi32>
      %parallel_loop3A_232 = vector.shape_cast %parallel_loop3A_231 : vector<16x1xi32> to vector<16xi32>
      %parallel_loop3A_233 = tpu.dynamic_gather %parallel_loop3A_222[%parallel_loop3A_232] in [0] : vector<16xf32>, vector<16xi32> -> vector<16xf32>
      %parallel_loop3A_234 = arith.mulf %parallel_loop3A_228, %parallel_loop3A_233 : vector<16xf32>
      %parallel_loop3A_235 = arith.addf %parallel_loop3A_111, %parallel_loop3A_234 : vector<16xf32>
      %parallel_loop3A_236 = arith.constant 256 : i32
      %parallel_loop3A_237 = arith.muli %parallel_loop3A_109, %parallel_loop3A_236 : i32
      %parallel_loop3A_238 = arith.constant 16 : i32
      %parallel_loop3A_239 = arith.addi %parallel_loop3A_237, %parallel_loop3A_238 : i32
      %parallel_loop3A_240 = arith.index_cast %parallel_loop3A_239 : i32 to index
      %parallel_loop3A_241 = tpu.vector_load %arg8[%parallel_loop3A_240] {strides = array<i32>} : memref<2048xf32, #tpu.memory_space<vmem>>, vector<16xf32>,
      %parallel_loop3A_242 = arith.constant 1 : i32
      %parallel_loop3A_243 = vector.broadcast %parallel_loop3A_242 : i32 to vector<16xi32>
      %parallel_loop3A_244 = vector.shape_cast %parallel_loop3A_243 : vector<16xi32> to vector<16x1xi32>
      %parallel_loop3A_245 = vector.shape_cast %parallel_loop3A_244 : vector<16x1xi32> to vector<16xi32>
      %parallel_loop3A_246 = tpu.dynamic_gather %parallel_loop3A_222[%parallel_loop3A_245] in [0] : vector<16xf32>, vector<16xi32> -> vector<16xf32>
      %parallel_loop3A_247 = arith.mulf %parallel_loop3A_241, %parallel_loop3A_246 : vector<16xf32>
      %parallel_loop3A_248 = arith.addf %parallel_loop3A_235, %parallel_loop3A_247 : vector<16xf32>
      %parallel_loop3A_249 = arith.constant 256 : i32
      %parallel_loop3A_250 = arith.muli %parallel_loop3A_109, %parallel_loop3A_249 : i32
      %parallel_loop3A_251 = arith.constant 32 : i32
      %parallel_loop3A_252 = arith.addi %parallel_loop3A_250, %parallel_loop3A_251 : i32
      %parallel_loop3A_253 = arith.index_cast %parallel_loop3A_252 : i32 to index
      %parallel_loop3A_254 = tpu.vector_load %arg8[%parallel_loop3A_253] {strides = array<i32>} : memref<2048xf32, #tpu.memory_space<vmem>>, vector<16xf32>,
      %parallel_loop3A_255 = arith.constant 2 : i32
      %parallel_loop3A_256 = vector.broadcast %parallel_loop3A_255 : i32 to vector<16xi32>
      %parallel_loop3A_257 = vector.shape_cast %parallel_loop3A_256 : vector<16xi32> to vector<16x1xi32>
      %parallel_loop3A_258 = vector.shape_cast %parallel_loop3A_257 : vector<16x1xi32> to vector<16xi32>
      %parallel_loop3A_259 = tpu.dynamic_gather %parallel_loop3A_222[%parallel_loop3A_258] in [0] : vector<16xf32>, vector<16xi32> -> vector<16xf32>
      %parallel_loop3A_260 = arith.mulf %parallel_loop3A_254, %parallel_loop3A_259 : vector<16xf32>
      %parallel_loop3A_261 = arith.addf %parallel_loop3A_248, %parallel_loop3A_260 : vector<16xf32>
      %parallel_loop3A_262 = arith.constant 256 : i32
      %parallel_loop3A_263 = arith.muli %parallel_loop3A_109, %parallel_loop3A_262 : i32
      %parallel_loop3A_264 = arith.constant 48 : i32
      %parallel_loop3A_265 = arith.addi %parallel_loop3A_263, %parallel_loop3A_264 : i32
      %parallel_loop3A_266 = arith.index_cast %parallel_loop3A_265 : i32 to index
      %parallel_loop3A_267 = tpu.vector_load %arg8[%parallel_loop3A_266] {strides = array<i32>} : memref<2048xf32, #tpu.memory_space<vmem>>, vector<16xf32>,
      %parallel_loop3A_268 = arith.constant 3 : i32
      %parallel_loop3A_269 = vector.broadcast %parallel_loop3A_268 : i32 to vector<16xi32>
      %parallel_loop3A_270 = vector.shape_cast %parallel_loop3A_269 : vector<16xi32> to vector<16x1xi32>
      %parallel_loop3A_271 = vector.shape_cast %parallel_loop3A_270 : vector<16x1xi32> to vector<16xi32>
      %parallel_loop3A_272 = tpu.dynamic_gather %parallel_loop3A_222[%parallel_loop3A_271] in [0] : vector<16xf32>, vector<16xi32> -> vector<16xf32>
      %parallel_loop3A_273 = arith.mulf %parallel_loop3A_267, %parallel_loop3A_272 : vector<16xf32>
      %parallel_loop3A_274 = arith.addf %parallel_loop3A_261, %parallel_loop3A_273 : vector<16xf32>
      %parallel_loop3A_275 = arith.constant 256 : i32
      %parallel_loop3A_276 = arith.muli %parallel_loop3A_109, %parallel_loop3A_275 : i32
      %parallel_loop3A_277 = arith.constant 64 : i32
      %parallel_loop3A_278 = arith.addi %parallel_loop3A_276, %parallel_loop3A_277 : i32
      %parallel_loop3A_279 = arith.index_cast %parallel_loop3A_278 : i32 to index
      %parallel_loop3A_280 = tpu.vector_load %arg8[%parallel_loop3A_279] {strides = array<i32>} : memref<2048xf32, #tpu.memory_space<vmem>>, vector<16xf32>,
      %parallel_loop3A_281 = arith.constant 4 : i32
      %parallel_loop3A_282 = vector.broadcast %parallel_loop3A_281 : i32 to vector<16xi32>
      %parallel_loop3A_283 = vector.shape_cast %parallel_loop3A_282 : vector<16xi32> to vector<16x1xi32>
      %parallel_loop3A_284 = vector.shape_cast %parallel_loop3A_283 : vector<16x1xi32> to vector<16xi32>
      %parallel_loop3A_285 = tpu.dynamic_gather %parallel_loop3A_222[%parallel_loop3A_284] in [0] : vector<16xf32>, vector<16xi32> -> vector<16xf32>
      %parallel_loop3A_286 = arith.mulf %parallel_loop3A_280, %parallel_loop3A_285 : vector<16xf32>
      %parallel_loop3A_287 = arith.addf %parallel_loop3A_274, %parallel_loop3A_286 : vector<16xf32>
      %parallel_loop3A_288 = arith.constant 256 : i32
      %parallel_loop3A_289 = arith.muli %parallel_loop3A_109, %parallel_loop3A_288 : i32
      %parallel_loop3A_290 = arith.constant 80 : i32
      %parallel_loop3A_291 = arith.addi %parallel_loop3A_289, %parallel_loop3A_290 : i32
      %parallel_loop3A_292 = arith.index_cast %parallel_loop3A_291 : i32 to index
      %parallel_loop3A_293 = tpu.vector_load %arg8[%parallel_loop3A_292] {strides = array<i32>} : memref<2048xf32, #tpu.memory_space<vmem>>, vector<16xf32>,
      %parallel_loop3A_294 = arith.constant 5 : i32
      %parallel_loop3A_295 = vector.broadcast %parallel_loop3A_294 : i32 to vector<16xi32>
      %parallel_loop3A_296 = vector.shape_cast %parallel_loop3A_295 : vector<16xi32> to vector<16x1xi32>
      %parallel_loop3A_297 = vector.shape_cast %parallel_loop3A_296 : vector<16x1xi32> to vector<16xi32>
      %parallel_loop3A_298 = tpu.dynamic_gather %parallel_loop3A_222[%parallel_loop3A_297] in [0] : vector<16xf32>, vector<16xi32> -> vector<16xf32>
      %parallel_loop3A_299 = arith.mulf %parallel_loop3A_293, %parallel_loop3A_298 : vector<16xf32>
      %parallel_loop3A_300 = arith.addf %parallel_loop3A_287, %parallel_loop3A_299 : vector<16xf32>
      %parallel_loop3A_301 = arith.constant 256 : i32
      %parallel_loop3A_302 = arith.muli %parallel_loop3A_109, %parallel_loop3A_301 : i32
      %parallel_loop3A_303 = arith.constant 96 : i32
      %parallel_loop3A_304 = arith.addi %parallel_loop3A_302, %parallel_loop3A_303 : i32
      %parallel_loop3A_305 = arith.index_cast %parallel_loop3A_304 : i32 to index
      %parallel_loop3A_306 = tpu.vector_load %arg8[%parallel_loop3A_305] {strides = array<i32>} : memref<2048xf32, #tpu.memory_space<vmem>>, vector<16xf32>,
      %parallel_loop3A_307 = arith.constant 6 : i32
      %parallel_loop3A_308 = vector.broadcast %parallel_loop3A_307 : i32 to vector<16xi32>
      %parallel_loop3A_309 = vector.shape_cast %parallel_loop3A_308 : vector<16xi32> to vector<16x1xi32>
      %parallel_loop3A_310 = vector.shape_cast %parallel_loop3A_309 : vector<16x1xi32> to vector<16xi32>
      %parallel_loop3A_311 = tpu.dynamic_gather %parallel_loop3A_222[%parallel_loop3A_310] in [0] : vector<16xf32>, vector<16xi32> -> vector<16xf32>
      %parallel_loop3A_312 = arith.mulf %parallel_loop3A_306, %parallel_loop3A_311 : vector<16xf32>
      %parallel_loop3A_313 = arith.addf %parallel_loop3A_300, %parallel_loop3A_312 : vector<16xf32>
      %parallel_loop3A_314 = arith.constant 256 : i32
      %parallel_loop3A_315 = arith.muli %parallel_loop3A_109, %parallel_loop3A_314 : i32
      %parallel_loop3A_316 = arith.constant 112 : i32
      %parallel_loop3A_317 = arith.addi %parallel_loop3A_315, %parallel_loop3A_316 : i32
      %parallel_loop3A_318 = arith.index_cast %parallel_loop3A_317 : i32 to index
      %parallel_loop3A_319 = tpu.vector_load %arg8[%parallel_loop3A_318] {strides = array<i32>} : memref<2048xf32, #tpu.memory_space<vmem>>, vector<16xf32>,
      %parallel_loop3A_320 = arith.constant 7 : i32
      %parallel_loop3A_321 = vector.broadcast %parallel_loop3A_320 : i32 to vector<16xi32>
      %parallel_loop3A_322 = vector.shape_cast %parallel_loop3A_321 : vector<16xi32> to vector<16x1xi32>
      %parallel_loop3A_323 = vector.shape_cast %parallel_loop3A_322 : vector<16x1xi32> to vector<16xi32>
      %parallel_loop3A_324 = tpu.dynamic_gather %parallel_loop3A_222[%parallel_loop3A_323] in [0] : vector<16xf32>, vector<16xi32> -> vector<16xf32>
      %parallel_loop3A_325 = arith.mulf %parallel_loop3A_319, %parallel_loop3A_324 : vector<16xf32>
      %parallel_loop3A_326 = arith.addf %parallel_loop3A_313, %parallel_loop3A_325 : vector<16xf32>
      %parallel_loop3A_327 = arith.constant 256 : i32
      %parallel_loop3A_328 = arith.muli %parallel_loop3A_109, %parallel_loop3A_327 : i32
      %parallel_loop3A_329 = arith.constant 128 : i32
      %parallel_loop3A_330 = arith.addi %parallel_loop3A_328, %parallel_loop3A_329 : i32
      %parallel_loop3A_331 = arith.index_cast %parallel_loop3A_330 : i32 to index
      %parallel_loop3A_332 = tpu.vector_load %arg8[%parallel_loop3A_331] {strides = array<i32>} : memref<2048xf32, #tpu.memory_space<vmem>>, vector<16xf32>,
      %parallel_loop3A_333 = arith.constant 8 : i32
      %parallel_loop3A_334 = vector.broadcast %parallel_loop3A_333 : i32 to vector<16xi32>
      %parallel_loop3A_335 = vector.shape_cast %parallel_loop3A_334 : vector<16xi32> to vector<16x1xi32>
      %parallel_loop3A_336 = vector.shape_cast %parallel_loop3A_335 : vector<16x1xi32> to vector<16xi32>
      %parallel_loop3A_337 = tpu.dynamic_gather %parallel_loop3A_222[%parallel_loop3A_336] in [0] : vector<16xf32>, vector<16xi32> -> vector<16xf32>
      %parallel_loop3A_338 = arith.mulf %parallel_loop3A_332, %parallel_loop3A_337 : vector<16xf32>
      %parallel_loop3A_339 = arith.addf %parallel_loop3A_326, %parallel_loop3A_338 : vector<16xf32>
      %parallel_loop3A_340 = arith.constant 256 : i32
      %parallel_loop3A_341 = arith.muli %parallel_loop3A_109, %parallel_loop3A_340 : i32
      %parallel_loop3A_342 = arith.constant 144 : i32
      %parallel_loop3A_343 = arith.addi %parallel_loop3A_341, %parallel_loop3A_342 : i32
      %parallel_loop3A_344 = arith.index_cast %parallel_loop3A_343 : i32 to index
      %parallel_loop3A_345 = tpu.vector_load %arg8[%parallel_loop3A_344] {strides = array<i32>} : memref<2048xf32, #tpu.memory_space<vmem>>, vector<16xf32>,
      %parallel_loop3A_346 = arith.constant 9 : i32
      %parallel_loop3A_347 = vector.broadcast %parallel_loop3A_346 : i32 to vector<16xi32>
      %parallel_loop3A_348 = vector.shape_cast %parallel_loop3A_347 : vector<16xi32> to vector<16x1xi32>
      %parallel_loop3A_349 = vector.shape_cast %parallel_loop3A_348 : vector<16x1xi32> to vector<16xi32>
      %parallel_loop3A_350 = tpu.dynamic_gather %parallel_loop3A_222[%parallel_loop3A_349] in [0] : vector<16xf32>, vector<16xi32> -> vector<16xf32>
      %parallel_loop3A_351 = arith.mulf %parallel_loop3A_345, %parallel_loop3A_350 : vector<16xf32>
      %parallel_loop3A_352 = arith.addf %parallel_loop3A_339, %parallel_loop3A_351 : vector<16xf32>
      %parallel_loop3A_353 = arith.constant 256 : i32
      %parallel_loop3A_354 = arith.muli %parallel_loop3A_109, %parallel_loop3A_353 : i32
      %parallel_loop3A_355 = arith.constant 160 : i32
      %parallel_loop3A_356 = arith.addi %parallel_loop3A_354, %parallel_loop3A_355 : i32
      %parallel_loop3A_357 = arith.index_cast %parallel_loop3A_356 : i32 to index
      %parallel_loop3A_358 = tpu.vector_load %arg8[%parallel_loop3A_357] {strides = array<i32>} : memref<2048xf32, #tpu.memory_space<vmem>>, vector<16xf32>,
      %parallel_loop3A_359 = arith.constant 10 : i32
      %parallel_loop3A_360 = vector.broadcast %parallel_loop3A_359 : i32 to vector<16xi32>
      %parallel_loop3A_361 = vector.shape_cast %parallel_loop3A_360 : vector<16xi32> to vector<16x1xi32>
      %parallel_loop3A_362 = vector.shape_cast %parallel_loop3A_361 : vector<16x1xi32> to vector<16xi32>
      %parallel_loop3A_363 = tpu.dynamic_gather %parallel_loop3A_222[%parallel_loop3A_362] in [0] : vector<16xf32>, vector<16xi32> -> vector<16xf32>
      %parallel_loop3A_364 = arith.mulf %parallel_loop3A_358, %parallel_loop3A_363 : vector<16xf32>
      %parallel_loop3A_365 = arith.addf %parallel_loop3A_352, %parallel_loop3A_364 : vector<16xf32>
      %parallel_loop3A_366 = arith.constant 256 : i32
      %parallel_loop3A_367 = arith.muli %parallel_loop3A_109, %parallel_loop3A_366 : i32
      %parallel_loop3A_368 = arith.constant 176 : i32
      %parallel_loop3A_369 = arith.addi %parallel_loop3A_367, %parallel_loop3A_368 : i32
      %parallel_loop3A_370 = arith.index_cast %parallel_loop3A_369 : i32 to index
      %parallel_loop3A_371 = tpu.vector_load %arg8[%parallel_loop3A_370] {strides = array<i32>} : memref<2048xf32, #tpu.memory_space<vmem>>, vector<16xf32>,
      %parallel_loop3A_372 = arith.constant 11 : i32
      %parallel_loop3A_373 = vector.broadcast %parallel_loop3A_372 : i32 to vector<16xi32>
      %parallel_loop3A_374 = vector.shape_cast %parallel_loop3A_373 : vector<16xi32> to vector<16x1xi32>
      %parallel_loop3A_375 = vector.shape_cast %parallel_loop3A_374 : vector<16x1xi32> to vector<16xi32>
      %parallel_loop3A_376 = tpu.dynamic_gather %parallel_loop3A_222[%parallel_loop3A_375] in [0] : vector<16xf32>, vector<16xi32> -> vector<16xf32>
      %parallel_loop3A_377 = arith.mulf %parallel_loop3A_371, %parallel_loop3A_376 : vector<16xf32>
      %parallel_loop3A_378 = arith.addf %parallel_loop3A_365, %parallel_loop3A_377 : vector<16xf32>
      %parallel_loop3A_379 = arith.constant 256 : i32
      %parallel_loop3A_380 = arith.muli %parallel_loop3A_109, %parallel_loop3A_379 : i32
      %parallel_loop3A_381 = arith.constant 192 : i32
      %parallel_loop3A_382 = arith.addi %parallel_loop3A_380, %parallel_loop3A_381 : i32
      %parallel_loop3A_383 = arith.index_cast %parallel_loop3A_382 : i32 to index
      %parallel_loop3A_384 = tpu.vector_load %arg8[%parallel_loop3A_383] {strides = array<i32>} : memref<2048xf32, #tpu.memory_space<vmem>>, vector<16xf32>,
      %parallel_loop3A_385 = arith.constant 12 : i32
      %parallel_loop3A_386 = vector.broadcast %parallel_loop3A_385 : i32 to vector<16xi32>
      %parallel_loop3A_387 = vector.shape_cast %parallel_loop3A_386 : vector<16xi32> to vector<16x1xi32>
      %parallel_loop3A_388 = vector.shape_cast %parallel_loop3A_387 : vector<16x1xi32> to vector<16xi32>
      %parallel_loop3A_389 = tpu.dynamic_gather %parallel_loop3A_222[%parallel_loop3A_388] in [0] : vector<16xf32>, vector<16xi32> -> vector<16xf32>
      %parallel_loop3A_390 = arith.mulf %parallel_loop3A_384, %parallel_loop3A_389 : vector<16xf32>
      %parallel_loop3A_391 = arith.addf %parallel_loop3A_378, %parallel_loop3A_390 : vector<16xf32>
      %parallel_loop3A_392 = arith.constant 256 : i32
      %parallel_loop3A_393 = arith.muli %parallel_loop3A_109, %parallel_loop3A_392 : i32
      %parallel_loop3A_394 = arith.constant 208 : i32
      %parallel_loop3A_395 = arith.addi %parallel_loop3A_393, %parallel_loop3A_394 : i32
      %parallel_loop3A_396 = arith.index_cast %parallel_loop3A_395 : i32 to index
      %parallel_loop3A_397 = tpu.vector_load %arg8[%parallel_loop3A_396] {strides = array<i32>} : memref<2048xf32, #tpu.memory_space<vmem>>, vector<16xf32>,
      %parallel_loop3A_398 = arith.constant 13 : i32
      %parallel_loop3A_399 = vector.broadcast %parallel_loop3A_398 : i32 to vector<16xi32>
      %parallel_loop3A_400 = vector.shape_cast %parallel_loop3A_399 : vector<16xi32> to vector<16x1xi32>
      %parallel_loop3A_401 = vector.shape_cast %parallel_loop3A_400 : vector<16x1xi32> to vector<16xi32>
      %parallel_loop3A_402 = tpu.dynamic_gather %parallel_loop3A_222[%parallel_loop3A_401] in [0] : vector<16xf32>, vector<16xi32> -> vector<16xf32>
      %parallel_loop3A_403 = arith.mulf %parallel_loop3A_397, %parallel_loop3A_402 : vector<16xf32>
      %parallel_loop3A_404 = arith.addf %parallel_loop3A_391, %parallel_loop3A_403 : vector<16xf32>
      %parallel_loop3A_405 = arith.constant 256 : i32
      %parallel_loop3A_406 = arith.muli %parallel_loop3A_109, %parallel_loop3A_405 : i32
      %parallel_loop3A_407 = arith.constant 224 : i32
      %parallel_loop3A_408 = arith.addi %parallel_loop3A_406, %parallel_loop3A_407 : i32
      %parallel_loop3A_409 = arith.index_cast %parallel_loop3A_408 : i32 to index
      %parallel_loop3A_410 = tpu.vector_load %arg8[%parallel_loop3A_409] {strides = array<i32>} : memref<2048xf32, #tpu.memory_space<vmem>>, vector<16xf32>,
      %parallel_loop3A_411 = arith.constant 14 : i32
      %parallel_loop3A_412 = vector.broadcast %parallel_loop3A_411 : i32 to vector<16xi32>
      %parallel_loop3A_413 = vector.shape_cast %parallel_loop3A_412 : vector<16xi32> to vector<16x1xi32>
      %parallel_loop3A_414 = vector.shape_cast %parallel_loop3A_413 : vector<16x1xi32> to vector<16xi32>
      %parallel_loop3A_415 = tpu.dynamic_gather %parallel_loop3A_222[%parallel_loop3A_414] in [0] : vector<16xf32>, vector<16xi32> -> vector<16xf32>
      %parallel_loop3A_416 = arith.mulf %parallel_loop3A_410, %parallel_loop3A_415 : vector<16xf32>
      %parallel_loop3A_417 = arith.addf %parallel_loop3A_404, %parallel_loop3A_416 : vector<16xf32>
      %parallel_loop3A_418 = arith.constant 256 : i32
      %parallel_loop3A_419 = arith.muli %parallel_loop3A_109, %parallel_loop3A_418 : i32
      %parallel_loop3A_420 = arith.constant 240 : i32
      %parallel_loop3A_421 = arith.addi %parallel_loop3A_419, %parallel_loop3A_420 : i32
      %parallel_loop3A_422 = arith.index_cast %parallel_loop3A_421 : i32 to index
      %parallel_loop3A_423 = tpu.vector_load %arg8[%parallel_loop3A_422] {strides = array<i32>} : memref<2048xf32, #tpu.memory_space<vmem>>, vector<16xf32>,
      %parallel_loop3A_424 = arith.constant 15 : i32
      %parallel_loop3A_425 = vector.broadcast %parallel_loop3A_424 : i32 to vector<16xi32>
      %parallel_loop3A_426 = vector.shape_cast %parallel_loop3A_425 : vector<16xi32> to vector<16x1xi32>
      %parallel_loop3A_427 = vector.shape_cast %parallel_loop3A_426 : vector<16x1xi32> to vector<16xi32>
      %parallel_loop3A_428 = tpu.dynamic_gather %parallel_loop3A_222[%parallel_loop3A_427] in [0] : vector<16xf32>, vector<16xi32> -> vector<16xf32>
      %parallel_loop3A_429 = arith.mulf %parallel_loop3A_423, %parallel_loop3A_428 : vector<16xf32>
      %parallel_loop3A_430 = arith.addf %parallel_loop3A_417, %parallel_loop3A_429 : vector<16xf32>
      %parallel_loop3A_431 = arith.constant 24 : i32
      %parallel_loop3A_432 = arith.addi %parallel_loop3A_431, %parallel_loop3A_109 : i32
      %parallel_loop3A_433 = arith.index_cast %parallel_loop3A_432 : i32 to index
      %parallel_loop3A_434 = arith.constant 0 : index
      %parallel_loop3A_435 = tpu.vector_load %arg9[%parallel_loop3A_433, %parallel_loop3A_434] {strides = array<i32>} : memref<32x16xf32, #tpu.memory_space<vmem>>, vector<16xf32>,
      tpu.vector_store %arg9[%parallel_loop3A_433, %parallel_loop3A_434], %parallel_loop3A_430 {strides = array<i32>} : memref<32x16xf32, #tpu.memory_space<vmem>>, vector<16xf32>,
    } {sc.loop_unroll_factor = 1 : i64, sc.parallel_access}
    %add3A_66 = arith.constant 0 : i32
    %add3A_67 = vector.broadcast %add3A_66 : i32 to vector<16xi32>
    %add3A_68 = arith.addi %iota3A, %add3A_67 : vector<16xi32>
    %broadcast_in_dim3A = arith.constant 0.000000e+00 : f32
    %broadcast_in_dim3A_69 = vector.broadcast %broadcast_in_dim3A : f32 to vector<16xf32>
    %broadcast_in_dim3A_70 = arith.constant 0 : i32
    %broadcast_in_dim3A_71 = vector.broadcast %broadcast_in_dim3A_70 : i32 to vector<16xi32>
    %gather3A = tpu.vector_load_idx %arg9[%add3A_68, %broadcast_in_dim3A_71] : memref<32x16xf32, #tpu.memory_space<vmem>>[vector<16xi32>, vector<16xi32>], vector<16xf32>,
    %add3A_72 = arith.addf %broadcast_in_dim3A_69, %gather3A : vector<16xf32>
    %broadcast_in_dim3A_73 = arith.constant 4 : i32
    %broadcast_in_dim3A_74 = vector.broadcast %broadcast_in_dim3A_73 : i32 to vector<16xi32>
    %gather3A_75 = tpu.vector_load_idx %arg9[%add3A_68, %broadcast_in_dim3A_74] : memref<32x16xf32, #tpu.memory_space<vmem>>[vector<16xi32>, vector<16xi32>], vector<16xf32>,
    %add3A_76 = arith.addf %add3A_72, %gather3A_75 : vector<16xf32>
    %broadcast_in_dim3A_77 = arith.constant 8 : i32
    %broadcast_in_dim3A_78 = vector.broadcast %broadcast_in_dim3A_77 : i32 to vector<16xi32>
    %gather3A_79 = tpu.vector_load_idx %arg9[%add3A_68, %broadcast_in_dim3A_78] : memref<32x16xf32, #tpu.memory_space<vmem>>[vector<16xi32>, vector<16xi32>], vector<16xf32>,
    %add3A_80 = arith.addf %add3A_76, %gather3A_79 : vector<16xf32>
    %broadcast_in_dim3A_81 = arith.constant 12 : i32
    %broadcast_in_dim3A_82 = vector.broadcast %broadcast_in_dim3A_81 : i32 to vector<16xi32>
    %gather3A_83 = tpu.vector_load_idx %arg9[%add3A_68, %broadcast_in_dim3A_82] : memref<32x16xf32, #tpu.memory_space<vmem>>[vector<16xi32>, vector<16xi32>], vector<16xf32>,
    %add3A_84 = arith.addf %add3A_80, %gather3A_83 : vector<16xf32>
    %swap3A = arith.constant 0 : index
    %swap3A_85 = tpu.vector_load %arg10[%swap3A] {strides = array<i32>} : memref<32xf32, #tpu.memory_space<vmem>>, vector<16xf32>,
    tpu.vector_store %arg10[%swap3A], %add3A_84 {strides = array<i32>} : memref<32xf32, #tpu.memory_space<vmem>>, vector<16xf32>,
    %add3A_86 = arith.constant 16 : i32
    %add3A_87 = vector.broadcast %add3A_86 : i32 to vector<16xi32>
    %add3A_88 = arith.addi %iota3A, %add3A_87 : vector<16xi32>
    %broadcast_in_dim3A_89 = arith.constant 0.000000e+00 : f32
    %broadcast_in_dim3A_90 = vector.broadcast %broadcast_in_dim3A_89 : f32 to vector<16xf32>
    %broadcast_in_dim3A_91 = arith.constant 0 : i32
    %broadcast_in_dim3A_92 = vector.broadcast %broadcast_in_dim3A_91 : i32 to vector<16xi32>
    %gather3A_93 = tpu.vector_load_idx %arg9[%add3A_88, %broadcast_in_dim3A_92] : memref<32x16xf32, #tpu.memory_space<vmem>>[vector<16xi32>, vector<16xi32>], vector<16xf32>,
    %add3A_94 = arith.addf %broadcast_in_dim3A_90, %gather3A_93 : vector<16xf32>
    %broadcast_in_dim3A_95 = arith.constant 4 : i32
    %broadcast_in_dim3A_96 = vector.broadcast %broadcast_in_dim3A_95 : i32 to vector<16xi32>
    %gather3A_97 = tpu.vector_load_idx %arg9[%add3A_88, %broadcast_in_dim3A_96] : memref<32x16xf32, #tpu.memory_space<vmem>>[vector<16xi32>, vector<16xi32>], vector<16xf32>,
    %add3A_98 = arith.addf %add3A_94, %gather3A_97 : vector<16xf32>
    %broadcast_in_dim3A_99 = arith.constant 8 : i32
    %broadcast_in_dim3A_100 = vector.broadcast %broadcast_in_dim3A_99 : i32 to vector<16xi32>
    %gather3A_101 = tpu.vector_load_idx %arg9[%add3A_88, %broadcast_in_dim3A_100] : memref<32x16xf32, #tpu.memory_space<vmem>>[vector<16xi32>, vector<16xi32>], vector<16xf32>,
    %add3A_102 = arith.addf %add3A_98, %gather3A_101 : vector<16xf32>
    %broadcast_in_dim3A_103 = arith.constant 12 : i32
    %broadcast_in_dim3A_104 = vector.broadcast %broadcast_in_dim3A_103 : i32 to vector<16xi32>
    %gather3A_105 = tpu.vector_load_idx %arg9[%add3A_88, %broadcast_in_dim3A_104] : memref<32x16xf32, #tpu.memory_space<vmem>>[vector<16xi32>, vector<16xi32>], vector<16xf32>,
    %add3A_106 = arith.addf %add3A_102, %gather3A_105 : vector<16xf32>
    %swap3A_107 = arith.constant 16 : index
    %swap3A_108 = tpu.vector_load %arg10[%swap3A_107] {strides = array<i32>} : memref<32xf32, #tpu.memory_space<vmem>>, vector<16xf32>,
    tpu.vector_store %arg10[%swap3A_107], %add3A_106 {strides = array<i32>} : memref<32xf32, #tpu.memory_space<vmem>>, vector<16xf32>,
    "tpu.region"() ({
      %run_scoped3A = tpu.sem_alloc : memref<!tpu.dma_semaphore, #tpu.memory_space<semaphore_mem>>
      %dma_start3A_109 = tpu.memref_slice %arg4[%mul3A_2] : memref<1024xf32, #tpu.memory_space<hbm>> -> memref<32xf32, #tpu.memory_space<hbm>>
      %dma_start3A_110 = tpu.memref_slice %arg4[%mul3A_2] : memref<1024xf32, #tpu.memory_space<hbm>> -> memref<32xf32, #tpu.memory_space<hbm>>
      tpu.enqueue_dma source(%arg10 : memref<32xf32, #tpu.memory_space<vmem>>) target(%dma_start3A_110 : memref<32xf32, #tpu.memory_space<hbm>>) target_semaphore(%run_scoped3A : memref<!tpu.dma_semaphore, #tpu.memory_space<semaphore_mem>>)
      %dma_wait3A_111 = tpu.memref_slice %arg4[%mul3A_2] : memref<1024xf32, #tpu.memory_space<hbm>> -> memref<32xf32, #tpu.memory_space<hbm>>
      %dma_wait3A_112 = tpu.memref_slice %arg4[%mul3A_2] : memref<1024xf32, #tpu.memory_space<hbm>> -> memref<32xf32, #tpu.memory_space<hbm>>
      tpu.wait_dma2 semaphore(%run_scoped3A : memref<!tpu.dma_semaphore, #tpu.memory_space<semaphore_mem>>) src(%arg10 : memref<32xf32, #tpu.memory_space<vmem>>) dst(%dma_wait3A_112 : memref<32xf32, #tpu.memory_space<hbm>>)
      tpu.yield
    }) : () -> ()
    return
  }
}

</mosaic_0001>

<sc_bundles>
// kernel: kernel.3.cloned.1.call-start
scs
__scs_entry_jumppad:
0x0: {  	(pc) =	sbr.rel $0x88, $3  }
0x1: {  	(tag) =	ssettag $0x0;
	lr =	simm.s32 $0x1  }
0x2: {  	[smem:$0x3F9F] =	sst lr;
	_ =	strace $0xD0000000  }
0x3: {  	_ = 	snop  }
0x4: {  	_ = 	snop  }
0x5: {  	_ = 	snop  }
0x6: {  	_ = 	snop  }
0x7: {  	_ = 	snop  }
__scs_overlays_trampoline_lowered:
0x8: {  	[smem:$0x3FAE] =	sst s0  }
0x9: {  	[smem:$0x3FAF] =	sst s1  }
0xa: {  	[smem:$0x3FB0] =	sst s2  }
0xb: {  	[smem:$0x3FB1] =	sst s3  }
0xc: {  	[smem:$0x3FB2] =	sst s4  }
0xd: {  	[smem:$0x3FB3] =	sst s5  }
0xe: {  	[smem:$0x3FB4] =	sst s6  }
0xf: {  	[smem:$0x3FB5] =	sst s7  }
0x10: {  	[smem:$0x3FB6] =	sst s8  }
0x11: {  	[smem:$0x3FB7] =	sst s9;
	s0 =	simm.s32 @!p0 $0x0  }
0x12: {  	s1 =	sld [smem:$0x3F9D];
	s0 =	simm.s32 @p0 $0x1  }
0x13: {  	[smem:$0x3FB8] =	sst s0;
	s0 =	simm.s32 @!p1 $0x0  }
0x14: {  	s2 =	sld [smem:$0x3F9C];
	s0 =	simm.s32 @p1 $0x1  }
0x15: {  	[smem:$0x3FB9] =	sst s0;
	s0 =	simm.s32 @!p2 $0x0  }
0x16: {  	s3 =	sld [smem:$0x3FDB];
	s0 =	simm.s32 @p2 $0x1  }
0x17: {  	s4 =	simm.s32 $0x1BF5;
	[smem:$0x3FBB] =	sst s0  }
0x18: {  	s0 =	sld [smem:$0x3F9E];
	_ =	swait.ge [sflag:s4], $0x0  }
0x19: {  	s7 =	sld [smem:$0x3F9F]  }
0x1a: {  	s8 =	sadd.s32 $0xFFFFE003, lr  }
0x1b: {  	s9 =	sadd.s32 $0xFFFFFEF7, lr;
	s5 =	simm.s32 $0xFFFFFFFF;
	p2 =	slt.u32 s8, $0xFFFFF086  }
0x1c: {  	p1 =	slt.u32 s9, $0xF7A;
	s5 =	simm.s32 @!p2 $0x0  }
0x1d: {  	s5 =	simm.s32 @p1 $0x1;
	p0 =	seq.s32 s7, s2  }
0x1e: {  	s7 =	smul.u32 @!p0 $0xF7A, s2;
	p2 =	seq.s32 @!p0 s5, $0x0  }
0x1f: {  	s9 =	smul.u32 $0xF7A, s1;
	s8 =	simm.s32 @!p0 $0x1BF5;
	p2 =	por !p2, p0  }
0x20: {  	[sflag:s8] =	ssyncset.s32 @!p0 $0xFFFFF086;
	s6 =	sadd.s32 @!p0 s3, s7;
	s7 =	simm.s32 @!p0 $0x108  }
0x21: {  	s3 =	sadd.s32 s3, s9;
	s6 =	sadd.s32 @!p0 $0x88, s6;
	s7 =	simm.s32 @p2 $0x1082  }
0x22: {  	[simem:s7], [sflag:s8] =	dma.local @!p0 [hbm:s6], $0xF7A  }
0x23: {  	s9 =	sor.u32 $0xD0000000, s2;
	s6 =	simm.s32 $0x108;
	_ =	swait.ge @!p0 [sflag:s8], $0x0  }
0x24: {  	s3 =	sadd.s32 $0x88, s3;
	s6 =	simm.s32 @!p1 $0x1082;
	[sflag:s4] =	ssyncset.s32 $0xFFFFF086  }
0x25: {  	[simem:s6], [sflag:s4] =	dma.local [hbm:s3], $0xF7A  }
0x26: {  	[smem:$0x3F9F] =	sst s1;
	(tag) =	ssettag s2;
	_ =	strace s9  }
0x27: {  	s1 =	sld [smem:$0x3FAF]  }
0x28: {  	s2 =	sld [smem:$0x3FB0]  }
0x29: {  	s4 =	sld [smem:$0x3FB2]  }
0x2a: {  	p0 =	seq.s32 s5, $0x0;
	s5 =	sld [smem:$0x3FB3]  }
0x2b: {  	s6 =	sld [smem:$0x3FB4]  }
0x2c: {  	s7 =	sld [smem:$0x3FB5]  }
0x2d: {  	s3 =	simm.s32 $0x108;
	s8 =	sld [smem:$0x3FB6]  }
0x2e: {  	s3 =	simm.s32 @!p0 $0x1082;
	s9 =	sld [smem:$0x3FB7]  }
0x2f: {  	lr =	sadd.s32 s0, s3;
	s0 =	sld [smem:$0x3FAE]  }
0x30: {  	s3 =	sld [smem:$0x3FB1]  }
0x31: {  	[smem:$0x3FBA] =	sst s10  }
0x32: {  	s10 =	sld [smem:$0x3FB8];
	_ =	sdelay $0x3  }
0x33: {  	p0 =	seq.s32 s10, $0x1;
	s10 =	sld [smem:$0x3FBA];
	_ =	sdelay $0x3  }
0x34: {  	[smem:$0x3FBA] =	sst s10  }
0x35: {  	s10 =	sld [smem:$0x3FB9];
	_ =	sdelay $0x3  }
0x36: {  	p1 =	seq.s32 s10, $0x1;
	s10 =	sld [smem:$0x3FBA];
	_ =	sdelay $0x3  }
0x37: {  	[smem:$0x3FBA] =	sst s10  }
0x38: {  	s10 =	sld [smem:$0x3FBB]  }
0x39: {  	_ = 	snop;
	(pc) =	sbr.ind lr, $3  }
0x3a: {  	_ = 	snop  }
0x3b: {  	_ = 	snop  }
0x3c: {  	p2 =	seq.s32 s10, $0x1;
	s10 =	sld [smem:$0x3FBA]  }
0x3d: {  	_ =	shalt  }
0x3e: {  	_ =	shalt  }
0x3f: {  	_ =	shalt  }
0x40: {  	_ =	shalt  }
0x41: {  	_ =	shalt  }
0x42: {  	_ =	shalt  }
0x43: {  	_ =	shalt  }
0x44: {  	_ =	shalt  }
0x45: {  	_ =	shalt  }
0x46: {  	_ =	shalt  }
0x47: {  	_ =	shalt  }
0x48: {  	_ =	shalt  }
0x49: {  	_ =	shalt  }
0x4a: {  	_ =	shalt  }
0x4b: {  	_ =	shalt  }
0x4c: {  	_ =	shalt  }
0x4d: {  	_ =	shalt  }
0x4e: {  	_ =	shalt  }
0x4f: {  	_ =	shalt  }
0x50: {  	_ =	shalt  }
0x51: {  	_ =	shalt  }
0x52: {  	_ =	shalt  }
0x53: {  	_ =	shalt  }
0x54: {  	_ =	shalt  }
0x55: {  	_ =	shalt  }
0x56: {  	_ =	shalt  }
0x57: {  	_ =	shalt  }
0x58: {  	_ =	shalt  }
0x59: {  	_ =	shalt  }
0x5a: {  	_ =	shalt  }
0x5b: {  	_ =	shalt  }
0x5c: {  	_ =	shalt  }
0x5d: {  	_ =	shalt  }
0x5e: {  	_ =	shalt  }
0x5f: {  	_ =	shalt  }
0x60: {  	_ =	shalt  }
0x61: {  	_ =	shalt  }
0x62: {  	_ =	shalt  }
0x63: {  	_ =	shalt  }
0x64: {  	_ =	shalt  }
0x65: {  	_ =	shalt  }
0x66: {  	_ =	shalt  }
0x67: {  	_ =	shalt  }
0x68: {  	_ =	shalt  }
0x69: {  	_ =	shalt  }
0x6a: {  	_ =	shalt  }
0x6b: {  	_ =	shalt  }
0x6c: {  	_ =	shalt  }
0x6d: {  	_ =	shalt  }
0x6e: {  	_ =	shalt  }
0x6f: {  	_ =	shalt  }
0x70: {  	_ =	shalt  }
0x71: {  	_ =	shalt  }
0x72: {  	_ =	shalt  }
0x73: {  	_ =	shalt  }
0x74: {  	_ =	shalt  }
0x75: {  	_ =	shalt  }
0x76: {  	_ =	shalt  }
0x77: {  	_ =	shalt  }
0x78: {  	_ =	shalt  }
0x79: {  	_ =	shalt  }
0x7a: {  	_ =	shalt  }
0x7b: {  	_ =	shalt  }
0x7c: {  	_ =	shalt  }
0x7d: {  	_ =	shalt  }
0x7e: {  	_ =	shalt  }
0x7f: {  	_ =	shalt  }
0x80: {  	_ =	shalt  }
0x81: {  	_ =	shalt  }
0x82: {  	_ =	shalt  }
0x83: {  	_ =	shalt  }
0x84: {  	_ =	shalt  }
0x85: {  	_ =	shalt  }
0x86: {  	_ =	shalt  }
0x87: {  	_ =	shalt  }
.Lfunc_end0:
.L_simem_size_0:
called_computation_lowered:
.L_overlay_start_0:
0x88: {  	s2 =	sld [smem:$0x3FD9]  }
0x89: {  	s3 =	sld [smem:$0x3FFE];
	_ =	sdelay $0x1  }
0x8a: {  	s1 =	srdreg.scid  }
0x8b: {  	s0 =	sand.u32 $0x1, s1  }
0x8c: {  	s17 =	sshll.u32 s0, $0xA;
	s2 =	sadd.s32 s3, s2  }
0x8d: {  	s2 =	sadd.s32 s2, s17  }
0x8e: {  	[smem:$0x3FC6] =	sst s2  }
0x8f: {  	_ = 	snop  }
0x90: {  	s2 =	sld [smem:$0x3FC9]  }
0x91: {  	s18 =	sld [smem:$0x3FD0];
	(tm) =	ssettm $0x1  }
0x92: {  	s4 =	sld [smem:$0x3FFB];
	_ =	sdelay $0x3  }
0x93: {  	_ =	strace s4  }
0x94: {  	s4 =	sld [smem:$0x3FFC];
	_ =	sdelay $0x3  }
0x95: {  	_ =	strace s4  }
0x96: {  	s4 =	sld [smem:$0x3FFD];
	_ =	sdelay $0x3  }
0x97: {  	_ =	strace s4  }
0x98: {  	_ =	strace $0x8FFFFFFF  }
0x99: {  	s19 =	sld [smem:$0x3FDB];
	_ =	sdelay $0x1  }
0x9a: {  	s5 =	simm.s32 $_scs_section_size  }
0x9b: {  	s6 =	simm.s32 $_size__tile_overlayer_lowered;
	s7 =	simm.s32 $_tile_overlayer_lowered  }
0x9c: {  	s22 =	simm.s32 $0x1BFF;
	s21 =	sshll.u32 s7, $0x1;
	s4 =	sadd.s32 s5, s19  }
0x9d: {  	s8 =	simm.s32 $0x0;
	s20 =	sshll.u32 s6, $0x1;
	s6 =	sadd.s32 s21, s4  }
0x9e: {  	[timem:s8], [sflag:s22] =	dma.local [hbm:s6], s20  }
0x9f: {  	_ =	swait.ge [sflag:s22], s20  }
0xa0: {  	s5 =	ssub.s32 $0x0, s20;
	[sflag:s22] =	ssyncset.done $0x0  }
0xa1: {  	[sflag:s22] =	ssyncadd.s32 s5;
	_ =	sdelay $0x1  }
0xa2: {  	s23 =	simm.s32 $0x1B8B  }
0xa3: {  	_ =	swait.ge [sflag:s23], $0x1  }
0xa4: {  	[sflag:s23] =	ssyncset.done $0x0  }
0xa5: {  	s25 =	simm.s32 $0x1B8E;
	s24 =	sld [smem:$0x3FFE];
	[sflag:s23] =	ssyncadd.s32 $0xFFFFFFFF  }
0xa6: {  	s26 =	simm.s32 $execute0_lowered;
	[smem:$0x3FD2] =	sst s25  }
0xa7: {  	s6 =	sshll.u32 s26, $0x1;
	_ =	strace $0x80000046;
	[dreg:$0x1] =	wrdreg $0xFFFFFFFF  }
0xa8: {  	s28 =	simm.s32 $_size_execute0_lowered;
	s4 =	sadd.s32 s4, s6;
	[dreg:$0x0] =	wrdreg $0x0  }
0xa9: {  	s6 =	sshll.u32 s28, $0x1;
	[dreg:$0x2] =	wrdreg s4  }
0xaa: {  	[dreg:$0x3] =	wrdreg s6  }
0xab: {  	[dreg:$0x4] =	wrdreg $0xC0  }
0xac: {  	_ =	task [dreg:s8], $0x5FFFF  }
0xad: {  	[dreg:$0x1] =	wrdreg $0xFFFFFFFF  }
0xae: {  	[dreg:$0x0] =	wrdreg $0x60  }
0xaf: {  	[dreg:$0x2] =	wrdreg s2  }
0xb0: {  	[dreg:$0x3] =	wrdreg s24  }
0xb1: {  	[dreg:$0x4] =	wrdreg s18  }
0xb2: {  	[dreg:$0x5] =	wrdreg $0x9  }
0xb3: {  	_ =	task.clear_ibuf [dreg:s8], $0x6FFFF;
	_ =	strace $0x90000046  }
0xb4: {  	s29 =	simm.s32 $0x9;
	_ =	strace $0x80000048  }
0xb5: {  	_ =	swait.ge [sflag:s29], $0x1  }
0xb6: {  	[sflag:s29] =	ssyncadd.s32 $0xFFFFFFFF  }
0xb7: {  	_ =	strace $0x90000048  }
0xb8: {  	_ =	sfence  }
0xb9: {  	s30 =	sld [smem:$0x0];
	_ =	sdelay $0x2  }
0xba: {  	s31 =	sshll.u32 s1, $0xD;
	s1 =	sshrl.u32 s1, $0x2  }
0xbb: {  	s3 =	sand.u32 $0x4000, s31;
	s1 =	sadd.s32 s1, s30  }
0xbc: {  	s0 =	sor.u32 s3, s0;
	s1 =	sshll.u32 s1, $0x11  }
0xbd: {  	s0 =	sor.u32 s1, s0  }
0xbe: {  	s0 =	sadd.s32 $0x8F2B, s0  }
0xbf: {  	[sflag:s0] =	ssyncadd.remote.s32 $0x1  }
0xc0: {  	_ =	sfence.sel $0xFFFF  }
0xc1: {  	[dreg:$0x0] =	wrdreg $0xFFFFFFFF;
	(pc) =	sbr.abs _section_cstart, $3  }
0xc2: {  	[dreg:$0x1] =	wrdreg $0xFFFFFFFF  }
0xc3: {  	_ =	task.clear_ibuf [dreg:s8], $0x2FFFF;
	_ =	strace $0x9FFFFFFF  }
0xc4: {  	(tm) =	ssettm $0x7FFFFFFF  }
0xc5: {  	_ =	shalt  }
tec
execute0_lowered:
.L_overlay_start_1:
0x0: {  	(tag) =	ssettag $0x1  }
0x1: {  	v0 =	vimm.f32 $1.280000000e+02;
	vm0 =	vcmask $0x300;
	vm5 =	vcmask $0x704  }
0x2: {  	vm6 =	vcmask $0xB08;
	vm7 =	vcmask $0x1310;
	vm8 =	vcmask $0x1714  }
0x3: {  	vm9 =	vcmask $0x1B18;
	vm10 =	vcmask $0x2320;
	vm11 =	vcmask $0x2724  }
0x4: {  	v2 =	vimm.s32 $0xFEDCBA9;
	v3 =	vimm.s32 $0x87654321;
	v4 =	vimm.s32 $0x10FEDCBA  }
0x5: {  	v5 =	vimm.s32 $0x98765432;
	vm12 =	vcmask $0x2B28;
	vm13 =	vcmask $0x3330  }
0x6: {  	vm14 =	vcmask $0x3734;
	vm15 =	vcmask $0x3B38;
	v6 =	vimm.s32 $0x0  }
0x7: {  	s4 =	rddreg [dreg:$0x0];
	v7 =	vimm.s32 $0x1;
	v8 =	vimm.s32 $0x2;
	v9 =	vimm.s32 $0x3  }
0x8: {  	s3 =	rddreg [dreg:$0x1];
	v10 =	vimm.s32 $0x4;
	v11 =	vimm.s32 $0x5;
	v12 =	vimm.s32 $0x6  }
0x9: {  	s8 =	rddreg [dreg:$0x2];
	s2 =	srdreg.scid;
	v13 =	vimm.s32 $0x7;
	v14 =	vimm.s32 $0x8;
	v0 =	vsel vm0, $0x41800000, v0  }
0xa: {  	s0 =	rddreg [dreg:$0x3];
	s1 =	stileid.u32;
	v15 =	vimm.s32 $0x9;
	v16 =	vimm.s32 $0xA;
	v0 =	vsel vm5, $0x42000000, v0  }
0xb: {  	s11 =	simm.s32 $0x3;
	s12 =	simm.s32 $0x8000;
	s13 =	simm.s32 $0x1;
	v17 =	vimm.s32 $0xB;
	v18 =	vimm.s32 $0xC;
	v0 =	vsel vm6, $0x42800000, v0  }
0xc: {  	s14 =	simm.s32 $0x11000;
	s15 =	simm.s32 $0x2;
	v19 =	vimm.s32 $0xD;
	v20 =	vimm.s32 $0xE;
	s16 =	simm.s32 $0x11800;
	v0 =	vsel vm7, $0x41800000, v0  }
0xd: {  	s17 =	simm.s32 $0x12800;
	s18 =	simm.s32 $0x0;
	v2 =	vunpack.c.l.s4.s8 v2;
	v3 =	vunpack.c.l.s4.s8 v3;
	s5 =	sand.u32 $0x1, s2;
	v1 =	vsel vm8, $0x42000000, v0  }
0xe: {  	v4 =	vunpack.c.l.s4.s8 v4;
	v5 =	vunpack.c.l.s4.s8 v5;
	s2 =	simm.s32 $0x0;
	s6 =	sshll.u32 s1, $0x6;
	s7 =	sshll.u32 s5, $0x5;
	v1 =	vsel vm9, $0x42800000, v1  }
0xf: {  	[smem:$0x7FF] =	sst s2;
	s5 =	ssub.s32 $0x2, s5;
	v2 =	vunpack.c.0.s8.s32 v2;
	v3 =	vunpack.c.0.s8.s32 v3;
	s7 =	sor.u32 s7, s6;
	v1 =	vsel vm10, $0x41800000, v1  }
0x10: {  	v4 =	vunpack.c.0.s8.s32 v4;
	v5 =	vunpack.c.0.s8.s32 v5;
	_ =	strace $0x80000047;
	s30 =	sshrl.u32 s5, $0x1;
	s6 =	sshll.u32 s7, $0x4;
	v1 =	vsel vm11, $0x42000000, v1  }
0x11: {  	v21 =	vimm.s32 $0xF;
	s9 =	sshll.u32 s7, $0x9;
	s10 =	ssub.s32 s5, s30;
	s31 =	sshrl.u32 s7, $0x3;
	v3 =	vcombine.low v3, v2;
	v1 =	vsel vm12, $0x42800000, v1  }
0x12: {  	v0 =	vlaneseq.u32;
	v4 =	vcombine.low v5, v4;
	s3 =	sadd.s32 s6, s3;
	s4 =	sadd.s32 s4, s9;
	s8 =	sadd.s32 s8, s31;
	v1 =	vsel vm13, $0x41800000, v1  }
0x13: {  	v5 =	vimm.f32 $1.000000000e+00;
	s9 =	smax.u32 s10, $0x1;
	s10 =	simm.s32 $0x10000;
	s3 =	sadd.s32 $0x400, s3;
	v3 =	vand.u32 $0xF, v3;
	v2 =	vsel vm14, $0x42000000, v1  }
0x14: {  	s5 =	sadd.s32 $0x1000, s4;
	s6 =	sadd.s32 $0x2000, s4;
	s7 =	sadd.s32 $0x3000, s4;
	v4 =	vand.u32 $0xF, v4;
	v1 =	vimm.f32 $0.0e+00;
	v2 =	vsel vm15, $0x42800000, v2  }
.LBB2_1:
0x15: {  	[tilespmem:s10], [sflag:$0x3] =	stream.linear.gather [hbm4b:s3+s2], $0x1000, $0x38;
	[tilespmem:$0x12880] =	vst v63  }
0x16: {  	_ =	swait.ge [sflag:s11], $0x1000  }
0x17: {  	[sflag:s11] =	ssyncset.done $0x0  }
0x18: {  	[sflag:s11] =	ssyncadd.s32 $0xFFFFF000  }
0x19: {  	[tilespmem:s2], [sflag:$0x1] =	stream.linear.gather [hbm4b:s4+s2], $0x8000, $0x38;
	[tilespmem:$0x12880] =	vst v63  }
0x1a: {  	_ = 	snop  }
0x1b: {  	[tilespmem:s12], [sflag:$0x2] =	stream.linear.gather [hbm4b:s5+s2], $0x8000, $0x38;
	[tilespmem:$0x12880] =	vst v63  }
0x1c: {  	_ =	swait.ge [sflag:s13], $0x8000  }
0x1d: {  	[sflag:s13] =	ssyncset.done $0x0  }
0x1e: {  	s19 =	simm.s32 $0x400;
	s20 =	simm.s32 $0x0;
	[sflag:s13] =	ssyncadd.s32 $0xFFFF8000  }
.LBB2_2:
0x1f: {  	s21 =	sshll.u32 s20, $0x8  }
0x20: {  	[tilespmem:s21+$0x11000] =	vst v1  }
0x21: {  	[tilespmem:s21+$0x11010] =	vst v1  }
0x22: {  	[tilespmem:s21+$0x11020] =	vst v1  }
0x23: {  	[tilespmem:s21+$0x11030] =	vst v1  }
0x24: {  	[tilespmem:s21+$0x11040] =	vst v1  }
0x25: {  	[tilespmem:s21+$0x11050] =	vst v1  }
0x26: {  	[tilespmem:s21+$0x11060] =	vst v1  }
0x27: {  	[tilespmem:s21+$0x11070] =	vst v1  }
0x28: {  	[tilespmem:s21+$0x11080] =	vst v1  }
0x29: {  	[tilespmem:s21+$0x11090] =	vst v1  }
0x2a: {  	[tilespmem:s21+$0x110A0] =	vst v1  }
0x2b: {  	[tilespmem:s21+$0x110B0] =	vst v1  }
0x2c: {  	[tilespmem:s21+$0x110C0] =	vst v1  }
0x2d: {  	[tilespmem:s21+$0x110D0] =	vst v1  }
0x2e: {  	[tilespmem:s21+$0x110E0] =	vst v1  }
0x2f: {  	[tilespmem:s21+$0x110F0] =	vst v1  }
0x30: {  	v22 =	vld [tilespmem:s19+$0x70]  }
0x31: {  	v23 =	vld [tilespmem:s19+$0x50]  }
0x32: {  	v24 =	vld [tilespmem:s19+$0x40]  }
0x33: {  	v25 =	vld [tilespmem:s19+$0xFFFFFC50]  }
0x34: {  	v26 =	vld [tilespmem:s19+$0x0]  }
0x35: {  	v27 =	vld [tilespmem:s19+$0xFFFFFC20]  }
0x36: {  	v28 =	vld [tilespmem:s19+$0xFFFFFC40]  }
0x37: {  	v29 =	vld [tilespmem:s19+$0x20]  }
0x38: {  	v32 =	vld [tilespmem:s19+$0x30]  }
0x39: {  	v36 =	vld [tilespmem:s19+$0xFFFFFC30]  }
0x3a: {  	v51 =	vld [tilespmem:s19+$0xFFFFFC60];
	v30 =	vmul.f32 v2, v22;
	v31 =	vmul.f32 v2, v24  }
0x3b: {  	v22 =	vmul.f32 v2, v25;
	v35 =	vmul.f32 v2, v27  }
0x3c: {  	v37 =	vmul.f32 v2, v26;
	v28 =	vmul.f32 v2, v28  }
0x3d: {  	v39 =	vmul.f32 v2, v23;
	v29 =	vmul.f32 v2, v29  }
0x3e: {  	v32 =	vmul.f32 v2, v32;
	v52 =	vmul.f32 v2, v36  }
0x3f: {  	v56 =	vmul.f32 v2, v51;
	v33 =	vperm.xlane v30, v3  }
0x40: {  	v24 =	vld [tilespmem:s19+$0x10];
	v34 =	vperm.xlane v31, v3;
	v25 =	vperm.xlane v22, v3  }
0x41: {  	v38 =	vld [tilespmem:s19+$0xFFFFFC00];
	v23 =	vperm.xlane v35, v3;
	v49 =	vperm.xlane v37, v3  }
0x42: {  	v26 =	vld [tilespmem:s19+$0xFFFFFC70];
	v41 =	vperm.xlane v32, v3;
	v55 =	vperm.xlane v52, v3  }
0x43: {  	v42 =	vperm.xlane v29, v3;
	v40 =	vadd.f32 v25, v22;
	v22 =	vor.u32 s21, v0  }
0x44: {  	v27 =	vadd.f32 v34, v31;
	v31 =	vperm.xlane v28, v3;
	v23 =	vadd.f32 v23, v35  }
0x45: {  	v25 =	vmul.f32 v2, v24;
	v24 =	vadd.f32 v33, v30;
	v30 =	vperm.xlane v40, v4  }
0x46: {  	v54 =	vadd.f32 v41, v32;
	v59 =	vadd.f32 v42, v29;
	v29 =	vperm.xlane v56, v3  }
0x47: {  	v50 =	vmul.f32 v2, v26;
	v26 =	vmul.f32 v2, v38;
	v30 =	vadd.f32 v30, v40  }
0x48: {  	v33 =	vadd.f32 v49, v37;
	v28 =	vadd.f32 v31, v28;
	v31 =	vperm.xlane v39, v3  }
0x49: {  	v37 =	vadd.f32 v55, v52;
	v41 =	vperm.xlane v54, v4;
	v30 =	vtrunc.f32 v30  }
0x4a: {  	v62 =	vadd.f32 v29, v56;
	v43 =	vperm.xlane v59, v4;
	v30 =	vcvt.f32.s32 v30  }
0x4b: {  	v36 =	vperm.xlane v27, v4;
	v58 =	vadd.f32 v31, v39;
	v31 =	vperm.xlane v28, v4  }
0x4c: {  	v53 =	vperm.xlane v50, v3;
	v57 =	vadd.s32 v30, v22;
	v30 =	vadd.f32 v41, v54  }
0x4d: {  	v60 =	vld [tilespmem:s19+$0xFFFFFC10];
	v44 =	vperm.xlane v62, v4;
	v31 =	vadd.f32 v31, v28;
	v28 =	vperm.xlane v37, v4  }
0x4e: {  	v32 =	vadd.f32 v53, v50;
	v61 =	vperm.xlane v58, v4;
	v30 =	vtrunc.f32 v30  }
0x4f: {  	v63 =	vadd.f32 v44, v62;
	v37 =	vadd.f32 v28, v37;
	v29 =	vcvt.f32.s32 v30  }
0x50: {  	v45 =	vperm.xlane v33, v4;
	v35 =	vperm.xlane v32, v4;
	v41 =	vadd.f32 v61, v58  }
0x51: {  	v38 =	vtrunc.f32 v63;
	v37 =	vtrunc.f32 v37;
	v34 =	vadd.s32 v29, v22  }
0x52: {  	v39 =	vadd.f32 v43, v59;
	v28 =	vld [tilespmem:s19+$0x60];
	v41 =	vtrunc.f32 v41;
	v30 =	vmul.f32 v2, v60  }
0x53: {  	s22 =	sshll.u32 s20, $0x7;
	s23 =	simm.s32 $0x0;
	s24 =	sadd.s32 $0x800, s19;
	v33 =	vadd.f32 v45, v33;
	v40 =	vcvt.f32.s32 v41;
	v29 =	vperm.xlane v23, v4;
	[tilespmem:v57+s14+$0x0] =	vst.idx.add.f32.msk $0xffff, v5  }
.LBB2_3:
0x54: {  	v41 =	vld [tilespmem:s24+$0x70];
	s23 =	sadd.s32 $0x10, s23;
	v42 =	vperm.xlane v30, v3;
	v37 =	vcvt.f32.s32 v37;
	v27 =	vadd.f32 v36, v27  }
0x55: {  	v38 =	vcvt.f32.s32 v38;
	v36 =	vld [tilespmem:s24+$0x50];
	p0 =	slt.u32 s23, $0xF0;
	v39 =	vtrunc.f32 v39;
	v40 =	vadd.s32 v40, v22  }
0x56: {  	v43 =	vperm.xlane v26, v3;
	v32 =	vadd.f32 v35, v32;
	[tilespmem:v34+s14+$0x0] =	vst.idx.add.f32.msk $0xffff, v5;
	v27 =	vtrunc.f32 v27  }
0x57: {  	v35 =	vadd.s32 v38, v22;
	v38 =	vcvt.f32.s32 v39;
	v34 =	vld [tilespmem:s24+$0x30];
	v27 =	vcvt.f32.s32 v27  }
0x58: {  	v28 =	vmul.f32 v2, v28;
	v42 =	vadd.f32 v42, v30;
	v30 =	vperm.xlane v25, v3;
	v39 =	vld [tilespmem:s24+$0xFFFFFC50]  }
0x59: {  	v37 =	vadd.s32 v37, v22;
	v44 =	vld [tilespmem:s24+$0x40];
	v45 =	vadd.s32 v27, v22;
	v27 =	vperm.xlane v24, v4  }
0x5a: {  	v31 =	vtrunc.f32 v31;
	v46 =	vperm.xlane v28, v3;
	v25 =	vadd.f32 v30, v25  }
0x5b: {  	v31 =	vcvt.f32.s32 v31;
	v47 =	vperm.xlane v42, v4;
	v30 =	vld [tilespmem:s24+$0xFFFFFC10];
	v24 =	vadd.f32 v27, v24  }
0x5c: {  	v26 =	vadd.f32 v43, v26;
	v46 =	vadd.f32 v46, v28;
	v43 =	vperm.xlane v25, v4;
	v27 =	vld [tilespmem:s24+$0x0]  }
0x5d: {  	v28 =	vtrunc.f32 v32;
	v42 =	vadd.f32 v47, v42;
	v48 =	vld [tilespmem:s24+$0xFFFFFC20];
	v24 =	vtrunc.f32 v24  }
0x5e: {  	v32 =	vtrunc.f32 v33;
	v28 =	vcvt.f32.s32 v28;
	v25 =	vadd.f32 v43, v25;
	[tilespmem:v35+s14+$0x0] =	vst.idx.add.f32.msk $0xffff, v5  }
0x5f: {  	v31 =	vadd.s32 v31, v22;
	v35 =	vmul.f32 v2, v41;
	v41 =	vperm.xlane v26, v4;
	v33 =	vld [tilespmem:s24+$0x20]  }
0x60: {  	v49 =	vperm.xlane v46, v4;
	v47 =	vadd.s32 v28, v22;
	v44 =	vmul.f32 v2, v44;
	v43 =	vld [tilespmem:s24+$0xFFFFFC40]  }
0x61: {  	v50 =	vperm.xlane v35, v3;
	v26 =	vadd.f32 v41, v26;
	[tilespmem:v37+s14+$0x0] =	vst.idx.add.f32.msk $0xffff, v5;
	v37 =	vcvt.f32.s32 v24  }
0x62: {  	v42 =	vtrunc.f32 v42;
	v46 =	vadd.f32 v49, v46;
	v41 =	vperm.xlane v44, v3;
	v28 =	vld [tilespmem:s24+$0x60]  }
0x63: {  	v49 =	vmul.f32 v2, v27;
	v48 =	vmul.f32 v2, v48;
	v24 =	vadd.f32 v50, v35;
	v51 =	vld [tilespmem:s24+$0x10]  }
0x64: {  	v39 =	vmul.f32 v2, v39;
	v27 =	vadd.f32 v41, v44;
	v41 =	vcvt.f32.s32 v42;
	v35 =	vld [tilespmem:s24+$0xFFFFFC30]  }
0x65: {  	v23 =	vadd.f32 v29, v23;
	v36 =	vmul.f32 v2, v36;
	v42 =	vld [tilespmem:s24+$0xFFFFFC00];
	v43 =	vmul.f32 v2, v43  }
0x66: {  	v32 =	vcvt.f32.s32 v32;
	v29 =	vperm.xlane v39, v3;
	v41 =	vadd.s32 v41, v22;
	v44 =	vld [tilespmem:s24+$0xFFFFFC70]  }
0x67: {  	v37 =	vadd.s32 v37, v22;
	v50 =	vperm.xlane v48, v3;
	[tilespmem:v31+s14+$0x0] =	vst.idx.add.f32.msk $0xffff, v5;
	v31 =	vtrunc.f32 v25  }
0x68: {  	v29 =	vadd.f32 v29, v39;
	v39 =	vtrunc.f32 v23;
	v33 =	vmul.f32 v2, v33;
	[tilespmem:v40+s14+$0x0] =	vst.idx.add.f32.msk $0xffff, v5  }
0x69: {  	v23 =	vadd.f32 v50, v48;
	v25 =	vmul.f32 v2, v51;
	v31 =	vcvt.f32.s32 v31;
	[tilespmem:v47+s14+$0x0] =	vst.idx.add.f32.msk $0xffff, v5  }
0x6a: {  	v32 =	vadd.s32 v32, v22;
	v40 =	vperm.xlane v43, v3;
	v47 =	vperm.xlane v49, v3  }
0x6b: {  	v38 =	vadd.s32 v38, v22;
	v26 =	vtrunc.f32 v26;
	v48 =	vperm.xlane v29, v4;
	[tilespmem:v41+s14+$0x0] =	vst.idx.add.f32.msk $0xffff, v5  }
0x6c: {  	v35 =	vmul.f32 v2, v35;
	v31 =	vadd.s32 v31, v22;
	v41 =	vcvt.f32.s32 v26;
	[tilespmem:v37+s14+$0x0] =	vst.idx.add.f32.msk $0xffff, v5  }
0x6d: {  	v29 =	vadd.f32 v48, v29;
	v26 =	vmul.f32 v2, v42;
	v37 =	vmul.f32 v2, v44  }
0x6e: {  	v34 =	vmul.f32 v2, v34;
	v42 =	vtrunc.f32 v46;
	v41 =	vadd.s32 v41, v22;
	[tilespmem:v45+s14+$0x0] =	vst.idx.add.f32.msk $0xffff, v5  }
0x6f: {  	v29 =	vtrunc.f32 v29;
	v44 =	vperm.xlane v37, v3;
	v45 =	vadd.f32 v47, v49;
	[tilespmem:v32+s14+$0x0] =	vst.idx.add.f32.msk $0xffff, v5  }
0x70: {  	v39 =	vcvt.f32.s32 v39;
	v32 =	vperm.xlane v34, v3;
	v46 =	vld [tilespmem:s24+$0xFFFFFC60]  }
0x71: {  	v40 =	vadd.f32 v40, v43;
	v29 =	vcvt.f32.s32 v29;
	v47 =	vperm.xlane v35, v3;
	[tilespmem:v38+s14+$0x0] =	vst.idx.add.f32.msk $0xffff, v5  }
0x72: {  	v42 =	vcvt.f32.s32 v42;
	v34 =	vadd.f32 v32, v34;
	v38 =	vperm.xlane v36, v3  }
0x73: {  	v39 =	vadd.s32 v39, v22;
	v43 =	vperm.xlane v33, v3;
	v29 =	vadd.s32 v29, v22  }
0x74: {  	v42 =	vadd.s32 v42, v22;
	v32 =	vadd.f32 v44, v37;
	v37 =	vperm.xlane v34, v4  }
0x75: {  	v43 =	vadd.f32 v43, v33;
	v44 =	vperm.xlane v40, v4;
	v46 =	vmul.f32 v2, v46  }
0x76: {  	v36 =	vadd.f32 v38, v36;
	v33 =	vadd.f32 v37, v34;
	[tilespmem:v41+s14+$0x0] =	vst.idx.add.f32.msk $0xffff, v5  }
0x77: {  	v37 =	vadd.f32 v47, v35;
	v34 =	vperm.xlane v46, v3;
	[tilespmem:v31+s14+$0x0] =	vst.idx.add.f32.msk $0xffff, v5  }
0x78: {  	v38 =	vperm.xlane v36, v4;
	v31 =	vadd.f32 v44, v40;
	v33 =	vtrunc.f32 v33;
	[tilespmem:v39+s14+$0x0] =	vst.idx.add.f32.msk $0xffff, v5  }
0x79: {  	v40 =	vperm.xlane v43, v4;
	v33 =	vcvt.f32.s32 v33;
	v39 =	vadd.f32 v34, v46;
	[tilespmem:v42+s14+$0x0] =	vst.idx.add.f32.msk $0xffff, v5  }
0x7a: {  	v35 =	vperm.xlane v32, v4;
	v41 =	vperm.xlane v37, v4;
	[tilespmem:v29+s14+$0x0] =	vst.idx.add.f32.msk $0xffff, v5  }
.Ltmp0:
0x7b: {  	v44 =	vperm.xlane v45, v4;
	v34 =	vadd.s32 v33, v22;
	v42 =	vperm.xlane v39, v4;
	(pc) =	sbr.rel @p0 .LBB2_3-.Ltmp0, $4  }
0x7c: {  	v38 =	vadd.f32 v38, v36;
	v29 =	vperm.xlane v23, v4;
	v33 =	vadd.f32 v41, v37  }
0x7d: {  	v30 =	vmul.f32 v2, v30;
	v36 =	vperm.xlane v27, v4;
	v39 =	vadd.f32 v42, v39  }
0x7e: {  	v41 =	vtrunc.f32 v38;
	v37 =	vtrunc.f32 v33;
	v33 =	vadd.f32 v44, v45  }
0x7f: {  	s24 =	sadd.s32 $0x800, s24;
	v38 =	vtrunc.f32 v39;
	v39 =	vadd.f32 v40, v43;
	v40 =	vcvt.f32.s32 v41  }
0x80: {  	v41 =	vperm.xlane v30, v3  }
0x81: {  	v37 =	vcvt.f32.s32 v37;
	v60 =	vcvt.f32.s32 v38  }
0x82: {  	v63 =	vperm.xlane v26, v3;
	v46 =	vperm.xlane v25, v3  }
0x83: {  	v27 =	vadd.f32 v36, v27;
	v28 =	vmul.f32 v2, v28;
	v47 =	vperm.xlane v24, v4  }
0x84: {  	v32 =	vadd.f32 v35, v32;
	v31 =	vtrunc.f32 v31;
	v33 =	vtrunc.f32 v33  }
0x85: {  	v23 =	vadd.f32 v29, v23;
	v61 =	vtrunc.f32 v39;
	v31 =	vcvt.f32.s32 v31  }
0x86: {  	v62 =	vadd.s32 v40, v22;
	v33 =	vcvt.f32.s32 v33;
	v27 =	vtrunc.f32 v27  }
0x87: {  	v44 =	vadd.s32 v60, v22;
	v45 =	vcvt.f32.s32 v61;
	v30 =	vadd.f32 v41, v30  }
0x88: {  	v37 =	vadd.s32 v37, v22;
	v25 =	vadd.f32 v46, v25;
	v49 =	vperm.xlane v28, v3  }
0x89: {  	v24 =	vadd.f32 v47, v24;
	v32 =	vtrunc.f32 v32;
	v23 =	vtrunc.f32 v23  }
0x8a: {  	v26 =	vadd.f32 v63, v26;
	v27 =	vcvt.f32.s32 v27;
	v32 =	vcvt.f32.s32 v32  }
0x8b: {  	[tilespmem:v34+s14+$0x0] =	vst.idx.add.f32.msk $0xffff, v5;
	v31 =	vadd.s32 v31, v22;
	v53 =	vadd.s32 v33, v22;
	v23 =	vcvt.f32.s32 v23  }
0x8c: {  	v48 =	vperm.xlane v30, v4;
	v50 =	vperm.xlane v25, v4;
	v28 =	vadd.f32 v49, v28  }
0x8d: {  	v51 =	vperm.xlane v26, v4;
	v54 =	vadd.s32 v45, v22;
	v27 =	vadd.s32 v27, v22  }
0x8e: {  	v24 =	vtrunc.f32 v24;
	v32 =	vadd.s32 v32, v22;
	v30 =	vadd.f32 v48, v30;
	[tilespmem:v62+s14+$0x0] =	vst.idx.add.f32.msk $0xffff, v5  }
0x8f: {  	v24 =	vcvt.f32.s32 v24;
	v52 =	vperm.xlane v28, v4;
	v26 =	vadd.f32 v51, v26;
	[tilespmem:v44+s14+$0x0] =	vst.idx.add.f32.msk $0xffff, v5  }
0x90: {  	v23 =	vadd.s32 v23, v22;
	v25 =	vadd.f32 v50, v25;
	[tilespmem:v37+s14+$0x0] =	vst.idx.add.f32.msk $0xffff, v5;
	v30 =	vtrunc.f32 v30  }
0x91: {  	v28 =	vadd.f32 v52, v28;
	[tilespmem:v31+s14+$0x0] =	vst.idx.add.f32.msk $0xffff, v5;
	v26 =	vtrunc.f32 v26;
	v30 =	vcvt.f32.s32 v30  }
0x92: {  	v24 =	vadd.s32 v24, v22;
	v25 =	vtrunc.f32 v25;
	[tilespmem:v53+s14+$0x0] =	vst.idx.add.f32.msk $0xffff, v5;
	v26 =	vcvt.f32.s32 v26  }
0x93: {  	v25 =	vcvt.f32.s32 v25;
	[tilespmem:v54+s14+$0x0] =	vst.idx.add.f32.msk $0xffff, v5;
	v28 =	vtrunc.f32 v28;
	v30 =	vadd.s32 v30, v22  }
0x94: {  	[tilespmem:v32+s14+$0x0] =	vst.idx.add.f32.msk $0xffff, v5;
	v26 =	vadd.s32 v26, v22;
	v55 =	vcvt.f32.s32 v28  }
0x95: {  	[tilespmem:v27+s14+$0x0] =	vst.idx.add.f32.msk $0xffff, v5;
	v25 =	vadd.s32 v25, v22  }
0x96: {  	[tilespmem:v23+s14+$0x0] =	vst.idx.add.f32.msk $0xffff, v5;
	v22 =	vadd.s32 v55, v22  }
0x97: {  	[tilespmem:v24+s14+$0x0] =	vst.idx.add.f32.msk $0xffff, v5  }
0x98: {  	[tilespmem:v30+s14+$0x0] =	vst.idx.add.f32.msk $0xffff, v5  }
0x99: {  	[tilespmem:v26+s14+$0x0] =	vst.idx.add.f32.msk $0xffff, v5  }
0x9a: {  	[tilespmem:v25+s14+$0x0] =	vst.idx.add.f32.msk $0xffff, v5  }
0x9b: {  	[tilespmem:v22+s14+$0x0] =	vst.idx.add.f32.msk $0xffff, v5  }
0x9c: {  	v22 =	vld [tilespmem:s22+$0x10000];
	_ =	sdelay $0x1  }
0x9d: {  	v23 =	vld [tilespmem:s21+$0x11000];
	_ =	sdelay $0x1  }
0x9e: {  	v56 =	vld [tilespmem:s21+$0x11010]  }
0x9f: {  	v57 =	vperm.xlane v22, v6  }
0xa0: {  	v26 =	vld [tilespmem:s21+$0x11020]  }
0xa1: {  	v58 =	vperm.xlane v22, v7;
	v23 =	vmul.f32 v57, v23  }
0xa2: {  	v27 =	vld [tilespmem:s21+$0x11030]  }
0xa3: {  	v59 =	vperm.xlane v22, v8;
	v24 =	vmul.f32 v58, v56;
	v23 =	vadd.f32 $0.0e+00, v23  }
0xa4: {  	v60 =	vld [tilespmem:s21+$0x11040]  }
0xa5: {  	v62 =	vperm.xlane v22, v9;
	v61 =	vmul.f32 v59, v26;
	v23 =	vadd.f32 v24, v23  }
0xa6: {  	v63 =	vld [tilespmem:s21+$0x11050]  }
0xa7: {  	v32 =	vperm.xlane v22, v10;
	v31 =	vmul.f32 v62, v27;
	v23 =	vadd.f32 v61, v23  }
0xa8: {  	v33 =	vld [tilespmem:s21+$0x11060]  }
0xa9: {  	v35 =	vperm.xlane v22, v11;
	v34 =	vmul.f32 v32, v60;
	v23 =	vadd.f32 v31, v23  }
0xaa: {  	v36 =	vld [tilespmem:s21+$0x11070]  }
0xab: {  	v38 =	vperm.xlane v22, v12;
	v37 =	vmul.f32 v35, v63;
	v23 =	vadd.f32 v34, v23  }
0xac: {  	v39 =	vld [tilespmem:s21+$0x11080]  }
0xad: {  	v41 =	vperm.xlane v22, v13;
	v40 =	vmul.f32 v38, v33;
	v23 =	vadd.f32 v37, v23  }
0xae: {  	v42 =	vld [tilespmem:s21+$0x11090]  }
0xaf: {  	v44 =	vperm.xlane v22, v14;
	v43 =	vmul.f32 v41, v36;
	v23 =	vadd.f32 v40, v23  }
0xb0: {  	v45 =	vld [tilespmem:s21+$0x110A0]  }
0xb1: {  	v47 =	vperm.xlane v22, v15;
	v46 =	vmul.f32 v44, v39;
	v23 =	vadd.f32 v43, v23  }
0xb2: {  	v48 =	vld [tilespmem:s21+$0x110B0]  }
0xb3: {  	v50 =	vperm.xlane v22, v16;
	v49 =	vmul.f32 v47, v42;
	v23 =	vadd.f32 v46, v23  }
0xb4: {  	v51 =	vld [tilespmem:s21+$0x110C0]  }
0xb5: {  	v53 =	vperm.xlane v22, v17;
	v52 =	vmul.f32 v50, v45;
	v23 =	vadd.f32 v49, v23  }
0xb6: {  	v54 =	vld [tilespmem:s21+$0x110D0]  }
0xb7: {  	v55 =	vmul.f32 v53, v48;
	v56 =	vperm.xlane v22, v18;
	v23 =	vadd.f32 v52, v23  }
0xb8: {  	v57 =	vld [tilespmem:s21+$0x110E0]  }
0xb9: {  	v59 =	vperm.xlane v22, v19;
	v58 =	vmul.f32 v56, v51;
	v23 =	vadd.f32 v55, v23  }
0xba: {  	v60 =	vld [tilespmem:s21+$0x110F0]  }
0xbb: {  	v62 =	vperm.xlane v22, v20;
	v61 =	vmul.f32 v59, v54;
	v23 =	vadd.f32 v58, v23;
	_ =	sdelay $0x1  }
0xbc: {  	s20 =	sadd.s32 $0x1, s20;
	v22 =	vperm.xlane v22, v21;
	v63 =	vmul.f32 v62, v57;
	v23 =	vadd.f32 v61, v23  }
0xbd: {  	p0 =	sne.s32 s20, $0x8  }
.Ltmp1:
0xbe: {  	v22 =	vmul.f32 v22, v60;
	v23 =	vadd.f32 v63, v23;
	(pc) =	sbr.rel @p0 .LBB2_2-.Ltmp1, $3  }
0xbf: {  	_ = 	snop  }
0xc0: {  	v22 =	vadd.f32 v22, v23;
	_ =	sdelay $0x1  }
0xc1: {  	s19 =	sadd.s32 $0x80, s19;
	[tilespmem:s22+$0x11800] =	vst v22  }
0xc2: {  	s19 =	simm.s32 $0x0  }
0xc3: {  	[tilespmem:s19], [sflag:$0x1] =	stream.linear.gather [hbm4b:s6+s19], $0x8000, $0x38;
	[tilespmem:$0x12880] =	vst v63  }
0xc4: {  	_ =	swait.ge [sflag:s15], $0x8000  }
0xc5: {  	[sflag:s15] =	ssyncset.done $0x0  }
0xc6: {  	s20 =	simm.s32 $0x8400;
	[sflag:s15] =	ssyncadd.s32 $0xFFFF8000  }
.LBB2_6:
0xc7: {  	s21 =	sshll.u32 s19, $0x8  }
0xc8: {  	[tilespmem:s21+$0x11000] =	vst v1  }
0xc9: {  	[tilespmem:s21+$0x11010] =	vst v1  }
0xca: {  	[tilespmem:s21+$0x11020] =	vst v1  }
0xcb: {  	[tilespmem:s21+$0x11030] =	vst v1  }
0xcc: {  	[tilespmem:s21+$0x11040] =	vst v1  }
0xcd: {  	[tilespmem:s21+$0x11050] =	vst v1  }
0xce: {  	[tilespmem:s21+$0x11060] =	vst v1  }
0xcf: {  	[tilespmem:s21+$0x11070] =	vst v1  }
0xd0: {  	[tilespmem:s21+$0x11080] =	vst v1  }
0xd1: {  	[tilespmem:s21+$0x11090] =	vst v1  }
0xd2: {  	[tilespmem:s21+$0x110A0] =	vst v1  }
0xd3: {  	[tilespmem:s21+$0x110B0] =	vst v1  }
0xd4: {  	[tilespmem:s21+$0x110C0] =	vst v1  }
0xd5: {  	[tilespmem:s21+$0x110D0] =	vst v1  }
0xd6: {  	[tilespmem:s21+$0x110E0] =	vst v1  }
0xd7: {  	[tilespmem:s21+$0x110F0] =	vst v1  }
0xd8: {  	v22 =	vld [tilespmem:s20+$0x70]  }
0xd9: {  	v23 =	vld [tilespmem:s20+$0x50]  }
0xda: {  	v24 =	vld [tilespmem:s20+$0x40]  }
0xdb: {  	v25 =	vld [tilespmem:s20+$0xFFFFFC50]  }
0xdc: {  	v26 =	vld [tilespmem:s20+$0x0]  }
0xdd: {  	v27 =	vld [tilespmem:s20+$0xFFFFFC20]  }
0xde: {  	v28 =	vld [tilespmem:s20+$0xFFFFFC40]  }
0xdf: {  	v29 =	vld [tilespmem:s20+$0x20]  }
0xe0: {  	v32 =	vld [tilespmem:s20+$0x30]  }
0xe1: {  	v36 =	vld [tilespmem:s20+$0xFFFFFC30]  }
0xe2: {  	v51 =	vld [tilespmem:s20+$0xFFFFFC60];
	v30 =	vmul.f32 v2, v22;
	v31 =	vmul.f32 v2, v24  }
0xe3: {  	v22 =	vmul.f32 v2, v25;
	v35 =	vmul.f32 v2, v27  }
0xe4: {  	v37 =	vmul.f32 v2, v26;
	v28 =	vmul.f32 v2, v28  }
0xe5: {  	v39 =	vmul.f32 v2, v23;
	v29 =	vmul.f32 v2, v29  }
0xe6: {  	v32 =	vmul.f32 v2, v32;
	v52 =	vmul.f32 v2, v36  }
0xe7: {  	v56 =	vmul.f32 v2, v51;
	v33 =	vperm.xlane v30, v3  }
0xe8: {  	v24 =	vld [tilespmem:s20+$0x10];
	v34 =	vperm.xlane v31, v3;
	v25 =	vperm.xlane v22, v3  }
0xe9: {  	v38 =	vld [tilespmem:s20+$0xFFFFFC00];
	v23 =	vperm.xlane v35, v3;
	v49 =	vperm.xlane v37, v3  }
0xea: {  	v26 =	vld [tilespmem:s20+$0xFFFFFC70];
	v41 =	vperm.xlane v32, v3;
	v55 =	vperm.xlane v52, v3  }
0xeb: {  	v42 =	vperm.xlane v29, v3;
	v40 =	vadd.f32 v25, v22;
	v22 =	vor.u32 s21, v0  }
0xec: {  	v27 =	vadd.f32 v34, v31;
	v31 =	vperm.xlane v28, v3;
	v23 =	vadd.f32 v23, v35  }
0xed: {  	v25 =	vmul.f32 v2, v24;
	v24 =	vadd.f32 v33, v30;
	v30 =	vperm.xlane v40, v4  }
0xee: {  	v54 =	vadd.f32 v41, v32;
	v59 =	vadd.f32 v42, v29;
	v29 =	vperm.xlane v56, v3  }
0xef: {  	v50 =	vmul.f32 v2, v26;
	v26 =	vmul.f32 v2, v38;
	v30 =	vadd.f32 v30, v40  }
0xf0: {  	v33 =	vadd.f32 v49, v37;
	v28 =	vadd.f32 v31, v28;
	v31 =	vperm.xlane v39, v3  }
0xf1: {  	v37 =	vadd.f32 v55, v52;
	v41 =	vperm.xlane v54, v4;
	v30 =	vtrunc.f32 v30  }
0xf2: {  	v62 =	vadd.f32 v29, v56;
	v43 =	vperm.xlane v59, v4;
	v30 =	vcvt.f32.s32 v30  }
0xf3: {  	v36 =	vperm.xlane v27, v4;
	v58 =	vadd.f32 v31, v39;
	v31 =	vperm.xlane v28, v4  }
0xf4: {  	v53 =	vperm.xlane v50, v3;
	v57 =	vadd.s32 v30, v22;
	v30 =	vadd.f32 v41, v54  }
0xf5: {  	v60 =	vld [tilespmem:s20+$0xFFFFFC10];
	v44 =	vperm.xlane v62, v4;
	v31 =	vadd.f32 v31, v28;
	v28 =	vperm.xlane v37, v4  }
0xf6: {  	v32 =	vadd.f32 v53, v50;
	v61 =	vperm.xlane v58, v4;
	v30 =	vtrunc.f32 v30  }
0xf7: {  	v63 =	vadd.f32 v44, v62;
	v37 =	vadd.f32 v28, v37;
	v29 =	vcvt.f32.s32 v30  }
0xf8: {  	v45 =	vperm.xlane v33, v4;
	v35 =	vperm.xlane v32, v4;
	v41 =	vadd.f32 v61, v58  }
0xf9: {  	v38 =	vtrunc.f32 v63;
	v37 =	vtrunc.f32 v37;
	v34 =	vadd.s32 v29, v22  }
0xfa: {  	v39 =	vadd.f32 v43, v59;
	v28 =	vld [tilespmem:s20+$0x60];
	v41 =	vtrunc.f32 v41;
	v30 =	vmul.f32 v2, v60  }
0xfb: {  	s22 =	sshll.u32 s19, $0x7;
	s23 =	simm.s32 $0x0;
	s24 =	sadd.s32 $0x800, s20;
	v33 =	vadd.f32 v45, v33;
	v40 =	vcvt.f32.s32 v41;
	v29 =	vperm.xlane v23, v4;
	[tilespmem:v57+s14+$0x0] =	vst.idx.add.f32.msk $0xffff, v5  }
.LBB2_7:
0xfc: {  	v41 =	vld [tilespmem:s24+$0x70];
	s23 =	sadd.s32 $0x10, s23;
	v42 =	vperm.xlane v30, v3;
	v37 =	vcvt.f32.s32 v37;
	v27 =	vadd.f32 v36, v27  }
0xfd: {  	v38 =	vcvt.f32.s32 v38;
	v36 =	vld [tilespmem:s24+$0x50];
	p0 =	slt.u32 s23, $0xF0;
	v39 =	vtrunc.f32 v39;
	v40 =	vadd.s32 v40, v22  }
0xfe: {  	v43 =	vperm.xlane v26, v3;
	v32 =	vadd.f32 v35, v32;
	[tilespmem:v34+s14+$0x0] =	vst.idx.add.f32.msk $0xffff, v5;
	v27 =	vtrunc.f32 v27  }
0xff: {  	v35 =	vadd.s32 v38, v22;
	v38 =	vcvt.f32.s32 v39;
	v34 =	vld [tilespmem:s24+$0x30];
	v27 =	vcvt.f32.s32 v27  }
0x100: {  	v28 =	vmul.f32 v2, v28;
	v42 =	vadd.f32 v42, v30;
	v30 =	vperm.xlane v25, v3;
	v39 =	vld [tilespmem:s24+$0xFFFFFC50]  }
0x101: {  	v37 =	vadd.s32 v37, v22;
	v44 =	vld [tilespmem:s24+$0x40];
	v45 =	vadd.s32 v27, v22;
	v27 =	vperm.xlane v24, v4  }
0x102: {  	v31 =	vtrunc.f32 v31;
	v46 =	vperm.xlane v28, v3;
	v25 =	vadd.f32 v30, v25  }
0x103: {  	v31 =	vcvt.f32.s32 v31;
	v47 =	vperm.xlane v42, v4;
	v30 =	vld [tilespmem:s24+$0xFFFFFC10];
	v24 =	vadd.f32 v27, v24  }
0x104: {  	v26 =	vadd.f32 v43, v26;
	v46 =	vadd.f32 v46, v28;
	v43 =	vperm.xlane v25, v4;
	v27 =	vld [tilespmem:s24+$0x0]  }
0x105: {  	v28 =	vtrunc.f32 v32;
	v42 =	vadd.f32 v47, v42;
	v48 =	vld [tilespmem:s24+$0xFFFFFC20];
	v24 =	vtrunc.f32 v24  }
0x106: {  	v32 =	vtrunc.f32 v33;
	v28 =	vcvt.f32.s32 v28;
	v25 =	vadd.f32 v43, v25;
	[tilespmem:v35+s14+$0x0] =	vst.idx.add.f32.msk $0xffff, v5  }
0x107: {  	v31 =	vadd.s32 v31, v22;
	v35 =	vmul.f32 v2, v41;
	v41 =	vperm.xlane v26, v4;
	v33 =	vld [tilespmem:s24+$0x20]  }
0x108: {  	v49 =	vperm.xlane v46, v4;
	v47 =	vadd.s32 v28, v22;
	v44 =	vmul.f32 v2, v44;
	v43 =	vld [tilespmem:s24+$0xFFFFFC40]  }
0x109: {  	v50 =	vperm.xlane v35, v3;
	v26 =	vadd.f32 v41, v26;
	[tilespmem:v37+s14+$0x0] =	vst.idx.add.f32.msk $0xffff, v5;
	v37 =	vcvt.f32.s32 v24  }
0x10a: {  	v42 =	vtrunc.f32 v42;
	v46 =	vadd.f32 v49, v46;
	v41 =	vperm.xlane v44, v3;
	v28 =	vld [tilespmem:s24+$0x60]  }
0x10b: {  	v49 =	vmul.f32 v2, v27;
	v48 =	vmul.f32 v2, v48;
	v24 =	vadd.f32 v50, v35;
	v51 =	vld [tilespmem:s24+$0x10]  }
0x10c: {  	v39 =	vmul.f32 v2, v39;
	v27 =	vadd.f32 v41, v44;
	v41 =	vcvt.f32.s32 v42;
	v35 =	vld [tilespmem:s24+$0xFFFFFC30]  }
0x10d: {  	v23 =	vadd.f32 v29, v23;
	v36 =	vmul.f32 v2, v36;
	v42 =	vld [tilespmem:s24+$0xFFFFFC00];
	v43 =	vmul.f32 v2, v43  }
0x10e: {  	v32 =	vcvt.f32.s32 v32;
	v29 =	vperm.xlane v39, v3;
	v41 =	vadd.s32 v41, v22;
	v44 =	vld [tilespmem:s24+$0xFFFFFC70]  }
0x10f: {  	v37 =	vadd.s32 v37, v22;
	v50 =	vperm.xlane v48, v3;
	[tilespmem:v31+s14+$0x0] =	vst.idx.add.f32.msk $0xffff, v5;
	v31 =	vtrunc.f32 v25  }
0x110: {  	v29 =	vadd.f32 v29, v39;
	v39 =	vtrunc.f32 v23;
	v33 =	vmul.f32 v2, v33;
	[tilespmem:v40+s14+$0x0] =	vst.idx.add.f32.msk $0xffff, v5  }
0x111: {  	v23 =	vadd.f32 v50, v48;
	v25 =	vmul.f32 v2, v51;
	v31 =	vcvt.f32.s32 v31;
	[tilespmem:v47+s14+$0x0] =	vst.idx.add.f32.msk $0xffff, v5  }
0x112: {  	v32 =	vadd.s32 v32, v22;
	v40 =	vperm.xlane v43, v3;
	v47 =	vperm.xlane v49, v3  }
0x113: {  	v38 =	vadd.s32 v38, v22;
	v26 =	vtrunc.f32 v26;
	v48 =	vperm.xlane v29, v4;
	[tilespmem:v41+s14+$0x0] =	vst.idx.add.f32.msk $0xffff, v5  }
0x114: {  	v35 =	vmul.f32 v2, v35;
	v31 =	vadd.s32 v31, v22;
	v41 =	vcvt.f32.s32 v26;
	[tilespmem:v37+s14+$0x0] =	vst.idx.add.f32.msk $0xffff, v5  }
0x115: {  	v29 =	vadd.f32 v48, v29;
	v26 =	vmul.f32 v2, v42;
	v37 =	vmul.f32 v2, v44  }
0x116: {  	v34 =	vmul.f32 v2, v34;
	v42 =	vtrunc.f32 v46;
	v41 =	vadd.s32 v41, v22;
	[tilespmem:v45+s14+$0x0] =	vst.idx.add.f32.msk $0xffff, v5  }
0x117: {  	v29 =	vtrunc.f32 v29;
	v44 =	vperm.xlane v37, v3;
	v45 =	vadd.f32 v47, v49;
	[tilespmem:v32+s14+$0x0] =	vst.idx.add.f32.msk $0xffff, v5  }
0x118: {  	v39 =	vcvt.f32.s32 v39;
	v32 =	vperm.xlane v34, v3;
	v46 =	vld [tilespmem:s24+$0xFFFFFC60]  }
0x119: {  	v40 =	vadd.f32 v40, v43;
	v29 =	vcvt.f32.s32 v29;
	v47 =	vperm.xlane v35, v3;
	[tilespmem:v38+s14+$0x0] =	vst.idx.add.f32.msk $0xffff, v5  }
0x11a: {  	v42 =	vcvt.f32.s32 v42;
	v34 =	vadd.f32 v32, v34;
	v38 =	vperm.xlane v36, v3  }
0x11b: {  	v39 =	vadd.s32 v39, v22;
	v43 =	vperm.xlane v33, v3;
	v29 =	vadd.s32 v29, v22  }
0x11c: {  	v42 =	vadd.s32 v42, v22;
	v32 =	vadd.f32 v44, v37;
	v37 =	vperm.xlane v34, v4  }
0x11d: {  	v43 =	vadd.f32 v43, v33;
	v44 =	vperm.xlane v40, v4;
	v46 =	vmul.f32 v2, v46  }
0x11e: {  	v36 =	vadd.f32 v38, v36;
	v33 =	vadd.f32 v37, v34;
	[tilespmem:v41+s14+$0x0] =	vst.idx.add.f32.msk $0xffff, v5  }
0x11f: {  	v37 =	vadd.f32 v47, v35;
	v34 =	vperm.xlane v46, v3;
	[tilespmem:v31+s14+$0x0] =	vst.idx.add.f32.msk $0xffff, v5  }
0x120: {  	v38 =	vperm.xlane v36, v4;
	v31 =	vadd.f32 v44, v40;
	v33 =	vtrunc.f32 v33;
	[tilespmem:v39+s14+$0x0] =	vst.idx.add.f32.msk $0xffff, v5  }
0x121: {  	v40 =	vperm.xlane v43, v4;
	v33 =	vcvt.f32.s32 v33;
	v39 =	vadd.f32 v34, v46;
	[tilespmem:v42+s14+$0x0] =	vst.idx.add.f32.msk $0xffff, v5  }
0x122: {  	v35 =	vperm.xlane v32, v4;
	v41 =	vperm.xlane v37, v4;
	[tilespmem:v29+s14+$0x0] =	vst.idx.add.f32.msk $0xffff, v5  }
.Ltmp2:
0x123: {  	v44 =	vperm.xlane v45, v4;
	v34 =	vadd.s32 v33, v22;
	v42 =	vperm.xlane v39, v4;
	(pc) =	sbr.rel @p0 .LBB2_7-.Ltmp2, $4  }
0x124: {  	v38 =	vadd.f32 v38, v36;
	v29 =	vperm.xlane v23, v4;
	v33 =	vadd.f32 v41, v37  }
0x125: {  	v30 =	vmul.f32 v2, v30;
	v36 =	vperm.xlane v27, v4;
	v39 =	vadd.f32 v42, v39  }
0x126: {  	v41 =	vtrunc.f32 v38;
	v37 =	vtrunc.f32 v33;
	v33 =	vadd.f32 v44, v45  }
0x127: {  	s24 =	sadd.s32 $0x800, s24;
	v38 =	vtrunc.f32 v39;
	v39 =	vadd.f32 v40, v43;
	v40 =	vcvt.f32.s32 v41  }
0x128: {  	v41 =	vperm.xlane v30, v3  }
0x129: {  	v37 =	vcvt.f32.s32 v37;
	v60 =	vcvt.f32.s32 v38  }
0x12a: {  	v63 =	vperm.xlane v26, v3;
	v46 =	vperm.xlane v25, v3  }
0x12b: {  	v27 =	vadd.f32 v36, v27;
	v28 =	vmul.f32 v2, v28;
	v47 =	vperm.xlane v24, v4  }
0x12c: {  	v32 =	vadd.f32 v35, v32;
	v31 =	vtrunc.f32 v31;
	v33 =	vtrunc.f32 v33  }
0x12d: {  	v23 =	vadd.f32 v29, v23;
	v61 =	vtrunc.f32 v39;
	v31 =	vcvt.f32.s32 v31  }
0x12e: {  	v62 =	vadd.s32 v40, v22;
	v33 =	vcvt.f32.s32 v33;
	v27 =	vtrunc.f32 v27  }
0x12f: {  	v44 =	vadd.s32 v60, v22;
	v45 =	vcvt.f32.s32 v61;
	v30 =	vadd.f32 v41, v30  }
0x130: {  	v37 =	vadd.s32 v37, v22;
	v25 =	vadd.f32 v46, v25;
	v49 =	vperm.xlane v28, v3  }
0x131: {  	v24 =	vadd.f32 v47, v24;
	v32 =	vtrunc.f32 v32;
	v23 =	vtrunc.f32 v23  }
0x132: {  	v26 =	vadd.f32 v63, v26;
	v27 =	vcvt.f32.s32 v27;
	v32 =	vcvt.f32.s32 v32  }
0x133: {  	[tilespmem:v34+s14+$0x0] =	vst.idx.add.f32.msk $0xffff, v5;
	v31 =	vadd.s32 v31, v22;
	v53 =	vadd.s32 v33, v22;
	v23 =	vcvt.f32.s32 v23  }
0x134: {  	v48 =	vperm.xlane v30, v4;
	v50 =	vperm.xlane v25, v4;
	v28 =	vadd.f32 v49, v28  }
0x135: {  	v51 =	vperm.xlane v26, v4;
	v54 =	vadd.s32 v45, v22;
	v27 =	vadd.s32 v27, v22  }
0x136: {  	v24 =	vtrunc.f32 v24;
	v32 =	vadd.s32 v32, v22;
	v30 =	vadd.f32 v48, v30;
	[tilespmem:v62+s14+$0x0] =	vst.idx.add.f32.msk $0xffff, v5  }
0x137: {  	v24 =	vcvt.f32.s32 v24;
	v52 =	vperm.xlane v28, v4;
	v26 =	vadd.f32 v51, v26;
	[tilespmem:v44+s14+$0x0] =	vst.idx.add.f32.msk $0xffff, v5  }
0x138: {  	v23 =	vadd.s32 v23, v22;
	v25 =	vadd.f32 v50, v25;
	[tilespmem:v37+s14+$0x0] =	vst.idx.add.f32.msk $0xffff, v5;
	v30 =	vtrunc.f32 v30  }
0x139: {  	v28 =	vadd.f32 v52, v28;
	[tilespmem:v31+s14+$0x0] =	vst.idx.add.f32.msk $0xffff, v5;
	v26 =	vtrunc.f32 v26;
	v30 =	vcvt.f32.s32 v30  }
0x13a: {  	v24 =	vadd.s32 v24, v22;
	v25 =	vtrunc.f32 v25;
	[tilespmem:v53+s14+$0x0] =	vst.idx.add.f32.msk $0xffff, v5;
	v26 =	vcvt.f32.s32 v26  }
0x13b: {  	v25 =	vcvt.f32.s32 v25;
	[tilespmem:v54+s14+$0x0] =	vst.idx.add.f32.msk $0xffff, v5;
	v28 =	vtrunc.f32 v28;
	v30 =	vadd.s32 v30, v22  }
0x13c: {  	[tilespmem:v32+s14+$0x0] =	vst.idx.add.f32.msk $0xffff, v5;
	v26 =	vadd.s32 v26, v22;
	v55 =	vcvt.f32.s32 v28  }
0x13d: {  	[tilespmem:v27+s14+$0x0] =	vst.idx.add.f32.msk $0xffff, v5;
	v25 =	vadd.s32 v25, v22  }
0x13e: {  	[tilespmem:v23+s14+$0x0] =	vst.idx.add.f32.msk $0xffff, v5;
	v22 =	vadd.s32 v55, v22  }
0x13f: {  	[tilespmem:v24+s14+$0x0] =	vst.idx.add.f32.msk $0xffff, v5  }
0x140: {  	[tilespmem:v30+s14+$0x0] =	vst.idx.add.f32.msk $0xffff, v5  }
0x141: {  	[tilespmem:v26+s14+$0x0] =	vst.idx.add.f32.msk $0xffff, v5  }
0x142: {  	[tilespmem:v25+s14+$0x0] =	vst.idx.add.f32.msk $0xffff, v5  }
0x143: {  	[tilespmem:v22+s14+$0x0] =	vst.idx.add.f32.msk $0xffff, v5  }
0x144: {  	v22 =	vld [tilespmem:s22+$0x10400];
	_ =	sdelay $0x1  }
0x145: {  	v23 =	vld [tilespmem:s21+$0x11000];
	_ =	sdelay $0x1  }
0x146: {  	v56 =	vld [tilespmem:s21+$0x11010]  }
0x147: {  	v57 =	vperm.xlane v22, v6  }
0x148: {  	v26 =	vld [tilespmem:s21+$0x11020]  }
0x149: {  	v58 =	vperm.xlane v22, v7;
	v23 =	vmul.f32 v57, v23  }
0x14a: {  	v27 =	vld [tilespmem:s21+$0x11030]  }
0x14b: {  	v59 =	vperm.xlane v22, v8;
	v24 =	vmul.f32 v58, v56;
	v23 =	vadd.f32 $0.0e+00, v23  }
0x14c: {  	v60 =	vld [tilespmem:s21+$0x11040]  }
0x14d: {  	v62 =	vperm.xlane v22, v9;
	v61 =	vmul.f32 v59, v26;
	v23 =	vadd.f32 v24, v23  }
0x14e: {  	v63 =	vld [tilespmem:s21+$0x11050]  }
0x14f: {  	v32 =	vperm.xlane v22, v10;
	v31 =	vmul.f32 v62, v27;
	v23 =	vadd.f32 v61, v23  }
0x150: {  	v33 =	vld [tilespmem:s21+$0x11060]  }
0x151: {  	v35 =	vperm.xlane v22, v11;
	v34 =	vmul.f32 v32, v60;
	v23 =	vadd.f32 v31, v23  }
0x152: {  	v36 =	vld [tilespmem:s21+$0x11070]  }
0x153: {  	v38 =	vperm.xlane v22, v12;
	v37 =	vmul.f32 v35, v63;
	v23 =	vadd.f32 v34, v23  }
0x154: {  	v39 =	vld [tilespmem:s21+$0x11080]  }
0x155: {  	v41 =	vperm.xlane v22, v13;
	v40 =	vmul.f32 v38, v33;
	v23 =	vadd.f32 v37, v23  }
0x156: {  	v42 =	vld [tilespmem:s21+$0x11090]  }
0x157: {  	v44 =	vperm.xlane v22, v14;
	v43 =	vmul.f32 v41, v36;
	v23 =	vadd.f32 v40, v23  }
0x158: {  	v45 =	vld [tilespmem:s21+$0x110A0]  }
0x159: {  	v47 =	vperm.xlane v22, v15;
	v46 =	vmul.f32 v44, v39;
	v23 =	vadd.f32 v43, v23  }
0x15a: {  	v48 =	vld [tilespmem:s21+$0x110B0]  }
0x15b: {  	v50 =	vperm.xlane v22, v16;
	v49 =	vmul.f32 v47, v42;
	v23 =	vadd.f32 v46, v23  }
0x15c: {  	v51 =	vld [tilespmem:s21+$0x110C0]  }
0x15d: {  	v53 =	vperm.xlane v22, v17;
	v52 =	vmul.f32 v50, v45;
	v23 =	vadd.f32 v49, v23  }
0x15e: {  	v54 =	vld [tilespmem:s21+$0x110D0]  }
0x15f: {  	v55 =	vmul.f32 v53, v48;
	v56 =	vperm.xlane v22, v18;
	v23 =	vadd.f32 v52, v23  }
0x160: {  	v57 =	vld [tilespmem:s21+$0x110E0]  }
0x161: {  	v59 =	vperm.xlane v22, v19;
	v58 =	vmul.f32 v56, v51;
	v23 =	vadd.f32 v55, v23  }
0x162: {  	v60 =	vld [tilespmem:s21+$0x110F0]  }
0x163: {  	v62 =	vperm.xlane v22, v20;
	v61 =	vmul.f32 v59, v54;
	v23 =	vadd.f32 v58, v23;
	_ =	sdelay $0x1  }
0x164: {  	s19 =	sadd.s32 $0x1, s19;
	v22 =	vperm.xlane v22, v21;
	v63 =	vmul.f32 v62, v57;
	v23 =	vadd.f32 v61, v23  }
0x165: {  	p0 =	sne.s32 s19, $0x8  }
.Ltmp3:
0x166: {  	v22 =	vmul.f32 v22, v60;
	v23 =	vadd.f32 v63, v23;
	(pc) =	sbr.rel @p0 .LBB2_6-.Ltmp3, $3  }
0x167: {  	_ = 	snop  }
0x168: {  	v22 =	vadd.f32 v22, v23;
	_ =	sdelay $0x1  }
0x169: {  	s20 =	sadd.s32 $0x80, s20;
	[tilespmem:s22+$0x11C00] =	vst v22  }
0x16a: {  	s19 =	simm.s32 $0x0  }
0x16b: {  	[tilespmem:s12], [sflag:$0x2] =	stream.linear.gather [hbm4b:s7+s19], $0x8000, $0x38;
	[tilespmem:$0x12880] =	vst v63  }
0x16c: {  	_ =	swait.ge [sflag:s13], $0x8000  }
0x16d: {  	[sflag:s13] =	ssyncset.done $0x0  }
0x16e: {  	s20 =	simm.s32 $0x400;
	[sflag:s13] =	ssyncadd.s32 $0xFFFF8000  }
.LBB2_10:
0x16f: {  	s21 =	sshll.u32 s19, $0x8  }
0x170: {  	[tilespmem:s21+$0x11000] =	vst v1  }
0x171: {  	[tilespmem:s21+$0x11010] =	vst v1  }
0x172: {  	[tilespmem:s21+$0x11020] =	vst v1  }
0x173: {  	[tilespmem:s21+$0x11030] =	vst v1  }
0x174: {  	[tilespmem:s21+$0x11040] =	vst v1  }
0x175: {  	[tilespmem:s21+$0x11050] =	vst v1  }
0x176: {  	[tilespmem:s21+$0x11060] =	vst v1  }
0x177: {  	[tilespmem:s21+$0x11070] =	vst v1  }
0x178: {  	[tilespmem:s21+$0x11080] =	vst v1  }
0x179: {  	[tilespmem:s21+$0x11090] =	vst v1  }
0x17a: {  	[tilespmem:s21+$0x110A0] =	vst v1  }
0x17b: {  	[tilespmem:s21+$0x110B0] =	vst v1  }
0x17c: {  	[tilespmem:s21+$0x110C0] =	vst v1  }
0x17d: {  	[tilespmem:s21+$0x110D0] =	vst v1  }
0x17e: {  	[tilespmem:s21+$0x110E0] =	vst v1  }
0x17f: {  	[tilespmem:s21+$0x110F0] =	vst v1  }
0x180: {  	v22 =	vld [tilespmem:s20+$0x70]  }
0x181: {  	v23 =	vld [tilespmem:s20+$0x50]  }
0x182: {  	v24 =	vld [tilespmem:s20+$0x40]  }
0x183: {  	v25 =	vld [tilespmem:s20+$0xFFFFFC50]  }
0x184: {  	v26 =	vld [tilespmem:s20+$0x0]  }
0x185: {  	v27 =	vld [tilespmem:s20+$0xFFFFFC20]  }
0x186: {  	v28 =	vld [tilespmem:s20+$0xFFFFFC40]  }
0x187: {  	v29 =	vld [tilespmem:s20+$0x20]  }
0x188: {  	v32 =	vld [tilespmem:s20+$0x30]  }
0x189: {  	v36 =	vld [tilespmem:s20+$0xFFFFFC30]  }
0x18a: {  	v51 =	vld [tilespmem:s20+$0xFFFFFC60];
	v30 =	vmul.f32 v2, v22;
	v31 =	vmul.f32 v2, v24  }
0x18b: {  	v22 =	vmul.f32 v2, v25;
	v35 =	vmul.f32 v2, v27  }
0x18c: {  	v37 =	vmul.f32 v2, v26;
	v28 =	vmul.f32 v2, v28  }
0x18d: {  	v39 =	vmul.f32 v2, v23;
	v29 =	vmul.f32 v2, v29  }
0x18e: {  	v32 =	vmul.f32 v2, v32;
	v52 =	vmul.f32 v2, v36  }
0x18f: {  	v56 =	vmul.f32 v2, v51;
	v33 =	vperm.xlane v30, v3  }
0x190: {  	v24 =	vld [tilespmem:s20+$0x10];
	v34 =	vperm.xlane v31, v3;
	v25 =	vperm.xlane v22, v3  }
0x191: {  	v38 =	vld [tilespmem:s20+$0xFFFFFC00];
	v23 =	vperm.xlane v35, v3;
	v49 =	vperm.xlane v37, v3  }
0x192: {  	v26 =	vld [tilespmem:s20+$0xFFFFFC70];
	v41 =	vperm.xlane v32, v3;
	v55 =	vperm.xlane v52, v3  }
0x193: {  	v42 =	vperm.xlane v29, v3;
	v40 =	vadd.f32 v25, v22;
	v22 =	vor.u32 s21, v0  }
0x194: {  	v27 =	vadd.f32 v34, v31;
	v31 =	vperm.xlane v28, v3;
	v23 =	vadd.f32 v23, v35  }
0x195: {  	v25 =	vmul.f32 v2, v24;
	v24 =	vadd.f32 v33, v30;
	v30 =	vperm.xlane v40, v4  }
0x196: {  	v54 =	vadd.f32 v41, v32;
	v59 =	vadd.f32 v42, v29;
	v29 =	vperm.xlane v56, v3  }
0x197: {  	v50 =	vmul.f32 v2, v26;
	v26 =	vmul.f32 v2, v38;
	v30 =	vadd.f32 v30, v40  }
0x198: {  	v33 =	vadd.f32 v49, v37;
	v28 =	vadd.f32 v31, v28;
	v31 =	vperm.xlane v39, v3  }
0x199: {  	v37 =	vadd.f32 v55, v52;
	v41 =	vperm.xlane v54, v4;
	v30 =	vtrunc.f32 v30  }
0x19a: {  	v62 =	vadd.f32 v29, v56;
	v43 =	vperm.xlane v59, v4;
	v30 =	vcvt.f32.s32 v30  }
0x19b: {  	v36 =	vperm.xlane v27, v4;
	v58 =	vadd.f32 v31, v39;
	v31 =	vperm.xlane v28, v4  }
0x19c: {  	v53 =	vperm.xlane v50, v3;
	v57 =	vadd.s32 v30, v22;
	v30 =	vadd.f32 v41, v54  }
0x19d: {  	v60 =	vld [tilespmem:s20+$0xFFFFFC10];
	v44 =	vperm.xlane v62, v4;
	v31 =	vadd.f32 v31, v28;
	v28 =	vperm.xlane v37, v4  }
0x19e: {  	v32 =	vadd.f32 v53, v50;
	v61 =	vperm.xlane v58, v4;
	v30 =	vtrunc.f32 v30  }
0x19f: {  	v63 =	vadd.f32 v44, v62;
	v37 =	vadd.f32 v28, v37;
	v29 =	vcvt.f32.s32 v30  }
0x1a0: {  	v45 =	vperm.xlane v33, v4;
	v35 =	vperm.xlane v32, v4;
	v41 =	vadd.f32 v61, v58  }
0x1a1: {  	v38 =	vtrunc.f32 v63;
	v37 =	vtrunc.f32 v37;
	v34 =	vadd.s32 v29, v22  }
0x1a2: {  	v39 =	vadd.f32 v43, v59;
	v28 =	vld [tilespmem:s20+$0x60];
	v41 =	vtrunc.f32 v41;
	v30 =	vmul.f32 v2, v60  }
0x1a3: {  	s22 =	sshll.u32 s19, $0x7;
	s23 =	simm.s32 $0x0;
	s24 =	sadd.s32 $0x800, s20;
	v33 =	vadd.f32 v45, v33;
	v40 =	vcvt.f32.s32 v41;
	v29 =	vperm.xlane v23, v4;
	[tilespmem:v57+s14+$0x0] =	vst.idx.add.f32.msk $0xffff, v5  }
.LBB2_11:
0x1a4: {  	v41 =	vld [tilespmem:s24+$0x70];
	s23 =	sadd.s32 $0x10, s23;
	v42 =	vperm.xlane v30, v3;
	v37 =	vcvt.f32.s32 v37;
	v27 =	vadd.f32 v36, v27  }
0x1a5: {  	v38 =	vcvt.f32.s32 v38;
	v36 =	vld [tilespmem:s24+$0x50];
	p0 =	slt.u32 s23, $0xF0;
	v39 =	vtrunc.f32 v39;
	v40 =	vadd.s32 v40, v22  }
0x1a6: {  	v43 =	vperm.xlane v26, v3;
	v32 =	vadd.f32 v35, v32;
	[tilespmem:v34+s14+$0x0] =	vst.idx.add.f32.msk $0xffff, v5;
	v27 =	vtrunc.f32 v27  }
0x1a7: {  	v35 =	vadd.s32 v38, v22;
	v38 =	vcvt.f32.s32 v39;
	v34 =	vld [tilespmem:s24+$0x30];
	v27 =	vcvt.f32.s32 v27  }
0x1a8: {  	v28 =	vmul.f32 v2, v28;
	v42 =	vadd.f32 v42, v30;
	v30 =	vperm.xlane v25, v3;
	v39 =	vld [tilespmem:s24+$0xFFFFFC50]  }
0x1a9: {  	v37 =	vadd.s32 v37, v22;
	v44 =	vld [tilespmem:s24+$0x40];
	v45 =	vadd.s32 v27, v22;
	v27 =	vperm.xlane v24, v4  }
0x1aa: {  	v31 =	vtrunc.f32 v31;
	v46 =	vperm.xlane v28, v3;
	v25 =	vadd.f32 v30, v25  }
0x1ab: {  	v31 =	vcvt.f32.s32 v31;
	v47 =	vperm.xlane v42, v4;
	v30 =	vld [tilespmem:s24+$0xFFFFFC10];
	v24 =	vadd.f32 v27, v24  }
0x1ac: {  	v26 =	vadd.f32 v43, v26;
	v46 =	vadd.f32 v46, v28;
	v43 =	vperm.xlane v25, v4;
	v27 =	vld [tilespmem:s24+$0x0]  }
0x1ad: {  	v28 =	vtrunc.f32 v32;
	v42 =	vadd.f32 v47, v42;
	v48 =	vld [tilespmem:s24+$0xFFFFFC20];
	v24 =	vtrunc.f32 v24  }
0x1ae: {  	v32 =	vtrunc.f32 v33;
	v28 =	vcvt.f32.s32 v28;
	v25 =	vadd.f32 v43, v25;
	[tilespmem:v35+s14+$0x0] =	vst.idx.add.f32.msk $0xffff, v5  }
0x1af: {  	v31 =	vadd.s32 v31, v22;
	v35 =	vmul.f32 v2, v41;
	v41 =	vperm.xlane v26, v4;
	v33 =	vld [tilespmem:s24+$0x20]  }
0x1b0: {  	v49 =	vperm.xlane v46, v4;
	v47 =	vadd.s32 v28, v22;
	v44 =	vmul.f32 v2, v44;
	v43 =	vld [tilespmem:s24+$0xFFFFFC40]  }
0x1b1: {  	v50 =	vperm.xlane v35, v3;
	v26 =	vadd.f32 v41, v26;
	[tilespmem:v37+s14+$0x0] =	vst.idx.add.f32.msk $0xffff, v5;
	v37 =	vcvt.f32.s32 v24  }
0x1b2: {  	v42 =	vtrunc.f32 v42;
	v46 =	vadd.f32 v49, v46;
	v41 =	vperm.xlane v44, v3;
	v28 =	vld [tilespmem:s24+$0x60]  }
0x1b3: {  	v49 =	vmul.f32 v2, v27;
	v48 =	vmul.f32 v2, v48;
	v24 =	vadd.f32 v50, v35;
	v51 =	vld [tilespmem:s24+$0x10]  }
0x1b4: {  	v39 =	vmul.f32 v2, v39;
	v27 =	vadd.f32 v41, v44;
	v41 =	vcvt.f32.s32 v42;
	v35 =	vld [tilespmem:s24+$0xFFFFFC30]  }
0x1b5: {  	v23 =	vadd.f32 v29, v23;
	v36 =	vmul.f32 v2, v36;
	v42 =	vld [tilespmem:s24+$0xFFFFFC00];
	v43 =	vmul.f32 v2, v43  }
0x1b6: {  	v32 =	vcvt.f32.s32 v32;
	v29 =	vperm.xlane v39, v3;
	v41 =	vadd.s32 v41, v22;
	v44 =	vld [tilespmem:s24+$0xFFFFFC70]  }
0x1b7: {  	v37 =	vadd.s32 v37, v22;
	v50 =	vperm.xlane v48, v3;
	[tilespmem:v31+s14+$0x0] =	vst.idx.add.f32.msk $0xffff, v5;
	v31 =	vtrunc.f32 v25  }
0x1b8: {  	v29 =	vadd.f32 v29, v39;
	v39 =	vtrunc.f32 v23;
	v33 =	vmul.f32 v2, v33;
	[tilespmem:v40+s14+$0x0] =	vst.idx.add.f32.msk $0xffff, v5  }
0x1b9: {  	v23 =	vadd.f32 v50, v48;
	v25 =	vmul.f32 v2, v51;
	v31 =	vcvt.f32.s32 v31;
	[tilespmem:v47+s14+$0x0] =	vst.idx.add.f32.msk $0xffff, v5  }
0x1ba: {  	v32 =	vadd.s32 v32, v22;
	v40 =	vperm.xlane v43, v3;
	v47 =	vperm.xlane v49, v3  }
0x1bb: {  	v38 =	vadd.s32 v38, v22;
	v26 =	vtrunc.f32 v26;
	v48 =	vperm.xlane v29, v4;
	[tilespmem:v41+s14+$0x0] =	vst.idx.add.f32.msk $0xffff, v5  }
0x1bc: {  	v35 =	vmul.f32 v2, v35;
	v31 =	vadd.s32 v31, v22;
	v41 =	vcvt.f32.s32 v26;
	[tilespmem:v37+s14+$0x0] =	vst.idx.add.f32.msk $0xffff, v5  }
0x1bd: {  	v29 =	vadd.f32 v48, v29;
	v26 =	vmul.f32 v2, v42;
	v37 =	vmul.f32 v2, v44  }
0x1be: {  	v34 =	vmul.f32 v2, v34;
	v42 =	vtrunc.f32 v46;
	v41 =	vadd.s32 v41, v22;
	[tilespmem:v45+s14+$0x0] =	vst.idx.add.f32.msk $0xffff, v5  }
0x1bf: {  	v29 =	vtrunc.f32 v29;
	v44 =	vperm.xlane v37, v3;
	v45 =	vadd.f32 v47, v49;
	[tilespmem:v32+s14+$0x0] =	vst.idx.add.f32.msk $0xffff, v5  }
0x1c0: {  	v39 =	vcvt.f32.s32 v39;
	v32 =	vperm.xlane v34, v3;
	v46 =	vld [tilespmem:s24+$0xFFFFFC60]  }
0x1c1: {  	v40 =	vadd.f32 v40, v43;
	v29 =	vcvt.f32.s32 v29;
	v47 =	vperm.xlane v35, v3;
	[tilespmem:v38+s14+$0x0] =	vst.idx.add.f32.msk $0xffff, v5  }
0x1c2: {  	v42 =	vcvt.f32.s32 v42;
	v34 =	vadd.f32 v32, v34;
	v38 =	vperm.xlane v36, v3  }
0x1c3: {  	v39 =	vadd.s32 v39, v22;
	v43 =	vperm.xlane v33, v3;
	v29 =	vadd.s32 v29, v22  }
0x1c4: {  	v42 =	vadd.s32 v42, v22;
	v32 =	vadd.f32 v44, v37;
	v37 =	vperm.xlane v34, v4  }
0x1c5: {  	v43 =	vadd.f32 v43, v33;
	v44 =	vperm.xlane v40, v4;
	v46 =	vmul.f32 v2, v46  }
0x1c6: {  	v36 =	vadd.f32 v38, v36;
	v33 =	vadd.f32 v37, v34;
	[tilespmem:v41+s14+$0x0] =	vst.idx.add.f32.msk $0xffff, v5  }
0x1c7: {  	v37 =	vadd.f32 v47, v35;
	v34 =	vperm.xlane v46, v3;
	[tilespmem:v31+s14+$0x0] =	vst.idx.add.f32.msk $0xffff, v5  }
0x1c8: {  	v38 =	vperm.xlane v36, v4;
	v31 =	vadd.f32 v44, v40;
	v33 =	vtrunc.f32 v33;
	[tilespmem:v39+s14+$0x0] =	vst.idx.add.f32.msk $0xffff, v5  }
0x1c9: {  	v40 =	vperm.xlane v43, v4;
	v33 =	vcvt.f32.s32 v33;
	v39 =	vadd.f32 v34, v46;
	[tilespmem:v42+s14+$0x0] =	vst.idx.add.f32.msk $0xffff, v5  }
0x1ca: {  	v35 =	vperm.xlane v32, v4;
	v41 =	vperm.xlane v37, v4;
	[tilespmem:v29+s14+$0x0] =	vst.idx.add.f32.msk $0xffff, v5  }
.Ltmp4:
0x1cb: {  	v44 =	vperm.xlane v45, v4;
	v34 =	vadd.s32 v33, v22;
	v42 =	vperm.xlane v39, v4;
	(pc) =	sbr.rel @p0 .LBB2_11-.Ltmp4, $4  }
0x1cc: {  	v38 =	vadd.f32 v38, v36;
	v29 =	vperm.xlane v23, v4;
	v33 =	vadd.f32 v41, v37  }
0x1cd: {  	v30 =	vmul.f32 v2, v30;
	v36 =	vperm.xlane v27, v4;
	v39 =	vadd.f32 v42, v39  }
0x1ce: {  	v41 =	vtrunc.f32 v38;
	v37 =	vtrunc.f32 v33;
	v33 =	vadd.f32 v44, v45  }
0x1cf: {  	s24 =	sadd.s32 $0x800, s24;
	v38 =	vtrunc.f32 v39;
	v39 =	vadd.f32 v40, v43;
	v40 =	vcvt.f32.s32 v41  }
0x1d0: {  	v41 =	vperm.xlane v30, v3  }
0x1d1: {  	v37 =	vcvt.f32.s32 v37;
	v60 =	vcvt.f32.s32 v38  }
0x1d2: {  	v63 =	vperm.xlane v26, v3;
	v46 =	vperm.xlane v25, v3  }
0x1d3: {  	v27 =	vadd.f32 v36, v27;
	v28 =	vmul.f32 v2, v28;
	v47 =	vperm.xlane v24, v4  }
0x1d4: {  	v32 =	vadd.f32 v35, v32;
	v31 =	vtrunc.f32 v31;
	v33 =	vtrunc.f32 v33  }
0x1d5: {  	v23 =	vadd.f32 v29, v23;
	v61 =	vtrunc.f32 v39;
	v31 =	vcvt.f32.s32 v31  }
0x1d6: {  	v62 =	vadd.s32 v40, v22;
	v33 =	vcvt.f32.s32 v33;
	v27 =	vtrunc.f32 v27  }
0x1d7: {  	v44 =	vadd.s32 v60, v22;
	v45 =	vcvt.f32.s32 v61;
	v30 =	vadd.f32 v41, v30  }
0x1d8: {  	v37 =	vadd.s32 v37, v22;
	v25 =	vadd.f32 v46, v25;
	v49 =	vperm.xlane v28, v3  }
0x1d9: {  	v24 =	vadd.f32 v47, v24;
	v32 =	vtrunc.f32 v32;
	v23 =	vtrunc.f32 v23  }
0x1da: {  	v26 =	vadd.f32 v63, v26;
	v27 =	vcvt.f32.s32 v27;
	v32 =	vcvt.f32.s32 v32  }
0x1db: {  	[tilespmem:v34+s14+$0x0] =	vst.idx.add.f32.msk $0xffff, v5;
	v31 =	vadd.s32 v31, v22;
	v53 =	vadd.s32 v33, v22;
	v23 =	vcvt.f32.s32 v23  }
0x1dc: {  	v48 =	vperm.xlane v30, v4;
	v50 =	vperm.xlane v25, v4;
	v28 =	vadd.f32 v49, v28  }
0x1dd: {  	v51 =	vperm.xlane v26, v4;
	v54 =	vadd.s32 v45, v22;
	v27 =	vadd.s32 v27, v22  }
0x1de: {  	v24 =	vtrunc.f32 v24;
	v32 =	vadd.s32 v32, v22;
	v30 =	vadd.f32 v48, v30;
	[tilespmem:v62+s14+$0x0] =	vst.idx.add.f32.msk $0xffff, v5  }
0x1df: {  	v24 =	vcvt.f32.s32 v24;
	v52 =	vperm.xlane v28, v4;
	v26 =	vadd.f32 v51, v26;
	[tilespmem:v44+s14+$0x0] =	vst.idx.add.f32.msk $0xffff, v5  }
0x1e0: {  	v23 =	vadd.s32 v23, v22;
	v25 =	vadd.f32 v50, v25;
	[tilespmem:v37+s14+$0x0] =	vst.idx.add.f32.msk $0xffff, v5;
	v30 =	vtrunc.f32 v30  }
0x1e1: {  	v28 =	vadd.f32 v52, v28;
	[tilespmem:v31+s14+$0x0] =	vst.idx.add.f32.msk $0xffff, v5;
	v26 =	vtrunc.f32 v26;
	v30 =	vcvt.f32.s32 v30  }
0x1e2: {  	v24 =	vadd.s32 v24, v22;
	v25 =	vtrunc.f32 v25;
	[tilespmem:v53+s14+$0x0] =	vst.idx.add.f32.msk $0xffff, v5;
	v26 =	vcvt.f32.s32 v26  }
0x1e3: {  	v25 =	vcvt.f32.s32 v25;
	[tilespmem:v54+s14+$0x0] =	vst.idx.add.f32.msk $0xffff, v5;
	v28 =	vtrunc.f32 v28;
	v30 =	vadd.s32 v30, v22  }
0x1e4: {  	[tilespmem:v32+s14+$0x0] =	vst.idx.add.f32.msk $0xffff, v5;
	v26 =	vadd.s32 v26, v22;
	v55 =	vcvt.f32.s32 v28  }
0x1e5: {  	[tilespmem:v27+s14+$0x0] =	vst.idx.add.f32.msk $0xffff, v5;
	v25 =	vadd.s32 v25, v22  }
0x1e6: {  	[tilespmem:v23+s14+$0x0] =	vst.idx.add.f32.msk $0xffff, v5;
	v22 =	vadd.s32 v55, v22  }
0x1e7: {  	[tilespmem:v24+s14+$0x0] =	vst.idx.add.f32.msk $0xffff, v5  }
0x1e8: {  	[tilespmem:v30+s14+$0x0] =	vst.idx.add.f32.msk $0xffff, v5  }
0x1e9: {  	[tilespmem:v26+s14+$0x0] =	vst.idx.add.f32.msk $0xffff, v5  }
0x1ea: {  	[tilespmem:v25+s14+$0x0] =	vst.idx.add.f32.msk $0xffff, v5  }
0x1eb: {  	[tilespmem:v22+s14+$0x0] =	vst.idx.add.f32.msk $0xffff, v5  }
0x1ec: {  	v22 =	vld [tilespmem:s22+$0x10800];
	_ =	sdelay $0x1  }
0x1ed: {  	v23 =	vld [tilespmem:s21+$0x11000];
	_ =	sdelay $0x1  }
0x1ee: {  	v56 =	vld [tilespmem:s21+$0x11010]  }
0x1ef: {  	v57 =	vperm.xlane v22, v6  }
0x1f0: {  	v26 =	vld [tilespmem:s21+$0x11020]  }
0x1f1: {  	v58 =	vperm.xlane v22, v7;
	v23 =	vmul.f32 v57, v23  }
0x1f2: {  	v27 =	vld [tilespmem:s21+$0x11030]  }
0x1f3: {  	v59 =	vperm.xlane v22, v8;
	v24 =	vmul.f32 v58, v56;
	v23 =	vadd.f32 $0.0e+00, v23  }
0x1f4: {  	v60 =	vld [tilespmem:s21+$0x11040]  }
0x1f5: {  	v62 =	vperm.xlane v22, v9;
	v61 =	vmul.f32 v59, v26;
	v23 =	vadd.f32 v24, v23  }
0x1f6: {  	v63 =	vld [tilespmem:s21+$0x11050]  }
0x1f7: {  	v32 =	vperm.xlane v22, v10;
	v31 =	vmul.f32 v62, v27;
	v23 =	vadd.f32 v61, v23  }
0x1f8: {  	v33 =	vld [tilespmem:s21+$0x11060]  }
0x1f9: {  	v35 =	vperm.xlane v22, v11;
	v34 =	vmul.f32 v32, v60;
	v23 =	vadd.f32 v31, v23  }
0x1fa: {  	v36 =	vld [tilespmem:s21+$0x11070]  }
0x1fb: {  	v38 =	vperm.xlane v22, v12;
	v37 =	vmul.f32 v35, v63;
	v23 =	vadd.f32 v34, v23  }
0x1fc: {  	v39 =	vld [tilespmem:s21+$0x11080]  }
0x1fd: {  	v41 =	vperm.xlane v22, v13;
	v40 =	vmul.f32 v38, v33;
	v23 =	vadd.f32 v37, v23  }
0x1fe: {  	v42 =	vld [tilespmem:s21+$0x11090]  }
0x1ff: {  	v44 =	vperm.xlane v22, v14;
	v43 =	vmul.f32 v41, v36;
	v23 =	vadd.f32 v40, v23  }
0x200: {  	v45 =	vld [tilespmem:s21+$0x110A0]  }
0x201: {  	v47 =	vperm.xlane v22, v15;
	v46 =	vmul.f32 v44, v39;
	v23 =	vadd.f32 v43, v23  }
0x202: {  	v48 =	vld [tilespmem:s21+$0x110B0]  }
0x203: {  	v50 =	vperm.xlane v22, v16;
	v49 =	vmul.f32 v47, v42;
	v23 =	vadd.f32 v46, v23  }
0x204: {  	v51 =	vld [tilespmem:s21+$0x110C0]  }
0x205: {  	v53 =	vperm.xlane v22, v17;
	v52 =	vmul.f32 v50, v45;
	v23 =	vadd.f32 v49, v23  }
0x206: {  	v54 =	vld [tilespmem:s21+$0x110D0]  }
0x207: {  	v55 =	vmul.f32 v53, v48;
	v56 =	vperm.xlane v22, v18;
	v23 =	vadd.f32 v52, v23  }
0x208: {  	v57 =	vld [tilespmem:s21+$0x110E0]  }
0x209: {  	v59 =	vperm.xlane v22, v19;
	v58 =	vmul.f32 v56, v51;
	v23 =	vadd.f32 v55, v23  }
0x20a: {  	v60 =	vld [tilespmem:s21+$0x110F0]  }
0x20b: {  	v62 =	vperm.xlane v22, v20;
	v61 =	vmul.f32 v59, v54;
	v23 =	vadd.f32 v58, v23;
	_ =	sdelay $0x1  }
0x20c: {  	s19 =	sadd.s32 $0x1, s19;
	v22 =	vperm.xlane v22, v21;
	v63 =	vmul.f32 v62, v57;
	v23 =	vadd.f32 v61, v23  }
0x20d: {  	p0 =	sne.s32 s19, $0x8  }
.Ltmp5:
0x20e: {  	v22 =	vmul.f32 v22, v60;
	v23 =	vadd.f32 v63, v23;
	(pc) =	sbr.rel @p0 .LBB2_10-.Ltmp5, $3  }
0x20f: {  	_ = 	snop  }
0x210: {  	v22 =	vadd.f32 v22, v23;
	_ =	sdelay $0x1  }
0x211: {  	s20 =	sadd.s32 $0x80, s20;
	[tilespmem:s22+$0x12000] =	vst v22  }
0x212: {  	_ =	swait.ge [sflag:s15], $0x8000  }
0x213: {  	[sflag:s15] =	ssyncset.done $0x0  }
0x214: {  	s19 =	simm.s32 $0x0;
	s20 =	simm.s32 $0x8400;
	[sflag:s15] =	ssyncadd.s32 $0xFFFF8000  }
.LBB2_14:
0x215: {  	s21 =	sshll.u32 s19, $0x8  }
0x216: {  	[tilespmem:s21+$0x11000] =	vst v1  }
0x217: {  	[tilespmem:s21+$0x11010] =	vst v1  }
0x218: {  	[tilespmem:s21+$0x11020] =	vst v1  }
0x219: {  	[tilespmem:s21+$0x11030] =	vst v1  }
0x21a: {  	[tilespmem:s21+$0x11040] =	vst v1  }
0x21b: {  	[tilespmem:s21+$0x11050] =	vst v1  }
0x21c: {  	[tilespmem:s21+$0x11060] =	vst v1  }
0x21d: {  	[tilespmem:s21+$0x11070] =	vst v1  }
0x21e: {  	[tilespmem:s21+$0x11080] =	vst v1  }
0x21f: {  	[tilespmem:s21+$0x11090] =	vst v1  }
0x220: {  	[tilespmem:s21+$0x110A0] =	vst v1  }
0x221: {  	[tilespmem:s21+$0x110B0] =	vst v1  }
0x222: {  	[tilespmem:s21+$0x110C0] =	vst v1  }
0x223: {  	[tilespmem:s21+$0x110D0] =	vst v1  }
0x224: {  	[tilespmem:s21+$0x110E0] =	vst v1  }
0x225: {  	[tilespmem:s21+$0x110F0] =	vst v1  }
0x226: {  	v22 =	vld [tilespmem:s20+$0x70]  }
0x227: {  	v23 =	vld [tilespmem:s20+$0x50]  }
0x228: {  	v24 =	vld [tilespmem:s20+$0x40]  }
0x229: {  	v25 =	vld [tilespmem:s20+$0xFFFFFC50]  }
0x22a: {  	v26 =	vld [tilespmem:s20+$0x0]  }
0x22b: {  	v27 =	vld [tilespmem:s20+$0xFFFFFC20]  }
0x22c: {  	v28 =	vld [tilespmem:s20+$0xFFFFFC40]  }
0x22d: {  	v29 =	vld [tilespmem:s20+$0x20]  }
0x22e: {  	v32 =	vld [tilespmem:s20+$0x30]  }
0x22f: {  	v36 =	vld [tilespmem:s20+$0xFFFFFC30]  }
0x230: {  	v51 =	vld [tilespmem:s20+$0xFFFFFC60];
	v30 =	vmul.f32 v2, v22;
	v31 =	vmul.f32 v2, v24  }
0x231: {  	v22 =	vmul.f32 v2, v25;
	v35 =	vmul.f32 v2, v27  }
0x232: {  	v37 =	vmul.f32 v2, v26;
	v28 =	vmul.f32 v2, v28  }
0x233: {  	v39 =	vmul.f32 v2, v23;
	v29 =	vmul.f32 v2, v29  }
0x234: {  	v32 =	vmul.f32 v2, v32;
	v52 =	vmul.f32 v2, v36  }
0x235: {  	v56 =	vmul.f32 v2, v51;
	v33 =	vperm.xlane v30, v3  }
0x236: {  	v24 =	vld [tilespmem:s20+$0x10];
	v34 =	vperm.xlane v31, v3;
	v25 =	vperm.xlane v22, v3  }
0x237: {  	v38 =	vld [tilespmem:s20+$0xFFFFFC00];
	v23 =	vperm.xlane v35, v3;
	v49 =	vperm.xlane v37, v3  }
0x238: {  	v26 =	vld [tilespmem:s20+$0xFFFFFC70];
	v41 =	vperm.xlane v32, v3;
	v55 =	vperm.xlane v52, v3  }
0x239: {  	v42 =	vperm.xlane v29, v3;
	v40 =	vadd.f32 v25, v22;
	v22 =	vor.u32 s21, v0  }
0x23a: {  	v27 =	vadd.f32 v34, v31;
	v31 =	vperm.xlane v28, v3;
	v23 =	vadd.f32 v23, v35  }
0x23b: {  	v25 =	vmul.f32 v2, v24;
	v24 =	vadd.f32 v33, v30;
	v30 =	vperm.xlane v40, v4  }
0x23c: {  	v54 =	vadd.f32 v41, v32;
	v59 =	vadd.f32 v42, v29;
	v29 =	vperm.xlane v56, v3  }
0x23d: {  	v50 =	vmul.f32 v2, v26;
	v26 =	vmul.f32 v2, v38;
	v30 =	vadd.f32 v30, v40  }
0x23e: {  	v33 =	vadd.f32 v49, v37;
	v28 =	vadd.f32 v31, v28;
	v31 =	vperm.xlane v39, v3  }
0x23f: {  	v37 =	vadd.f32 v55, v52;
	v41 =	vperm.xlane v54, v4;
	v30 =	vtrunc.f32 v30  }
0x240: {  	v62 =	vadd.f32 v29, v56;
	v43 =	vperm.xlane v59, v4;
	v30 =	vcvt.f32.s32 v30  }
0x241: {  	v36 =	vperm.xlane v27, v4;
	v58 =	vadd.f32 v31, v39;
	v31 =	vperm.xlane v28, v4  }
0x242: {  	v53 =	vperm.xlane v50, v3;
	v57 =	vadd.s32 v30, v22;
	v30 =	vadd.f32 v41, v54  }
0x243: {  	v60 =	vld [tilespmem:s20+$0xFFFFFC10];
	v44 =	vperm.xlane v62, v4;
	v31 =	vadd.f32 v31, v28;
	v28 =	vperm.xlane v37, v4  }
0x244: {  	v32 =	vadd.f32 v53, v50;
	v61 =	vperm.xlane v58, v4;
	v30 =	vtrunc.f32 v30  }
0x245: {  	v63 =	vadd.f32 v44, v62;
	v37 =	vadd.f32 v28, v37;
	v29 =	vcvt.f32.s32 v30  }
0x246: {  	v45 =	vperm.xlane v33, v4;
	v35 =	vperm.xlane v32, v4;
	v41 =	vadd.f32 v61, v58  }
0x247: {  	v38 =	vtrunc.f32 v63;
	v37 =	vtrunc.f32 v37;
	v34 =	vadd.s32 v29, v22  }
0x248: {  	v39 =	vadd.f32 v43, v59;
	v28 =	vld [tilespmem:s20+$0x60];
	v41 =	vtrunc.f32 v41;
	v30 =	vmul.f32 v2, v60  }
0x249: {  	s22 =	sshll.u32 s19, $0x7;
	s23 =	simm.s32 $0x0;
	s24 =	sadd.s32 $0x800, s20;
	v33 =	vadd.f32 v45, v33;
	v40 =	vcvt.f32.s32 v41;
	v29 =	vperm.xlane v23, v4;
	[tilespmem:v57+s14+$0x0] =	vst.idx.add.f32.msk $0xffff, v5  }
.LBB2_15:
0x24a: {  	v41 =	vld [tilespmem:s24+$0x70];
	s23 =	sadd.s32 $0x10, s23;
	v42 =	vperm.xlane v30, v3;
	v37 =	vcvt.f32.s32 v37;
	v27 =	vadd.f32 v36, v27  }
0x24b: {  	v38 =	vcvt.f32.s32 v38;
	v36 =	vld [tilespmem:s24+$0x50];
	p0 =	slt.u32 s23, $0xF0;
	v39 =	vtrunc.f32 v39;
	v40 =	vadd.s32 v40, v22  }
0x24c: {  	v43 =	vperm.xlane v26, v3;
	v32 =	vadd.f32 v35, v32;
	[tilespmem:v34+s14+$0x0] =	vst.idx.add.f32.msk $0xffff, v5;
	v27 =	vtrunc.f32 v27  }
0x24d: {  	v35 =	vadd.s32 v38, v22;
	v38 =	vcvt.f32.s32 v39;
	v34 =	vld [tilespmem:s24+$0x30];
	v27 =	vcvt.f32.s32 v27  }
0x24e: {  	v28 =	vmul.f32 v2, v28;
	v42 =	vadd.f32 v42, v30;
	v30 =	vperm.xlane v25, v3;
	v39 =	vld [tilespmem:s24+$0xFFFFFC50]  }
0x24f: {  	v37 =	vadd.s32 v37, v22;
	v44 =	vld [tilespmem:s24+$0x40];
	v45 =	vadd.s32 v27, v22;
	v27 =	vperm.xlane v24, v4  }
0x250: {  	v31 =	vtrunc.f32 v31;
	v46 =	vperm.xlane v28, v3;
	v25 =	vadd.f32 v30, v25  }
0x251: {  	v31 =	vcvt.f32.s32 v31;
	v47 =	vperm.xlane v42, v4;
	v30 =	vld [tilespmem:s24+$0xFFFFFC10];
	v24 =	vadd.f32 v27, v24  }
0x252: {  	v26 =	vadd.f32 v43, v26;
	v46 =	vadd.f32 v46, v28;
	v43 =	vperm.xlane v25, v4;
	v27 =	vld [tilespmem:s24+$0x0]  }
0x253: {  	v28 =	vtrunc.f32 v32;
	v42 =	vadd.f32 v47, v42;
	v48 =	vld [tilespmem:s24+$0xFFFFFC20];
	v24 =	vtrunc.f32 v24  }
0x254: {  	v32 =	vtrunc.f32 v33;
	v28 =	vcvt.f32.s32 v28;
	v25 =	vadd.f32 v43, v25;
	[tilespmem:v35+s14+$0x0] =	vst.idx.add.f32.msk $0xffff, v5  }
0x255: {  	v31 =	vadd.s32 v31, v22;
	v35 =	vmul.f32 v2, v41;
	v41 =	vperm.xlane v26, v4;
	v33 =	vld [tilespmem:s24+$0x20]  }
0x256: {  	v49 =	vperm.xlane v46, v4;
	v47 =	vadd.s32 v28, v22;
	v44 =	vmul.f32 v2, v44;
	v43 =	vld [tilespmem:s24+$0xFFFFFC40]  }
0x257: {  	v50 =	vperm.xlane v35, v3;
	v26 =	vadd.f32 v41, v26;
	[tilespmem:v37+s14+$0x0] =	vst.idx.add.f32.msk $0xffff, v5;
	v37 =	vcvt.f32.s32 v24  }
0x258: {  	v42 =	vtrunc.f32 v42;
	v46 =	vadd.f32 v49, v46;
	v41 =	vperm.xlane v44, v3;
	v28 =	vld [tilespmem:s24+$0x60]  }
0x259: {  	v49 =	vmul.f32 v2, v27;
	v48 =	vmul.f32 v2, v48;
	v24 =	vadd.f32 v50, v35;
	v51 =	vld [tilespmem:s24+$0x10]  }
0x25a: {  	v39 =	vmul.f32 v2, v39;
	v27 =	vadd.f32 v41, v44;
	v41 =	vcvt.f32.s32 v42;
	v35 =	vld [tilespmem:s24+$0xFFFFFC30]  }
0x25b: {  	v23 =	vadd.f32 v29, v23;
	v36 =	vmul.f32 v2, v36;
	v42 =	vld [tilespmem:s24+$0xFFFFFC00];
	v43 =	vmul.f32 v2, v43  }
0x25c: {  	v32 =	vcvt.f32.s32 v32;
	v29 =	vperm.xlane v39, v3;
	v41 =	vadd.s32 v41, v22;
	v44 =	vld [tilespmem:s24+$0xFFFFFC70]  }
0x25d: {  	v37 =	vadd.s32 v37, v22;
	v50 =	vperm.xlane v48, v3;
	[tilespmem:v31+s14+$0x0] =	vst.idx.add.f32.msk $0xffff, v5;
	v31 =	vtrunc.f32 v25  }
0x25e: {  	v29 =	vadd.f32 v29, v39;
	v39 =	vtrunc.f32 v23;
	v33 =	vmul.f32 v2, v33;
	[tilespmem:v40+s14+$0x0] =	vst.idx.add.f32.msk $0xffff, v5  }
0x25f: {  	v23 =	vadd.f32 v50, v48;
	v25 =	vmul.f32 v2, v51;
	v31 =	vcvt.f32.s32 v31;
	[tilespmem:v47+s14+$0x0] =	vst.idx.add.f32.msk $0xffff, v5  }
0x260: {  	v32 =	vadd.s32 v32, v22;
	v40 =	vperm.xlane v43, v3;
	v47 =	vperm.xlane v49, v3  }
0x261: {  	v38 =	vadd.s32 v38, v22;
	v26 =	vtrunc.f32 v26;
	v48 =	vperm.xlane v29, v4;
	[tilespmem:v41+s14+$0x0] =	vst.idx.add.f32.msk $0xffff, v5  }
0x262: {  	v35 =	vmul.f32 v2, v35;
	v31 =	vadd.s32 v31, v22;
	v41 =	vcvt.f32.s32 v26;
	[tilespmem:v37+s14+$0x0] =	vst.idx.add.f32.msk $0xffff, v5  }
0x263: {  	v29 =	vadd.f32 v48, v29;
	v26 =	vmul.f32 v2, v42;
	v37 =	vmul.f32 v2, v44  }
0x264: {  	v34 =	vmul.f32 v2, v34;
	v42 =	vtrunc.f32 v46;
	v41 =	vadd.s32 v41, v22;
	[tilespmem:v45+s14+$0x0] =	vst.idx.add.f32.msk $0xffff, v5  }
0x265: {  	v29 =	vtrunc.f32 v29;
	v44 =	vperm.xlane v37, v3;
	v45 =	vadd.f32 v47, v49;
	[tilespmem:v32+s14+$0x0] =	vst.idx.add.f32.msk $0xffff, v5  }
0x266: {  	v39 =	vcvt.f32.s32 v39;
	v32 =	vperm.xlane v34, v3;
	v46 =	vld [tilespmem:s24+$0xFFFFFC60]  }
0x267: {  	v40 =	vadd.f32 v40, v43;
	v29 =	vcvt.f32.s32 v29;
	v47 =	vperm.xlane v35, v3;
	[tilespmem:v38+s14+$0x0] =	vst.idx.add.f32.msk $0xffff, v5  }
0x268: {  	v42 =	vcvt.f32.s32 v42;
	v34 =	vadd.f32 v32, v34;
	v38 =	vperm.xlane v36, v3  }
0x269: {  	v39 =	vadd.s32 v39, v22;
	v43 =	vperm.xlane v33, v3;
	v29 =	vadd.s32 v29, v22  }
0x26a: {  	v42 =	vadd.s32 v42, v22;
	v32 =	vadd.f32 v44, v37;
	v37 =	vperm.xlane v34, v4  }
0x26b: {  	v43 =	vadd.f32 v43, v33;
	v44 =	vperm.xlane v40, v4;
	v46 =	vmul.f32 v2, v46  }
0x26c: {  	v36 =	vadd.f32 v38, v36;
	v33 =	vadd.f32 v37, v34;
	[tilespmem:v41+s14+$0x0] =	vst.idx.add.f32.msk $0xffff, v5  }
0x26d: {  	v37 =	vadd.f32 v47, v35;
	v34 =	vperm.xlane v46, v3;
	[tilespmem:v31+s14+$0x0] =	vst.idx.add.f32.msk $0xffff, v5  }
0x26e: {  	v38 =	vperm.xlane v36, v4;
	v31 =	vadd.f32 v44, v40;
	v33 =	vtrunc.f32 v33;
	[tilespmem:v39+s14+$0x0] =	vst.idx.add.f32.msk $0xffff, v5  }
0x26f: {  	v40 =	vperm.xlane v43, v4;
	v33 =	vcvt.f32.s32 v33;
	v39 =	vadd.f32 v34, v46;
	[tilespmem:v42+s14+$0x0] =	vst.idx.add.f32.msk $0xffff, v5  }
0x270: {  	v35 =	vperm.xlane v32, v4;
	v41 =	vperm.xlane v37, v4;
	[tilespmem:v29+s14+$0x0] =	vst.idx.add.f32.msk $0xffff, v5  }
.Ltmp6:
0x271: {  	v44 =	vperm.xlane v45, v4;
	v34 =	vadd.s32 v33, v22;
	v42 =	vperm.xlane v39, v4;
	(pc) =	sbr.rel @p0 .LBB2_15-.Ltmp6, $4  }
0x272: {  	v38 =	vadd.f32 v38, v36;
	v29 =	vperm.xlane v23, v4;
	v33 =	vadd.f32 v41, v37  }
0x273: {  	v30 =	vmul.f32 v2, v30;
	v36 =	vperm.xlane v27, v4;
	v39 =	vadd.f32 v42, v39  }
0x274: {  	v41 =	vtrunc.f32 v38;
	v37 =	vtrunc.f32 v33;
	v33 =	vadd.f32 v44, v45  }
0x275: {  	s24 =	sadd.s32 $0x800, s24;
	v38 =	vtrunc.f32 v39;
	v39 =	vadd.f32 v40, v43;
	v40 =	vcvt.f32.s32 v41  }
0x276: {  	v41 =	vperm.xlane v30, v3  }
0x277: {  	v37 =	vcvt.f32.s32 v37;
	v60 =	vcvt.f32.s32 v38  }
0x278: {  	v63 =	vperm.xlane v26, v3;
	v46 =	vperm.xlane v25, v3  }
0x279: {  	v27 =	vadd.f32 v36, v27;
	v28 =	vmul.f32 v2, v28;
	v47 =	vperm.xlane v24, v4  }
0x27a: {  	v32 =	vadd.f32 v35, v32;
	v31 =	vtrunc.f32 v31;
	v33 =	vtrunc.f32 v33  }
0x27b: {  	v23 =	vadd.f32 v29, v23;
	v61 =	vtrunc.f32 v39;
	v31 =	vcvt.f32.s32 v31  }
0x27c: {  	v62 =	vadd.s32 v40, v22;
	v33 =	vcvt.f32.s32 v33;
	v27 =	vtrunc.f32 v27  }
0x27d: {  	v44 =	vadd.s32 v60, v22;
	v45 =	vcvt.f32.s32 v61;
	v30 =	vadd.f32 v41, v30  }
0x27e: {  	v37 =	vadd.s32 v37, v22;
	v25 =	vadd.f32 v46, v25;
	v49 =	vperm.xlane v28, v3  }
0x27f: {  	v24 =	vadd.f32 v47, v24;
	v32 =	vtrunc.f32 v32;
	v23 =	vtrunc.f32 v23  }
0x280: {  	v26 =	vadd.f32 v63, v26;
	v27 =	vcvt.f32.s32 v27;
	v32 =	vcvt.f32.s32 v32  }
0x281: {  	[tilespmem:v34+s14+$0x0] =	vst.idx.add.f32.msk $0xffff, v5;
	v31 =	vadd.s32 v31, v22;
	v53 =	vadd.s32 v33, v22;
	v23 =	vcvt.f32.s32 v23  }
0x282: {  	v48 =	vperm.xlane v30, v4;
	v50 =	vperm.xlane v25, v4;
	v28 =	vadd.f32 v49, v28  }
0x283: {  	v51 =	vperm.xlane v26, v4;
	v54 =	vadd.s32 v45, v22;
	v27 =	vadd.s32 v27, v22  }
0x284: {  	v24 =	vtrunc.f32 v24;
	v32 =	vadd.s32 v32, v22;
	v30 =	vadd.f32 v48, v30;
	[tilespmem:v62+s14+$0x0] =	vst.idx.add.f32.msk $0xffff, v5  }
0x285: {  	v24 =	vcvt.f32.s32 v24;
	v52 =	vperm.xlane v28, v4;
	v26 =	vadd.f32 v51, v26;
	[tilespmem:v44+s14+$0x0] =	vst.idx.add.f32.msk $0xffff, v5  }
0x286: {  	v23 =	vadd.s32 v23, v22;
	v25 =	vadd.f32 v50, v25;
	[tilespmem:v37+s14+$0x0] =	vst.idx.add.f32.msk $0xffff, v5;
	v30 =	vtrunc.f32 v30  }
0x287: {  	v28 =	vadd.f32 v52, v28;
	[tilespmem:v31+s14+$0x0] =	vst.idx.add.f32.msk $0xffff, v5;
	v26 =	vtrunc.f32 v26;
	v30 =	vcvt.f32.s32 v30  }
0x288: {  	v24 =	vadd.s32 v24, v22;
	v25 =	vtrunc.f32 v25;
	[tilespmem:v53+s14+$0x0] =	vst.idx.add.f32.msk $0xffff, v5;
	v26 =	vcvt.f32.s32 v26  }
0x289: {  	v25 =	vcvt.f32.s32 v25;
	[tilespmem:v54+s14+$0x0] =	vst.idx.add.f32.msk $0xffff, v5;
	v28 =	vtrunc.f32 v28;
	v30 =	vadd.s32 v30, v22  }
0x28a: {  	[tilespmem:v32+s14+$0x0] =	vst.idx.add.f32.msk $0xffff, v5;
	v26 =	vadd.s32 v26, v22;
	v55 =	vcvt.f32.s32 v28  }
0x28b: {  	[tilespmem:v27+s14+$0x0] =	vst.idx.add.f32.msk $0xffff, v5;
	v25 =	vadd.s32 v25, v22  }
0x28c: {  	[tilespmem:v23+s14+$0x0] =	vst.idx.add.f32.msk $0xffff, v5;
	v22 =	vadd.s32 v55, v22  }
0x28d: {  	[tilespmem:v24+s14+$0x0] =	vst.idx.add.f32.msk $0xffff, v5  }
0x28e: {  	[tilespmem:v30+s14+$0x0] =	vst.idx.add.f32.msk $0xffff, v5  }
0x28f: {  	[tilespmem:v26+s14+$0x0] =	vst.idx.add.f32.msk $0xffff, v5  }
0x290: {  	[tilespmem:v25+s14+$0x0] =	vst.idx.add.f32.msk $0xffff, v5  }
0x291: {  	[tilespmem:v22+s14+$0x0] =	vst.idx.add.f32.msk $0xffff, v5  }
0x292: {  	v22 =	vld [tilespmem:s22+$0x10C00];
	_ =	sdelay $0x1  }
0x293: {  	v23 =	vld [tilespmem:s21+$0x11000];
	_ =	sdelay $0x1  }
0x294: {  	v56 =	vld [tilespmem:s21+$0x11010]  }
0x295: {  	v57 =	vperm.xlane v22, v6  }
0x296: {  	v26 =	vld [tilespmem:s21+$0x11020]  }
0x297: {  	v58 =	vperm.xlane v22, v7;
	v23 =	vmul.f32 v57, v23  }
0x298: {  	v27 =	vld [tilespmem:s21+$0x11030]  }
0x299: {  	v59 =	vperm.xlane v22, v8;
	v24 =	vmul.f32 v58, v56;
	v23 =	vadd.f32 $0.0e+00, v23  }
0x29a: {  	v60 =	vld [tilespmem:s21+$0x11040]  }
0x29b: {  	v62 =	vperm.xlane v22, v9;
	v61 =	vmul.f32 v59, v26;
	v23 =	vadd.f32 v24, v23  }
0x29c: {  	v63 =	vld [tilespmem:s21+$0x11050]  }
0x29d: {  	v32 =	vperm.xlane v22, v10;
	v31 =	vmul.f32 v62, v27;
	v23 =	vadd.f32 v61, v23  }
0x29e: {  	v33 =	vld [tilespmem:s21+$0x11060]  }
0x29f: {  	v35 =	vperm.xlane v22, v11;
	v34 =	vmul.f32 v32, v60;
	v23 =	vadd.f32 v31, v23  }
0x2a0: {  	v36 =	vld [tilespmem:s21+$0x11070]  }
0x2a1: {  	v38 =	vperm.xlane v22, v12;
	v37 =	vmul.f32 v35, v63;
	v23 =	vadd.f32 v34, v23  }
0x2a2: {  	v39 =	vld [tilespmem:s21+$0x11080]  }
0x2a3: {  	v41 =	vperm.xlane v22, v13;
	v40 =	vmul.f32 v38, v33;
	v23 =	vadd.f32 v37, v23  }
0x2a4: {  	v42 =	vld [tilespmem:s21+$0x11090]  }
0x2a5: {  	v44 =	vperm.xlane v22, v14;
	v43 =	vmul.f32 v41, v36;
	v23 =	vadd.f32 v40, v23  }
0x2a6: {  	v45 =	vld [tilespmem:s21+$0x110A0]  }
0x2a7: {  	v47 =	vperm.xlane v22, v15;
	v46 =	vmul.f32 v44, v39;
	v23 =	vadd.f32 v43, v23  }
0x2a8: {  	v48 =	vld [tilespmem:s21+$0x110B0]  }
0x2a9: {  	v50 =	vperm.xlane v22, v16;
	v49 =	vmul.f32 v47, v42;
	v23 =	vadd.f32 v46, v23  }
0x2aa: {  	v51 =	vld [tilespmem:s21+$0x110C0]  }
0x2ab: {  	v53 =	vperm.xlane v22, v17;
	v52 =	vmul.f32 v50, v45;
	v23 =	vadd.f32 v49, v23  }
0x2ac: {  	v54 =	vld [tilespmem:s21+$0x110D0]  }
0x2ad: {  	v55 =	vmul.f32 v53, v48;
	v56 =	vperm.xlane v22, v18;
	v23 =	vadd.f32 v52, v23  }
0x2ae: {  	v57 =	vld [tilespmem:s21+$0x110E0]  }
0x2af: {  	v59 =	vperm.xlane v22, v19;
	v58 =	vmul.f32 v56, v51;
	v23 =	vadd.f32 v55, v23  }
0x2b0: {  	v60 =	vld [tilespmem:s21+$0x110F0]  }
0x2b1: {  	v62 =	vperm.xlane v22, v20;
	v61 =	vmul.f32 v59, v54;
	v23 =	vadd.f32 v58, v23;
	_ =	sdelay $0x1  }
0x2b2: {  	s19 =	sadd.s32 $0x1, s19;
	v22 =	vperm.xlane v22, v21;
	v63 =	vmul.f32 v62, v57;
	v23 =	vadd.f32 v61, v23  }
0x2b3: {  	p0 =	sne.s32 s19, $0x8  }
.Ltmp7:
0x2b4: {  	v22 =	vmul.f32 v22, v60;
	v23 =	vadd.f32 v63, v23;
	(pc) =	sbr.rel @p0 .LBB2_14-.Ltmp7, $3  }
0x2b5: {  	_ = 	snop  }
0x2b6: {  	v22 =	vadd.f32 v22, v23;
	_ =	sdelay $0x1  }
0x2b7: {  	s20 =	sadd.s32 $0x80, s20;
	[tilespmem:s22+$0x12400] =	vst v22  }
0x2b8: {  	v22 =	vmul.u32 $0x80, v0;
	_ =	sdelay $0x2  }
0x2b9: {  	v23 =	vor.u32 $0x4, v22;
	_ =	sdelay $0x1  }
0x2ba: {  	v24 =	vor.u32 $0x8, v22  }
0x2bb: {  	v25 =	vld.idx.msk [tilespmem:v22+s16+$0x0], $0xffff  }
0x2bc: {  	v26 =	vor.u32 $0xC, v22  }
0x2bd: {  	v23 =	vld.idx.msk [tilespmem:v23+s16+$0x0], $0xffff;
	_ =	sdelay $0x1  }
0x2be: {  	v24 =	vld.idx.msk [tilespmem:v24+s16+$0x0], $0xffff  }
0x2bf: {  	v25 =	vadd.f32 $0.0e+00, v25  }
0x2c0: {  	v26 =	vld.idx.msk [tilespmem:v26+s16+$0x0], $0xffff  }
0x2c1: {  	v23 =	vadd.f32 v23, v25;
	_ =	sdelay $0x1  }
0x2c2: {  	v62 =	vor.u32 $0x800, v22;
	v23 =	vadd.f32 v24, v23;
	_ =	sdelay $0x1  }
0x2c3: {  	v63 =	vor.u32 $0x804, v22;
	v23 =	vadd.f32 v26, v23;
	_ =	sdelay $0x1  }
0x2c4: {  	[tilespmem:$0x12800] =	vst v23;
	v23 =	vor.u32 $0x808, v22  }
0x2c5: {  	v24 =	vld.idx.msk [tilespmem:v62+s16+$0x0], $0xffff  }
0x2c6: {  	v22 =	vor.u32 $0x80C, v22  }
0x2c7: {  	v25 =	vld.idx.msk [tilespmem:v63+s16+$0x0], $0xffff;
	_ =	sdelay $0x1  }
0x2c8: {  	v23 =	vld.idx.msk [tilespmem:v23+s16+$0x0], $0xffff  }
0x2c9: {  	v24 =	vadd.f32 $0.0e+00, v24  }
0x2ca: {  	v22 =	vld.idx.msk [tilespmem:v22+s16+$0x0], $0xffff  }
0x2cb: {  	v24 =	vadd.f32 v25, v24;
	_ =	sdelay $0x1  }
0x2cc: {  	v23 =	vadd.f32 v23, v24;
	_ =	sdelay $0x1  }
0x2cd: {  	s18 =	sadd.s32 $0x1, s18;
	v22 =	vadd.f32 v22, v23  }
0x2ce: {  	p0 =	sne.s32 s18, s9  }
.Ltmp8:
0x2cf: {  	[tilespmem:$0x12810] =	vst v22;
	(pc) =	sbr.rel @p0 .LBB2_1-.Ltmp8, $4  }
0x2d0: {  	[hbm4b:s8+s2] =	stream.linear.scatter [tilespmem:s17], [sflag:$0x3], $0x20, $0x38;
	[tilespmem:$0x12880] =	vst v63  }
0x2d1: {  	_ =	swait.ge [sflag:s11], $0x20  }
0x2d2: {  	[sflag:s11] =	ssyncset.done $0x0  }
0x2d3: {  	[sflag:s11] =	ssyncadd.s32 $0xFFFFFFE0  }
0x2d4: {  	_ =	sfence.sel $0x180000  }
0x2d5: {  	[bflag:$0x0] =	sbarrier.arrive $0xFFFF  }
0x2d6: {  	p0 =	sne.s32 s1, $0x0;
	_ =	strace $0x90000047  }
0x2d7: {  	s0 =	sadd.s32 @!p0 $0x100000, s0;
	[bflag:$0x2] =	sbarrier.arrive $0xFFFF  }
0x2d8: {  	[sflag:s0] =	ssyncadd.tile.s32 @!p0 $0x1;
	_ =	shalt  }
.Lfunc_end2:
_tile_overlayer_lowered:
.L_overlay_start_2:
0x2d9: {  	(tag) =	ssettag $0x2  }
0x2da: {  	s0 =	rddreg [dreg:$0x0];
	s2 =	stileid.u32  }
0x2db: {  	s1 =	rddreg [dreg:$0x1];
	p0 =	sne.s32 s2, $0x0  }
0x2dc: {  	s3 =	rddreg [dreg:$0x2];
	[bflag:$0x3] =	sbarrier.arrive $0xFFFF;
	s2 =	simm.s32 @!p0 $0x1C03  }
0x2dd: {  	[timem:s3], [sflag:s2] =	dma.local @!p0 [hbm:s0], s1  }
0x2de: {  	s0 =	simm.s32 @!p0 $0x3  }
0x2df: {  	_ =	swait.ge @!p0 [sflag:s0], s1  }
0x2e0: {  	s1 =	ssub.s32 @!p0 $0x0, s1;
	[sflag:s0] =	ssyncset.done @!p0 $0x0  }
0x2e1: {  	[sflag:s0] =	ssyncadd.s32 @!p0 s1  }
0x2e2: {  	[bflag:$0x3] =	sbarrier.arrive $0xFFFF  }
0x2e3: {  	_ =	shalt  }

</sc_bundles>
